<compile_context>
chip_gen: v7x
topology: tpu7x:2x2x1
jax: 0.10.2.dev20260603
libtpu: 0.0.44.dev20260713+nightly
codegen_flags: <defaults>
</compile_context>

<pallas_src>
import functools

import jax
import jax.numpy as jnp
from jax import lax
from jax.experimental import pallas as pl
from jax.experimental.pallas import tpu as pltpu
from jax.experimental.pallas import tpu_sc as plsc

F32 = jnp.float32

NP = 100352
E_TOT = 3200000
EPT = E_TOT // 32
GSZ = 512
N_CHUNKS = EPT // GSZ
TAIL = EPT - N_CHUNKS * GSZ
SLICE = NP // 16

_mesh = plsc.VectorSubcoreMesh(core_axis_name="c", subcore_axis_name="s")
_sc_params = pltpu.CompilerParams(use_tc_tiling_on_sc=False)



@functools.partial(
    pl.kernel,
    mesh=_mesh,
    out_type=jax.ShapeDtypeStruct((2, NP), F32),
    compiler_params=_sc_params,
    scratch_types=[
        pltpu.VMEM((4 * GSZ,), jnp.int32),
        pltpu.VMEM((GSZ,), F32),
        pltpu.VMEM_SHARED((NP,), F32),
        pltpu.SemaphoreType.DMA,
        pltpu.SemaphoreType.DMA,
    ],
)
def _deg_pass(ei, zeros1, out, cidx, ones_v, acc, ssem, isem):
    c = lax.axis_index("c")
    s = lax.axis_index("s")
    wid = c * 16 + s
    pltpu.sync_copy(zeros1.at[pl.ds(s * SLICE, SLICE)],
                    acc.at[pl.ds(s * SLICE, SLICE)])

    def fill_ones(j, carry):
        ones_v[pl.ds(j * 16, 16)] = jnp.ones((16,), F32)
        return carry

    lax.fori_loop(0, GSZ // 16, fill_ones, 0)
    plsc.subcore_barrier()

    base_e = wid * EPT
    last = N_CHUNKS - 1

    def il_desc(t):
        q = t & 3
        return pltpu.make_async_copy(
            ei.at[1, pl.ds(base_e + t * GSZ, GSZ)],
            cidx.at[pl.ds(q * GSZ, GSZ)], isem)

    def s_descs(t):
        q = t & 3
        return [pltpu.make_async_copy(ones_v,
                                      acc.at[cidx.at[pl.ds(q * GSZ, GSZ)]],
                                      ssem)]

    def s_fire(t):
        for d in s_descs(t):
            d.start(add=True)

    for t in range(4):
        il_desc(t).start()
    for t in range(3):
        il_desc(t).wait()
        s_fire(t)

    def body(t, carry):
        for d in s_descs(t - 3):
            d.wait()
        il_desc(t).wait()
        il_desc(jnp.minimum(t + 1, last)).start()
        s_fire(t)
        return carry

    lax.fori_loop(3, N_CHUNKS, body, 0)
    for t in (N_CHUNKS - 3, N_CHUNKS - 2, N_CHUNKS - 1):
        for d in s_descs(t):
            d.wait()
    il_desc(last).wait()

    pltpu.sync_copy(ei.at[1, pl.ds(base_e + N_CHUNKS * GSZ, TAIL)],
                    cidx.at[pl.ds(0, TAIL)])
    tdesc = pltpu.make_async_copy(ones_v.at[pl.ds(0, TAIL)],
                                  acc.at[cidx.at[pl.ds(0, TAIL)]], ssem)
    tdesc.start(add=True)
    tdesc.wait()

    plsc.subcore_barrier()
    pltpu.sync_copy(acc.at[pl.ds(s * SLICE, SLICE)],
                    out.at[c, pl.ds(s * SLICE, SLICE)])


@functools.partial(
    pl.kernel,
    mesh=_mesh,
    out_type=jax.ShapeDtypeStruct((2, NP, 16), F32),
    compiler_params=_sc_params,
    scratch_types=[
        pltpu.VMEM((4 * GSZ,), jnp.int32),
        pltpu.VMEM((4 * GSZ,), jnp.int32),
        pltpu.VMEM((2 * GSZ, 16), F32),
        pltpu.VMEM_SHARED((NP, 16), F32),
        pltpu.SemaphoreType.DMA,
        pltpu.SemaphoreType.DMA,
        pltpu.SemaphoreType.DMA,
    ],
)
def _edge_pass(g2d, ei, zeros2, out, ridx, cidx, rows_v, acc,
               gsem, ssem, isem):
    c = lax.axis_index("c")
    s = lax.axis_index("s")
    wid = c * 16 + s
    pltpu.sync_copy(zeros2.at[pl.ds(s * SLICE, SLICE)],
                    acc.at[pl.ds(s * SLICE, SLICE)])
    plsc.subcore_barrier()

    base_e = wid * EPT
    last = N_CHUNKS - 1

    def il_descs(t):
        q = t & 3
        return [pltpu.make_async_copy(
                    ei.at[0, pl.ds(base_e + t * GSZ, GSZ)],
                    ridx.at[pl.ds(q * GSZ, GSZ)], isem),
                pltpu.make_async_copy(
                    ei.at[1, pl.ds(base_e + t * GSZ, GSZ)],
                    cidx.at[pl.ds(q * GSZ, GSZ)], isem)]

    def g_descs(t):
        q = t & 3
        p = t & 1
        return [pltpu.make_async_copy(
                    g2d.at[ridx.at[pl.ds(q * GSZ, GSZ)]],
                    rows_v.at[pl.ds(p * GSZ, GSZ)], gsem)]

    def s_descs(t):
        q = t & 3
        p = t & 1
        return [pltpu.make_async_copy(
                    rows_v.at[pl.ds(p * GSZ, GSZ)],
                    acc.at[cidx.at[pl.ds(q * GSZ, GSZ)]], ssem)]

    def fire(descs, add=False):
        for d in descs:
            d.start(add=add)

    def drain(descs):
        for d in descs:
            d.wait()

    fire(il_descs(0))
    fire(il_descs(1))
    fire(il_descs(2))
    drain(il_descs(0))
    fire(g_descs(0))
    drain(il_descs(1))
    fire(g_descs(1))
    drain(g_descs(0))
    fire(s_descs(0), add=True)

    def body(t, carry):
        drain(g_descs(t))
        drain(s_descs(t - 1))
        drain(il_descs(t + 1))
        fire(il_descs(jnp.minimum(t + 2, last)))
        fire(g_descs(t + 1))
        fire(s_descs(t), add=True)
        return carry

    lax.fori_loop(1, N_CHUNKS - 1, body, 0)

    drain(g_descs(last))
    drain(s_descs(last - 1))
    fire(s_descs(last), add=True)
    drain(s_descs(last))
    drain(il_descs(last))

    toff = base_e + N_CHUNKS * GSZ
    pltpu.sync_copy(ei.at[0, pl.ds(toff, TAIL)], ridx.at[pl.ds(0, TAIL)])
    pltpu.sync_copy(ei.at[1, pl.ds(toff, TAIL)], cidx.at[pl.ds(0, TAIL)])
    pltpu.async_copy(g2d.at[ridx.at[pl.ds(0, TAIL)]],
                     rows_v.at[pl.ds(0, TAIL)], gsem).wait()
    tdesc = pltpu.make_async_copy(rows_v.at[pl.ds(0, TAIL)],
                                  acc.at[cidx.at[pl.ds(0, TAIL)]], ssem)
    tdesc.start(add=True)
    tdesc.wait()

    plsc.subcore_barrier()
    pltpu.sync_copy(acc.at[pl.ds(s * SLICE, SLICE)],
                    out.at[c, pl.ds(s * SLICE, SLICE)])



_SELU_SCALE = 1.0507009873554805
_SELU_ALPHA = 1.6732632423543772


def _selu(x):
    return _SELU_SCALE * jnp.where(x > 0, x, _SELU_ALPHA * (jnp.exp(x) - 1.0))


NP8 = NP // 8
BR = NP8 // 8


def _dis128(degp, sel):
    deg8 = degp[0] + degp[1] + 1.0
    return jnp.dot(lax.rsqrt(deg8), sel[...], preferred_element_type=F32)


def _k0a_body(xr, w1, b1, wc1, hw1_o):
    h0 = jnp.dot(xr[...], w1[...], preferred_element_type=F32) + b1[...]
    hw1_o[...] = jnp.dot(h0, wc1[...], preferred_element_type=F32)


def _k0b_body(degp, sel, hw1, g1_o):
    g1_o[...] = _dis128(degp, sel) * hw1[...]


def _k1_body(degp, sel, raw, hw1, bc1, wc2, hw2_o, g2_o):
    d = _dis128(degp, sel)
    out1 = d * (raw[0] + raw[1]) + d * d * hw1[...] + bc1[...]
    h1 = _selu(out1)
    hw2 = jnp.dot(h1, wc2[...], preferred_element_type=F32)
    hw2_o[...] = hw2
    g2_o[...] = d * hw2


def _k2_body(degp, sel, raw, hw2, bc2, w2, b2, pswap, out_o):
    d = _dis128(degp, sel)
    out2 = d * (raw[0] + raw[1]) + d * d * hw2[...] + bc2[...]
    h2 = _selu(out2)
    z = jnp.dot(h2, w2[...], preferred_element_type=F32) + b2[...]
    zs = jnp.dot(z, pswap[...], preferred_element_type=F32)
    m = jnp.maximum(z, zs)
    lse = m + jnp.log(jnp.exp(z - m) + jnp.exp(zs - m))
    out_o[...] = z - lse


def _full(shape):
    return pl.BlockSpec(shape, lambda i: (0,) * len(shape))


def _rows(f):
    return pl.BlockSpec((BR, f), lambda i: (i, 0))


_DEGSPEC = pl.BlockSpec((2, BR, 8), lambda i: (0, i, 0))

_k0a = pl.pallas_call(
    _k0a_body,
    grid=(8,),
    in_specs=[_rows(40), _full((40, 128)), _full((1, 128)),
              _full((128, 128))],
    out_specs=_rows(128),
    out_shape=jax.ShapeDtypeStruct((NP8, 128), F32),
)

_k0b = pl.pallas_call(
    _k0b_body,
    grid=(8,),
    in_specs=[_DEGSPEC, _full((8, 128)), _rows(128)],
    out_specs=_rows(128),
    out_shape=jax.ShapeDtypeStruct((NP8, 128), F32),
)

_k1 = pl.pallas_call(
    _k1_body,
    grid=(8,),
    in_specs=[_DEGSPEC, _full((8, 128)),
              pl.BlockSpec((2, BR, 128), lambda i: (0, i, 0)),
              _rows(128), _full((1, 128)), _full((128, 128))],
    out_specs=[_rows(128), _rows(128)],
    out_shape=[jax.ShapeDtypeStruct((NP8, 128), F32)] * 2,
)

_k2 = pl.pallas_call(
    _k2_body,
    grid=(8,),
    in_specs=[_DEGSPEC, _full((8, 128)),
              pl.BlockSpec((2, BR, 128), lambda i: (0, i, 0)),
              _rows(128), _full((1, 128)), _full((128, 16)),
              _full((1, 16)), _full((16, 16))],
    out_specs=_rows(16),
    out_shape=jax.ShapeDtypeStruct((NP8, 16), F32),
)


def kernel(x, edge_index, W1, b1, Wc1, bc1, Wc2, bc2, W2, b2):
    n = x.shape[0]
    assert n <= NP and edge_index.shape[1] == E_TOT
    xp = jnp.zeros((NP, x.shape[1]), F32).at[:n].set(x)
    x8 = xp.reshape(NP8, 40)
    zeros1 = jnp.zeros((NP,), F32)
    zeros2 = jnp.zeros((NP, 16), F32)

    eye8 = jnp.eye(8, dtype=F32)
    sel = jnp.kron(eye8, jnp.ones((1, 16), F32))
    w1b = jnp.kron(eye8, W1)
    wc1b = jnp.kron(eye8, Wc1)
    wc2b = jnp.kron(eye8, Wc2)
    w2b = jnp.kron(eye8, W2)
    pswap = jnp.kron(eye8, jnp.array([[0., 1.], [1., 0.]], F32))
    b1t = jnp.tile(b1, 8).reshape(1, 128)
    bc1t = jnp.tile(bc1, 8).reshape(1, 128)
    bc2t = jnp.tile(bc2, 8).reshape(1, 128)
    b2t = jnp.tile(b2, 8).reshape(1, 16)

    hw1 = _k0a(x8, w1b, b1t, wc1b)
    deg_p = _deg_pass(edge_index, zeros1)
    deg8 = deg_p.reshape(2, NP8, 8)
    g1 = _k0b(deg8, sel, hw1)
    raw1 = _edge_pass(g1.reshape(NP, 16), edge_index, zeros2)
    hw2, g2 = _k1(deg8, sel, raw1.reshape(2, NP8, 128), hw1, bc1t, wc2b)
    raw2 = _edge_pass(g2.reshape(NP, 16), edge_index, zeros2)
    out8 = _k2(deg8, sel, raw2.reshape(2, NP8, 128), hw2, bc2t, w2b, b2t,
               pswap)
    return out8.reshape(NP, 2)[:n]

# --- scband reference (transcript-rebuilt; emitter-appended) ---
"""Pipeline reference for scband-net-35622458753125 (READ-ONLY COPY).

The authoritative reference and input builder live on the scoring server;
editing this copy changes nothing except your own understanding.
"""

import jax, jax.numpy as jnp
import numpy as np

N = 100000
E = 3200000

def setup_inputs(seed: int = 0) -> dict:
    key = jax.random.key(seed)
    ks = jax.random.split(key, 12)
    x = jax.random.normal(ks[0], (N, 5), dtype=jnp.float32)
    edge_index = jax.random.randint(ks[1], (2, E), 0, N, dtype=jnp.int32)
    # lin1: Linear(5, 16)
    W1 = jax.random.normal(ks[2], (5, 16), dtype=jnp.float32) * 0.1
    b1 = jnp.zeros((16,), dtype=jnp.float32)
    # conv1: GCNConv(16, 16)
    Wc1 = jax.random.normal(ks[3], (16, 16), dtype=jnp.float32) * 0.1
    bc1 = jnp.zeros((16,), dtype=jnp.float32)
    # conv2: GCNConv(16, 16)
    Wc2 = jax.random.normal(ks[4], (16, 16), dtype=jnp.float32) * 0.1
    bc2 = jnp.zeros((16,), dtype=jnp.float32)
    # lin2: Linear(16, 2)
    W2 = jax.random.normal(ks[5], (16, 2), dtype=jnp.float32) * 0.1
    b2 = jnp.zeros((2,), dtype=jnp.float32)
    return {"x": x, "edge_index": edge_index, "W1": W1, "b1": b1,
            "Wc1": Wc1, "bc1": bc1, "Wc2": Wc2, "bc2": bc2,
            "W2": W2, "b2": b2}


def gcn_conv(x, edge_index, W, b):
    # PyG GCNConv: out = D^{-1/2} (A + I) D^{-1/2} (x W) + b
    n = x.shape[0]
    row = edge_index[0]
    col = edge_index[1]
    loop = jnp.arange(n, dtype=edge_index.dtype)
    row = jnp.concatenate([row, loop])
    col = jnp.concatenate([col, loop])
    ew = jnp.ones(row.shape[0], dtype=x.dtype)
    deg = jnp.zeros((n,), dtype=x.dtype).at[col].add(ew)
    deg_inv_sqrt = jnp.where(deg > 0, jax.lax.rsqrt(jnp.where(deg > 0, deg, 1.0)), 0.0)
    norm = deg_inv_sqrt[row] * deg_inv_sqrt[col]
    h = x @ W
    msg = h[row] * norm[:, None]
    out = jnp.zeros((n, h.shape[1]), dtype=x.dtype).at[col].add(msg)
    return out + b


def reference(x, edge_index, W1, b1, Wc1, bc1, Wc2, bc2, W2, b2):
    # eval-mode forward (dropout is identity)
    h = x @ W1 + b1
    h = jax.nn.selu(gcn_conv(h, edge_index, Wc1, bc1))
    h = jax.nn.selu(gcn_conv(h, edge_index, Wc2, bc2))
    h = h @ W2 + b2
    return jax.nn.log_softmax(h, axis=1)

if __name__ == "__main__":
    import jax
    _d = setup_inputs()
    print(jax.jit(kernel)(*tuple(_d.values())))

</pallas_src>

<mosaic_0001>
#map = affine_map<(d0, d1) -> (0, 0)>
#map1 = affine_map<(d0, d1) -> (0)>
module attributes {stable_mosaic.version = 14 : i64} {
  func.func @_deg_pass(%arg0: i32, %arg1: i32, %arg2: memref<2x3200000xi32, #tpu.memory_space<hbm>>, %arg3: memref<100352xf32, #tpu.memory_space<hbm>>, %arg4: memref<2x100352xf32, #tpu.memory_space<hbm>>, %arg5: memref<2048xi32, #tpu.memory_space<vmem>>, %arg6: memref<512xf32, #tpu.memory_space<vmem>>, %arg7: memref<100352xf32, #tpu.memory_space<vmem_shared>>, %arg8: memref<!tpu.dma_semaphore, #tpu.memory_space<semaphore_mem>>, %arg9: memref<!tpu.dma_semaphore, #tpu.memory_space<semaphore_mem>>) attributes {dimension_semantics = [#tpu.dimension_semantics<core_parallel>, #tpu.dimension_semantics<subcore_parallel>], iteration_bounds = array<i64: 2, 16>, scalar_prefetch = 0 : i64, scratch_operands = 5 : i64, tpu.core_type = #tpu.core_type<sc_vector_subcore>, window_params = [{transform_indices = #map}, {transform_indices = #map1}, {transform_indices = #map}]} {
    %mul3A = arith.constant 16 : i32
    %mul3A_0 = arith.muli %arg0, %mul3A : i32
    %add3A = arith.addi %mul3A_0, %arg1 : i32
    %mul3A_1 = arith.constant 6272 : i32
    %mul3A_2 = arith.muli %arg1, %mul3A_1 : i32
    %mul3A_3 = arith.constant 6272 : i32
    %mul3A_4 = arith.muli %arg1, %mul3A_3 : i32
    "tpu.region"() ({
      %run_scoped3A_147 = tpu.sem_alloc : memref<!tpu.dma_semaphore, #tpu.memory_space<semaphore_mem>>
      %dma_start3A_148 = tpu.memref_slice %arg7[%mul3A_4] : memref<100352xf32, #tpu.memory_space<vmem_shared>> -> memref<6272xf32, #tpu.memory_space<vmem_shared>>
      %dma_start3A_149 = tpu.memref_slice %arg3[%mul3A_2] : memref<100352xf32, #tpu.memory_space<hbm>> -> memref<6272xf32, #tpu.memory_space<hbm>>
      tpu.enqueue_dma source(%dma_start3A_149 : memref<6272xf32, #tpu.memory_space<hbm>>) target(%dma_start3A_148 : memref<6272xf32, #tpu.memory_space<vmem_shared>>) target_semaphore(%run_scoped3A_147 : memref<!tpu.dma_semaphore, #tpu.memory_space<semaphore_mem>>)
      %dma_wait3A_150 = tpu.memref_slice %arg7[%mul3A_4] : memref<100352xf32, #tpu.memory_space<vmem_shared>> -> memref<6272xf32, #tpu.memory_space<vmem_shared>>
      %dma_wait3A_151 = tpu.memref_slice %arg3[%mul3A_2] : memref<100352xf32, #tpu.memory_space<hbm>> -> memref<6272xf32, #tpu.memory_space<hbm>>
      tpu.wait_dma2 semaphore(%run_scoped3A_147 : memref<!tpu.dma_semaphore, #tpu.memory_space<semaphore_mem>>) src(%dma_wait3A_151 : memref<6272xf32, #tpu.memory_space<hbm>>) dst(%dma_wait3A_150 : memref<6272xf32, #tpu.memory_space<vmem_shared>>)
      tpu.yield
    }) : () -> ()
    %scan3A = arith.constant 0 : i32
    %scan3A_5 = arith.constant 0 : i32
    %scan3A_6 = arith.constant 32 : i32
    %scan3A_7 = arith.addi %scan3A_5, %scan3A_6 : i32
    %scan3A_8 = arith.constant 1 : i32
    scf.for %scan3A_147 = %scan3A_5 to %scan3A_7 step %scan3A_8  : i32 {
      %broadcast_in_dim3A = arith.constant 1.000000e+00 : f32
      %broadcast_in_dim3A_148 = vector.broadcast %broadcast_in_dim3A : f32 to vector<16xf32>
      %mul3A_149 = arith.constant 16 : i32
      %mul3A_150 = arith.muli %scan3A_147, %mul3A_149 : i32
      %swap3A = arith.index_cast %mul3A_150 : i32 to index
      %swap3A_151 = tpu.vector_load %arg6[%swap3A] {strides = array<i32>} : memref<512xf32, #tpu.memory_space<vmem>>, vector<16xf32>,
      %swap3A_152 = vector.shape_cast %swap3A_151 : vector<16xf32> to vector<16xf32>
      %swap3A_153 = vector.shape_cast %broadcast_in_dim3A_148 : vector<16xf32> to vector<16xf32>
      tpu.vector_store %arg6[%swap3A], %swap3A_153 {strides = array<i32>} : memref<512xf32, #tpu.memory_space<vmem>>, vector<16xf32>,
    }
    %scan3A_9 = arith.constant 32 : i32
    %barrier3A = arith.constant 0 : index
    tpu.barrier barrier_id(%barrier3A)
    %mul3A_10 = arith.constant 100000 : i32
    %mul3A_11 = arith.muli %add3A, %mul3A_10 : i32
    %add3A_12 = arith.constant 0 : i32
    %add3A_13 = arith.addi %mul3A_11, %add3A_12 : i32
    %dma_start3A = arith.constant 1 : i32
    %dma_start3A_14 = arith.constant 0 : i32
    %dma_start3A_15 = tpu.memref_slice %arg5[%dma_start3A_14] : memref<2048xi32, #tpu.memory_space<vmem>> -> memref<512xi32, #tpu.memory_space<vmem>>
    %dma_start3A_16 = tpu.memref_slice %arg2[%dma_start3A, %add3A_13] : memref<2x3200000xi32, #tpu.memory_space<hbm>> -> memref<1x512xi32, #tpu.memory_space<hbm>>
    %dma_start3A_17 = tpu.memref_squeeze %dma_start3A_16 : memref<1x512xi32, #tpu.memory_space<hbm>> -> memref<512xi32, #tpu.memory_space<hbm>>
    %dma_start3A_18 = arith.constant 0 : i32
    %dma_start3A_19 = tpu.memref_slice %arg5[%dma_start3A_18] : memref<2048xi32, #tpu.memory_space<vmem>> -> memref<512xi32, #tpu.memory_space<vmem>>
    %dma_start3A_20 = tpu.memref_slice %arg2[%dma_start3A, %add3A_13] : memref<2x3200000xi32, #tpu.memory_space<hbm>> -> memref<1x512xi32, #tpu.memory_space<hbm>>
    %dma_start3A_21 = tpu.memref_squeeze %dma_start3A_20 : memref<1x512xi32, #tpu.memory_space<hbm>> -> memref<512xi32, #tpu.memory_space<hbm>>
    tpu.enqueue_dma source(%dma_start3A_21 : memref<512xi32, #tpu.memory_space<hbm>>) target(%dma_start3A_19 : memref<512xi32, #tpu.memory_space<vmem>>) target_semaphore(%arg9 : memref<!tpu.dma_semaphore, #tpu.memory_space<semaphore_mem>>)
    %add3A_22 = arith.constant 512 : i32
    %add3A_23 = arith.addi %mul3A_11, %add3A_22 : i32
    %dma_start3A_24 = arith.constant 1 : i32
    %dma_start3A_25 = arith.constant 512 : i32
    %dma_start3A_26 = tpu.memref_slice %arg5[%dma_start3A_25] : memref<2048xi32, #tpu.memory_space<vmem>> -> memref<512xi32, #tpu.memory_space<vmem>>
    %dma_start3A_27 = tpu.memref_slice %arg2[%dma_start3A_24, %add3A_23] : memref<2x3200000xi32, #tpu.memory_space<hbm>> -> memref<1x512xi32, #tpu.memory_space<hbm>>
    %dma_start3A_28 = tpu.memref_squeeze %dma_start3A_27 : memref<1x512xi32, #tpu.memory_space<hbm>> -> memref<512xi32, #tpu.memory_space<hbm>>
    %dma_start3A_29 = arith.constant 512 : i32
    %dma_start3A_30 = tpu.memref_slice %arg5[%dma_start3A_29] : memref<2048xi32, #tpu.memory_space<vmem>> -> memref<512xi32, #tpu.memory_space<vmem>>
    %dma_start3A_31 = tpu.memref_slice %arg2[%dma_start3A_24, %add3A_23] : memref<2x3200000xi32, #tpu.memory_space<hbm>> -> memref<1x512xi32, #tpu.memory_space<hbm>>
    %dma_start3A_32 = tpu.memref_squeeze %dma_start3A_31 : memref<1x512xi32, #tpu.memory_space<hbm>> -> memref<512xi32, #tpu.memory_space<hbm>>
    tpu.enqueue_dma source(%dma_start3A_32 : memref<512xi32, #tpu.memory_space<hbm>>) target(%dma_start3A_30 : memref<512xi32, #tpu.memory_space<vmem>>) target_semaphore(%arg9 : memref<!tpu.dma_semaphore, #tpu.memory_space<semaphore_mem>>)
    %add3A_33 = arith.constant 1024 : i32
    %add3A_34 = arith.addi %mul3A_11, %add3A_33 : i32
    %dma_start3A_35 = arith.constant 1 : i32
    %dma_start3A_36 = arith.constant 1024 : i32
    %dma_start3A_37 = tpu.memref_slice %arg5[%dma_start3A_36] : memref<2048xi32, #tpu.memory_space<vmem>> -> memref<512xi32, #tpu.memory_space<vmem>>
    %dma_start3A_38 = tpu.memref_slice %arg2[%dma_start3A_35, %add3A_34] : memref<2x3200000xi32, #tpu.memory_space<hbm>> -> memref<1x512xi32, #tpu.memory_space<hbm>>
    %dma_start3A_39 = tpu.memref_squeeze %dma_start3A_38 : memref<1x512xi32, #tpu.memory_space<hbm>> -> memref<512xi32, #tpu.memory_space<hbm>>
    %dma_start3A_40 = arith.constant 1024 : i32
    %dma_start3A_41 = tpu.memref_slice %arg5[%dma_start3A_40] : memref<2048xi32, #tpu.memory_space<vmem>> -> memref<512xi32, #tpu.memory_space<vmem>>
    %dma_start3A_42 = tpu.memref_slice %arg2[%dma_start3A_35, %add3A_34] : memref<2x3200000xi32, #tpu.memory_space<hbm>> -> memref<1x512xi32, #tpu.memory_space<hbm>>
    %dma_start3A_43 = tpu.memref_squeeze %dma_start3A_42 : memref<1x512xi32, #tpu.memory_space<hbm>> -> memref<512xi32, #tpu.memory_space<hbm>>
    tpu.enqueue_dma source(%dma_start3A_43 : memref<512xi32, #tpu.memory_space<hbm>>) target(%dma_start3A_41 : memref<512xi32, #tpu.memory_space<vmem>>) target_semaphore(%arg9 : memref<!tpu.dma_semaphore, #tpu.memory_space<semaphore_mem>>)
    %add3A_44 = arith.constant 1536 : i32
    %add3A_45 = arith.addi %mul3A_11, %add3A_44 : i32
    %dma_start3A_46 = arith.constant 1 : i32
    %dma_start3A_47 = arith.constant 1536 : i32
    %dma_start3A_48 = tpu.memref_slice %arg5[%dma_start3A_47] : memref<2048xi32, #tpu.memory_space<vmem>> -> memref<512xi32, #tpu.memory_space<vmem>>
    %dma_start3A_49 = tpu.memref_slice %arg2[%dma_start3A_46, %add3A_45] : memref<2x3200000xi32, #tpu.memory_space<hbm>> -> memref<1x512xi32, #tpu.memory_space<hbm>>
    %dma_start3A_50 = tpu.memref_squeeze %dma_start3A_49 : memref<1x512xi32, #tpu.memory_space<hbm>> -> memref<512xi32, #tpu.memory_space<hbm>>
    %dma_start3A_51 = arith.constant 1536 : i32
    %dma_start3A_52 = tpu.memref_slice %arg5[%dma_start3A_51] : memref<2048xi32, #tpu.memory_space<vmem>> -> memref<512xi32, #tpu.memory_space<vmem>>
    %dma_start3A_53 = tpu.memref_slice %arg2[%dma_start3A_46, %add3A_45] : memref<2x3200000xi32, #tpu.memory_space<hbm>> -> memref<1x512xi32, #tpu.memory_space<hbm>>
    %dma_start3A_54 = tpu.memref_squeeze %dma_start3A_53 : memref<1x512xi32, #tpu.memory_space<hbm>> -> memref<512xi32, #tpu.memory_space<hbm>>
    tpu.enqueue_dma source(%dma_start3A_54 : memref<512xi32, #tpu.memory_space<hbm>>) target(%dma_start3A_52 : memref<512xi32, #tpu.memory_space<vmem>>) target_semaphore(%arg9 : memref<!tpu.dma_semaphore, #tpu.memory_space<semaphore_mem>>)
    %add3A_55 = arith.constant 0 : i32
    %add3A_56 = arith.addi %mul3A_11, %add3A_55 : i32
    %dma_wait3A = arith.constant 1 : i32
    %dma_wait3A_57 = arith.constant 0 : i32
    %dma_wait3A_58 = tpu.memref_slice %arg5[%dma_wait3A_57] : memref<2048xi32, #tpu.memory_space<vmem>> -> memref<512xi32, #tpu.memory_space<vmem>>
    %dma_wait3A_59 = tpu.memref_slice %arg2[%dma_wait3A, %add3A_56] : memref<2x3200000xi32, #tpu.memory_space<hbm>> -> memref<1x512xi32, #tpu.memory_space<hbm>>
    %dma_wait3A_60 = tpu.memref_squeeze %dma_wait3A_59 : memref<1x512xi32, #tpu.memory_space<hbm>> -> memref<512xi32, #tpu.memory_space<hbm>>
    %dma_wait3A_61 = arith.constant 0 : i32
    %dma_wait3A_62 = tpu.memref_slice %arg5[%dma_wait3A_61] : memref<2048xi32, #tpu.memory_space<vmem>> -> memref<512xi32, #tpu.memory_space<vmem>>
    %dma_wait3A_63 = tpu.memref_slice %arg2[%dma_wait3A, %add3A_56] : memref<2x3200000xi32, #tpu.memory_space<hbm>> -> memref<1x512xi32, #tpu.memory_space<hbm>>
    %dma_wait3A_64 = tpu.memref_squeeze %dma_wait3A_63 : memref<1x512xi32, #tpu.memory_space<hbm>> -> memref<512xi32, #tpu.memory_space<hbm>>
    tpu.wait_dma2 semaphore(%arg9 : memref<!tpu.dma_semaphore, #tpu.memory_space<semaphore_mem>>) src(%dma_wait3A_64 : memref<512xi32, #tpu.memory_space<hbm>>) dst(%dma_wait3A_62 : memref<512xi32, #tpu.memory_space<vmem>>)
    %dma_start3A_65 = arith.constant 0 : i32
    %dma_start3A_66 = tpu.memref_slice %arg5[%dma_start3A_65] : memref<2048xi32, #tpu.memory_space<vmem>> -> memref<512xi32, #tpu.memory_space<vmem>>
    %dma_start3A_67 = arith.constant 0 : i32
    %dma_start3A_68 = tpu.memref_slice %arg7[%dma_start3A_67] : memref<100352xf32, #tpu.memory_space<vmem_shared>> -> memref<100352xf32, #tpu.memory_space<vmem_shared>>
    tpu.enqueue_indirect_dma source(%arg6 : memref<512xf32, #tpu.memory_space<vmem>>) target(%dma_start3A_68 : memref<100352xf32, #tpu.memory_space<vmem_shared>>) offsets(%dma_start3A_66 : memref<512xi32, #tpu.memory_space<vmem>>) semaphore(%arg8 : memref<!tpu.dma_semaphore, #tpu.memory_space<semaphore_mem>>) {add = true}
    %add3A_69 = arith.constant 512 : i32
    %add3A_70 = arith.addi %mul3A_11, %add3A_69 : i32
    %dma_wait3A_71 = arith.constant 1 : i32
    %dma_wait3A_72 = arith.constant 512 : i32
    %dma_wait3A_73 = tpu.memref_slice %arg5[%dma_wait3A_72] : memref<2048xi32, #tpu.memory_space<vmem>> -> memref<512xi32, #tpu.memory_space<vmem>>
    %dma_wait3A_74 = tpu.memref_slice %arg2[%dma_wait3A_71, %add3A_70] : memref<2x3200000xi32, #tpu.memory_space<hbm>> -> memref<1x512xi32, #tpu.memory_space<hbm>>
    %dma_wait3A_75 = tpu.memref_squeeze %dma_wait3A_74 : memref<1x512xi32, #tpu.memory_space<hbm>> -> memref<512xi32, #tpu.memory_space<hbm>>
    %dma_wait3A_76 = arith.constant 512 : i32
    %dma_wait3A_77 = tpu.memref_slice %arg5[%dma_wait3A_76] : memref<2048xi32, #tpu.memory_space<vmem>> -> memref<512xi32, #tpu.memory_space<vmem>>
    %dma_wait3A_78 = tpu.memref_slice %arg2[%dma_wait3A_71, %add3A_70] : memref<2x3200000xi32, #tpu.memory_space<hbm>> -> memref<1x512xi32, #tpu.memory_space<hbm>>
    %dma_wait3A_79 = tpu.memref_squeeze %dma_wait3A_78 : memref<1x512xi32, #tpu.memory_space<hbm>> -> memref<512xi32, #tpu.memory_space<hbm>>
    tpu.wait_dma2 semaphore(%arg9 : memref<!tpu.dma_semaphore, #tpu.memory_space<semaphore_mem>>) src(%dma_wait3A_79 : memref<512xi32, #tpu.memory_space<hbm>>) dst(%dma_wait3A_77 : memref<512xi32, #tpu.memory_space<vmem>>)
    %dma_start3A_80 = arith.constant 512 : i32
    %dma_start3A_81 = tpu.memref_slice %arg5[%dma_start3A_80] : memref<2048xi32, #tpu.memory_space<vmem>> -> memref<512xi32, #tpu.memory_space<vmem>>
    %dma_start3A_82 = arith.constant 0 : i32
    %dma_start3A_83 = tpu.memref_slice %arg7[%dma_start3A_82] : memref<100352xf32, #tpu.memory_space<vmem_shared>> -> memref<100352xf32, #tpu.memory_space<vmem_shared>>
    tpu.enqueue_indirect_dma source(%arg6 : memref<512xf32, #tpu.memory_space<vmem>>) target(%dma_start3A_83 : memref<100352xf32, #tpu.memory_space<vmem_shared>>) offsets(%dma_start3A_81 : memref<512xi32, #tpu.memory_space<vmem>>) semaphore(%arg8 : memref<!tpu.dma_semaphore, #tpu.memory_space<semaphore_mem>>) {add = true}
    %add3A_84 = arith.constant 1024 : i32
    %add3A_85 = arith.addi %mul3A_11, %add3A_84 : i32
    %dma_wait3A_86 = arith.constant 1 : i32
    %dma_wait3A_87 = arith.constant 1024 : i32
    %dma_wait3A_88 = tpu.memref_slice %arg5[%dma_wait3A_87] : memref<2048xi32, #tpu.memory_space<vmem>> -> memref<512xi32, #tpu.memory_space<vmem>>
    %dma_wait3A_89 = tpu.memref_slice %arg2[%dma_wait3A_86, %add3A_85] : memref<2x3200000xi32, #tpu.memory_space<hbm>> -> memref<1x512xi32, #tpu.memory_space<hbm>>
    %dma_wait3A_90 = tpu.memref_squeeze %dma_wait3A_89 : memref<1x512xi32, #tpu.memory_space<hbm>> -> memref<512xi32, #tpu.memory_space<hbm>>
    %dma_wait3A_91 = arith.constant 1024 : i32
    %dma_wait3A_92 = tpu.memref_slice %arg5[%dma_wait3A_91] : memref<2048xi32, #tpu.memory_space<vmem>> -> memref<512xi32, #tpu.memory_space<vmem>>
    %dma_wait3A_93 = tpu.memref_slice %arg2[%dma_wait3A_86, %add3A_85] : memref<2x3200000xi32, #tpu.memory_space<hbm>> -> memref<1x512xi32, #tpu.memory_space<hbm>>
    %dma_wait3A_94 = tpu.memref_squeeze %dma_wait3A_93 : memref<1x512xi32, #tpu.memory_space<hbm>> -> memref<512xi32, #tpu.memory_space<hbm>>
    tpu.wait_dma2 semaphore(%arg9 : memref<!tpu.dma_semaphore, #tpu.memory_space<semaphore_mem>>) src(%dma_wait3A_94 : memref<512xi32, #tpu.memory_space<hbm>>) dst(%dma_wait3A_92 : memref<512xi32, #tpu.memory_space<vmem>>)
    %dma_start3A_95 = arith.constant 1024 : i32
    %dma_start3A_96 = tpu.memref_slice %arg5[%dma_start3A_95] : memref<2048xi32, #tpu.memory_space<vmem>> -> memref<512xi32, #tpu.memory_space<vmem>>
    %dma_start3A_97 = arith.constant 0 : i32
    %dma_start3A_98 = tpu.memref_slice %arg7[%dma_start3A_97] : memref<100352xf32, #tpu.memory_space<vmem_shared>> -> memref<100352xf32, #tpu.memory_space<vmem_shared>>
    tpu.enqueue_indirect_dma source(%arg6 : memref<512xf32, #tpu.memory_space<vmem>>) target(%dma_start3A_98 : memref<100352xf32, #tpu.memory_space<vmem_shared>>) offsets(%dma_start3A_96 : memref<512xi32, #tpu.memory_space<vmem>>) semaphore(%arg8 : memref<!tpu.dma_semaphore, #tpu.memory_space<semaphore_mem>>) {add = true}
    %scan3A_99 = arith.constant 0 : i32
    %scan3A_100 = arith.constant 3 : i32
    %scan3A_101 = arith.constant 192 : i32
    %scan3A_102 = arith.addi %scan3A_100, %scan3A_101 : i32
    %scan3A_103 = arith.constant 1 : i32
    scf.for %scan3A_147 = %scan3A_100 to %scan3A_102 step %scan3A_103  : i32 {
      %sub3A = arith.constant 3 : i32
      %sub3A_148 = arith.subi %scan3A_147, %sub3A : i32
      %and3A = arith.constant 3 : i32
      %and3A_149 = arith.andi %sub3A_148, %and3A : i32
      %mul3A_150 = arith.constant 512 : i32
      %mul3A_151 = arith.muli %and3A_149, %mul3A_150 : i32
      %dma_wait3A_152 = tpu.memref_slice %arg5[%mul3A_151] : memref<2048xi32, #tpu.memory_space<vmem>> -> memref<512xi32, #tpu.memory_space<vmem>>
      %dma_wait3A_153 = arith.constant 0 : i32
      %dma_wait3A_154 = tpu.memref_slice %arg7[%dma_wait3A_153] : memref<100352xf32, #tpu.memory_space<vmem_shared>> -> memref<100352xf32, #tpu.memory_space<vmem_shared>>
      tpu.wait_indirect_dma semaphore(%arg8 : memref<!tpu.dma_semaphore, #tpu.memory_space<semaphore_mem>>) src(%arg6 : memref<512xf32, #tpu.memory_space<vmem>>) dst(%dma_wait3A_154 : memref<100352xf32, #tpu.memory_space<vmem_shared>>)
      %and3A_155 = arith.constant 3 : i32
      %and3A_156 = arith.andi %scan3A_147, %and3A_155 : i32
      %mul3A_157 = arith.constant 512 : i32
      %mul3A_158 = arith.muli %scan3A_147, %mul3A_157 : i32
      %add3A_159 = arith.addi %mul3A_11, %mul3A_158 : i32
      %mul3A_160 = arith.constant 512 : i32
      %mul3A_161 = arith.muli %and3A_156, %mul3A_160 : i32
      %dma_wait3A_162 = arith.constant 1 : i32
      %dma_wait3A_163 = tpu.memref_slice %arg5[%mul3A_161] : memref<2048xi32, #tpu.memory_space<vmem>> -> memref<512xi32, #tpu.memory_space<vmem>>
      %dma_wait3A_164 = tpu.memref_slice %arg2[%dma_wait3A_162, %add3A_159] : memref<2x3200000xi32, #tpu.memory_space<hbm>> -> memref<1x512xi32, #tpu.memory_space<hbm>>
      %dma_wait3A_165 = tpu.memref_squeeze %dma_wait3A_164 : memref<1x512xi32, #tpu.memory_space<hbm>> -> memref<512xi32, #tpu.memory_space<hbm>>
      %dma_wait3A_166 = tpu.memref_slice %arg5[%mul3A_161] : memref<2048xi32, #tpu.memory_space<vmem>> -> memref<512xi32, #tpu.memory_space<vmem>>
      %dma_wait3A_167 = tpu.memref_slice %arg2[%dma_wait3A_162, %add3A_159] : memref<2x3200000xi32, #tpu.memory_space<hbm>> -> memref<1x512xi32, #tpu.memory_space<hbm>>
      %dma_wait3A_168 = tpu.memref_squeeze %dma_wait3A_167 : memref<1x512xi32, #tpu.memory_space<hbm>> -> memref<512xi32, #tpu.memory_space<hbm>>
      tpu.wait_dma2 semaphore(%arg9 : memref<!tpu.dma_semaphore, #tpu.memory_space<semaphore_mem>>) src(%dma_wait3A_168 : memref<512xi32, #tpu.memory_space<hbm>>) dst(%dma_wait3A_166 : memref<512xi32, #tpu.memory_space<vmem>>)
      %add3A_169 = arith.constant 1 : i32
      %add3A_170 = arith.addi %scan3A_147, %add3A_169 : i32
      %min3A = arith.constant 194 : i32
      %min3A_171 = arith.minsi %add3A_170, %min3A : i32
      %and3A_172 = arith.constant 3 : i32
      %and3A_173 = arith.andi %min3A_171, %and3A_172 : i32
      %mul3A_174 = arith.constant 512 : i32
      %mul3A_175 = arith.muli %min3A_171, %mul3A_174 : i32
      %add3A_176 = arith.addi %mul3A_11, %mul3A_175 : i32
      %mul3A_177 = arith.constant 512 : i32
      %mul3A_178 = arith.muli %and3A_173, %mul3A_177 : i32
      %dma_start3A_179 = arith.constant 1 : i32
      %dma_start3A_180 = tpu.memref_slice %arg5[%mul3A_178] : memref<2048xi32, #tpu.memory_space<vmem>> -> memref<512xi32, #tpu.memory_space<vmem>>
      %dma_start3A_181 = tpu.memref_slice %arg2[%dma_start3A_179, %add3A_176] : memref<2x3200000xi32, #tpu.memory_space<hbm>> -> memref<1x512xi32, #tpu.memory_space<hbm>>
      %dma_start3A_182 = tpu.memref_squeeze %dma_start3A_181 : memref<1x512xi32, #tpu.memory_space<hbm>> -> memref<512xi32, #tpu.memory_space<hbm>>
      %dma_start3A_183 = tpu.memref_slice %arg5[%mul3A_178] : memref<2048xi32, #tpu.memory_space<vmem>> -> memref<512xi32, #tpu.memory_space<vmem>>
      %dma_start3A_184 = tpu.memref_slice %arg2[%dma_start3A_179, %add3A_176] : memref<2x3200000xi32, #tpu.memory_space<hbm>> -> memref<1x512xi32, #tpu.memory_space<hbm>>
      %dma_start3A_185 = tpu.memref_squeeze %dma_start3A_184 : memref<1x512xi32, #tpu.memory_space<hbm>> -> memref<512xi32, #tpu.memory_space<hbm>>
      tpu.enqueue_dma source(%dma_start3A_185 : memref<512xi32, #tpu.memory_space<hbm>>) target(%dma_start3A_183 : memref<512xi32, #tpu.memory_space<vmem>>) target_semaphore(%arg9 : memref<!tpu.dma_semaphore, #tpu.memory_space<semaphore_mem>>)
      %and3A_186 = arith.constant 3 : i32
      %and3A_187 = arith.andi %scan3A_147, %and3A_186 : i32
      %mul3A_188 = arith.constant 512 : i32
      %mul3A_189 = arith.muli %and3A_187, %mul3A_188 : i32
      %dma_start3A_190 = tpu.memref_slice %arg5[%mul3A_189] : memref<2048xi32, #tpu.memory_space<vmem>> -> memref<512xi32, #tpu.memory_space<vmem>>
      %dma_start3A_191 = arith.constant 0 : i32
      %dma_start3A_192 = tpu.memref_slice %arg7[%dma_start3A_191] : memref<100352xf32, #tpu.memory_space<vmem_shared>> -> memref<100352xf32, #tpu.memory_space<vmem_shared>>
      tpu.enqueue_indirect_dma source(%arg6 : memref<512xf32, #tpu.memory_space<vmem>>) target(%dma_start3A_192 : memref<100352xf32, #tpu.memory_space<vmem_shared>>) offsets(%dma_start3A_190 : memref<512xi32, #tpu.memory_space<vmem>>) semaphore(%arg8 : memref<!tpu.dma_semaphore, #tpu.memory_space<semaphore_mem>>) {add = true}
    }
    %scan3A_104 = arith.constant 192 : i32
    %dma_wait3A_105 = arith.constant 0 : i32
    %dma_wait3A_106 = tpu.memref_slice %arg5[%dma_wait3A_105] : memref<2048xi32, #tpu.memory_space<vmem>> -> memref<512xi32, #tpu.memory_space<vmem>>
    %dma_wait3A_107 = arith.constant 0 : i32
    %dma_wait3A_108 = tpu.memref_slice %arg7[%dma_wait3A_107] : memref<100352xf32, #tpu.memory_space<vmem_shared>> -> memref<100352xf32, #tpu.memory_space<vmem_shared>>
    tpu.wait_indirect_dma semaphore(%arg8 : memref<!tpu.dma_semaphore, #tpu.memory_space<semaphore_mem>>) src(%arg6 : memref<512xf32, #tpu.memory_space<vmem>>) dst(%dma_wait3A_108 : memref<100352xf32, #tpu.memory_space<vmem_shared>>)
    %dma_wait3A_109 = arith.constant 512 : i32
    %dma_wait3A_110 = tpu.memref_slice %arg5[%dma_wait3A_109] : memref<2048xi32, #tpu.memory_space<vmem>> -> memref<512xi32, #tpu.memory_space<vmem>>
    %dma_wait3A_111 = arith.constant 0 : i32
    %dma_wait3A_112 = tpu.memref_slice %arg7[%dma_wait3A_111] : memref<100352xf32, #tpu.memory_space<vmem_shared>> -> memref<100352xf32, #tpu.memory_space<vmem_shared>>
    tpu.wait_indirect_dma semaphore(%arg8 : memref<!tpu.dma_semaphore, #tpu.memory_space<semaphore_mem>>) src(%arg6 : memref<512xf32, #tpu.memory_space<vmem>>) dst(%dma_wait3A_112 : memref<100352xf32, #tpu.memory_space<vmem_shared>>)
    %dma_wait3A_113 = arith.constant 1024 : i32
    %dma_wait3A_114 = tpu.memref_slice %arg5[%dma_wait3A_113] : memref<2048xi32, #tpu.memory_space<vmem>> -> memref<512xi32, #tpu.memory_space<vmem>>
    %dma_wait3A_115 = arith.constant 0 : i32
    %dma_wait3A_116 = tpu.memref_slice %arg7[%dma_wait3A_115] : memref<100352xf32, #tpu.memory_space<vmem_shared>> -> memref<100352xf32, #tpu.memory_space<vmem_shared>>
    tpu.wait_indirect_dma semaphore(%arg8 : memref<!tpu.dma_semaphore, #tpu.memory_space<semaphore_mem>>) src(%arg6 : memref<512xf32, #tpu.memory_space<vmem>>) dst(%dma_wait3A_116 : memref<100352xf32, #tpu.memory_space<vmem_shared>>)
    %add3A_117 = arith.constant 99328 : i32
    %add3A_118 = arith.addi %mul3A_11, %add3A_117 : i32
    %dma_wait3A_119 = arith.constant 1 : i32
    %dma_wait3A_120 = arith.constant 1024 : i32
    %dma_wait3A_121 = tpu.memref_slice %arg5[%dma_wait3A_120] : memref<2048xi32, #tpu.memory_space<vmem>> -> memref<512xi32, #tpu.memory_space<vmem>>
    %dma_wait3A_122 = tpu.memref_slice %arg2[%dma_wait3A_119, %add3A_118] : memref<2x3200000xi32, #tpu.memory_space<hbm>> -> memref<1x512xi32, #tpu.memory_space<hbm>>
    %dma_wait3A_123 = tpu.memref_squeeze %dma_wait3A_122 : memref<1x512xi32, #tpu.memory_space<hbm>> -> memref<512xi32, #tpu.memory_space<hbm>>
    %dma_wait3A_124 = arith.constant 1024 : i32
    %dma_wait3A_125 = tpu.memref_slice %arg5[%dma_wait3A_124] : memref<2048xi32, #tpu.memory_space<vmem>> -> memref<512xi32, #tpu.memory_space<vmem>>
    %dma_wait3A_126 = tpu.memref_slice %arg2[%dma_wait3A_119, %add3A_118] : memref<2x3200000xi32, #tpu.memory_space<hbm>> -> memref<1x512xi32, #tpu.memory_space<hbm>>
    %dma_wait3A_127 = tpu.memref_squeeze %dma_wait3A_126 : memref<1x512xi32, #tpu.memory_space<hbm>> -> memref<512xi32, #tpu.memory_space<hbm>>
    tpu.wait_dma2 semaphore(%arg9 : memref<!tpu.dma_semaphore, #tpu.memory_space<semaphore_mem>>) src(%dma_wait3A_127 : memref<512xi32, #tpu.memory_space<hbm>>) dst(%dma_wait3A_125 : memref<512xi32, #tpu.memory_space<vmem>>)
    %add3A_128 = arith.constant 99840 : i32
    %add3A_129 = arith.addi %mul3A_11, %add3A_128 : i32
    %run_scoped3A = arith.constant 1 : i32
    "tpu.region"() ({
      %run_scoped3A_147 = tpu.sem_alloc : memref<!tpu.dma_semaphore, #tpu.memory_space<semaphore_mem>>
      %dma_start3A_148 = arith.constant 0 : i32
      %dma_start3A_149 = tpu.memref_slice %arg5[%dma_start3A_148] : memref<2048xi32, #tpu.memory_space<vmem>> -> memref<160xi32, #tpu.memory_space<vmem>>
      %dma_start3A_150 = tpu.memref_slice %arg2[%run_scoped3A, %add3A_129] : memref<2x3200000xi32, #tpu.memory_space<hbm>> -> memref<1x160xi32, #tpu.memory_space<hbm>>
      %dma_start3A_151 = tpu.memref_squeeze %dma_start3A_150 : memref<1x160xi32, #tpu.memory_space<hbm>> -> memref<160xi32, #tpu.memory_space<hbm>>
      %dma_start3A_152 = arith.constant 0 : i32
      %dma_start3A_153 = tpu.memref_slice %arg5[%dma_start3A_152] : memref<2048xi32, #tpu.memory_space<vmem>> -> memref<160xi32, #tpu.memory_space<vmem>>
      %dma_start3A_154 = tpu.memref_slice %arg2[%run_scoped3A, %add3A_129] : memref<2x3200000xi32, #tpu.memory_space<hbm>> -> memref<1x160xi32, #tpu.memory_space<hbm>>
      %dma_start3A_155 = tpu.memref_squeeze %dma_start3A_154 : memref<1x160xi32, #tpu.memory_space<hbm>> -> memref<160xi32, #tpu.memory_space<hbm>>
      tpu.enqueue_dma source(%dma_start3A_155 : memref<160xi32, #tpu.memory_space<hbm>>) target(%dma_start3A_153 : memref<160xi32, #tpu.memory_space<vmem>>) target_semaphore(%run_scoped3A_147 : memref<!tpu.dma_semaphore, #tpu.memory_space<semaphore_mem>>)
      %dma_wait3A_156 = arith.constant 0 : i32
      %dma_wait3A_157 = tpu.memref_slice %arg5[%dma_wait3A_156] : memref<2048xi32, #tpu.memory_space<vmem>> -> memref<160xi32, #tpu.memory_space<vmem>>
      %dma_wait3A_158 = tpu.memref_slice %arg2[%run_scoped3A, %add3A_129] : memref<2x3200000xi32, #tpu.memory_space<hbm>> -> memref<1x160xi32, #tpu.memory_space<hbm>>
      %dma_wait3A_159 = tpu.memref_squeeze %dma_wait3A_158 : memref<1x160xi32, #tpu.memory_space<hbm>> -> memref<160xi32, #tpu.memory_space<hbm>>
      %dma_wait3A_160 = arith.constant 0 : i32
      %dma_wait3A_161 = tpu.memref_slice %arg5[%dma_wait3A_160] : memref<2048xi32, #tpu.memory_space<vmem>> -> memref<160xi32, #tpu.memory_space<vmem>>
      %dma_wait3A_162 = tpu.memref_slice %arg2[%run_scoped3A, %add3A_129] : memref<2x3200000xi32, #tpu.memory_space<hbm>> -> memref<1x160xi32, #tpu.memory_space<hbm>>
      %dma_wait3A_163 = tpu.memref_squeeze %dma_wait3A_162 : memref<1x160xi32, #tpu.memory_space<hbm>> -> memref<160xi32, #tpu.memory_space<hbm>>
      tpu.wait_dma2 semaphore(%run_scoped3A_147 : memref<!tpu.dma_semaphore, #tpu.memory_space<semaphore_mem>>) src(%dma_wait3A_163 : memref<160xi32, #tpu.memory_space<hbm>>) dst(%dma_wait3A_161 : memref<160xi32, #tpu.memory_space<vmem>>)
      tpu.yield
    }) : () -> ()
    %dma_start3A_130 = arith.constant 0 : i32
    %dma_start3A_131 = tpu.memref_slice %arg6[%dma_start3A_130] : memref<512xf32, #tpu.memory_space<vmem>> -> memref<160xf32, #tpu.memory_space<vmem>>
    %dma_start3A_132 = arith.constant 0 : i32
    %dma_start3A_133 = tpu.memref_slice %arg5[%dma_start3A_132] : memref<2048xi32, #tpu.memory_space<vmem>> -> memref<160xi32, #tpu.memory_space<vmem>>
    %dma_start3A_134 = arith.constant 0 : i32
    %dma_start3A_135 = tpu.memref_slice %arg7[%dma_start3A_134] : memref<100352xf32, #tpu.memory_space<vmem_shared>> -> memref<100352xf32, #tpu.memory_space<vmem_shared>>
    tpu.enqueue_indirect_dma source(%dma_start3A_131 : memref<160xf32, #tpu.memory_space<vmem>>) target(%dma_start3A_135 : memref<100352xf32, #tpu.memory_space<vmem_shared>>) offsets(%dma_start3A_133 : memref<160xi32, #tpu.memory_space<vmem>>) semaphore(%arg8 : memref<!tpu.dma_semaphore, #tpu.memory_space<semaphore_mem>>) {add = true}
    %dma_wait3A_136 = arith.constant 0 : i32
    %dma_wait3A_137 = tpu.memref_slice %arg6[%dma_wait3A_136] : memref<512xf32, #tpu.memory_space<vmem>> -> memref<160xf32, #tpu.memory_space<vmem>>
    %dma_wait3A_138 = arith.constant 0 : i32
    %dma_wait3A_139 = tpu.memref_slice %arg5[%dma_wait3A_138] : memref<2048xi32, #tpu.memory_space<vmem>> -> memref<160xi32, #tpu.memory_space<vmem>>
    %dma_wait3A_140 = arith.constant 0 : i32
    %dma_wait3A_141 = tpu.memref_slice %arg7[%dma_wait3A_140] : memref<100352xf32, #tpu.memory_space<vmem_shared>> -> memref<100352xf32, #tpu.memory_space<vmem_shared>>
    tpu.wait_indirect_dma semaphore(%arg8 : memref<!tpu.dma_semaphore, #tpu.memory_space<semaphore_mem>>) src(%dma_wait3A_137 : memref<160xf32, #tpu.memory_space<vmem>>) dst(%dma_wait3A_141 : memref<100352xf32, #tpu.memory_space<vmem_shared>>)
    %barrier3A_142 = arith.constant 0 : index
    tpu.barrier barrier_id(%barrier3A_142)
    %mul3A_143 = arith.constant 6272 : i32
    %mul3A_144 = arith.muli %arg1, %mul3A_143 : i32
    %mul3A_145 = arith.constant 6272 : i32
    %mul3A_146 = arith.muli %arg1, %mul3A_145 : i32
    "tpu.region"() ({
      %run_scoped3A_147 = tpu.sem_alloc : memref<!tpu.dma_semaphore, #tpu.memory_space<semaphore_mem>>
      %dma_start3A_148 = tpu.memref_slice %arg4[%arg0, %mul3A_146] : memref<2x100352xf32, #tpu.memory_space<hbm>> -> memref<1x6272xf32, #tpu.memory_space<hbm>>
      %dma_start3A_149 = tpu.memref_squeeze %dma_start3A_148 : memref<1x6272xf32, #tpu.memory_space<hbm>> -> memref<6272xf32, #tpu.memory_space<hbm>>
      %dma_start3A_150 = tpu.memref_slice %arg7[%mul3A_144] : memref<100352xf32, #tpu.memory_space<vmem_shared>> -> memref<6272xf32, #tpu.memory_space<vmem_shared>>
      tpu.enqueue_dma source(%dma_start3A_150 : memref<6272xf32, #tpu.memory_space<vmem_shared>>) target(%dma_start3A_149 : memref<6272xf32, #tpu.memory_space<hbm>>) target_semaphore(%run_scoped3A_147 : memref<!tpu.dma_semaphore, #tpu.memory_space<semaphore_mem>>)
      %dma_wait3A_151 = tpu.memref_slice %arg4[%arg0, %mul3A_146] : memref<2x100352xf32, #tpu.memory_space<hbm>> -> memref<1x6272xf32, #tpu.memory_space<hbm>>
      %dma_wait3A_152 = tpu.memref_squeeze %dma_wait3A_151 : memref<1x6272xf32, #tpu.memory_space<hbm>> -> memref<6272xf32, #tpu.memory_space<hbm>>
      %dma_wait3A_153 = tpu.memref_slice %arg7[%mul3A_144] : memref<100352xf32, #tpu.memory_space<vmem_shared>> -> memref<6272xf32, #tpu.memory_space<vmem_shared>>
      tpu.wait_dma2 semaphore(%run_scoped3A_147 : memref<!tpu.dma_semaphore, #tpu.memory_space<semaphore_mem>>) src(%dma_wait3A_153 : memref<6272xf32, #tpu.memory_space<vmem_shared>>) dst(%dma_wait3A_152 : memref<6272xf32, #tpu.memory_space<hbm>>)
      tpu.yield
    }) : () -> ()
    return
  }
}

#map = affine_map<(d0, d1) -> (0, 0)>
#map1 = affine_map<(d0, d1) -> (0, 0, 0)>
module attributes {stable_mosaic.version = 14 : i64} {
  func.func @_edge_pass(%arg0: i32, %arg1: i32, %arg2: memref<100352x16xf32, #tpu.memory_space<hbm>>, %arg3: memref<2x3200000xi32, #tpu.memory_space<hbm>>, %arg4: memref<100352x16xf32, #tpu.memory_space<hbm>>, %arg5: memref<2x100352x16xf32, #tpu.memory_space<hbm>>, %arg6: memref<2048xi32, #tpu.memory_space<vmem>>, %arg7: memref<2048xi32, #tpu.memory_space<vmem>>, %arg8: memref<1024x16xf32, #tpu.memory_space<vmem>>, %arg9: memref<100352x16xf32, #tpu.memory_space<vmem_shared>>, %arg10: memref<!tpu.dma_semaphore, #tpu.memory_space<semaphore_mem>>, %arg11: memref<!tpu.dma_semaphore, #tpu.memory_space<semaphore_mem>>, %arg12: memref<!tpu.dma_semaphore, #tpu.memory_space<semaphore_mem>>) attributes {dimension_semantics = [#tpu.dimension_semantics<core_parallel>, #tpu.dimension_semantics<subcore_parallel>], iteration_bounds = array<i64: 2, 16>, scalar_prefetch = 0 : i64, scratch_operands = 7 : i64, tpu.core_type = #tpu.core_type<sc_vector_subcore>, window_params = [{transform_indices = #map}, {transform_indices = #map}, {transform_indices = #map}, {transform_indices = #map1}]} {
    %mul3A = arith.constant 16 : i32
    %mul3A_0 = arith.muli %arg0, %mul3A : i32
    %add3A = arith.addi %mul3A_0, %arg1 : i32
    %mul3A_1 = arith.constant 6272 : i32
    %mul3A_2 = arith.muli %arg1, %mul3A_1 : i32
    %mul3A_3 = arith.constant 6272 : i32
    %mul3A_4 = arith.muli %arg1, %mul3A_3 : i32
    "tpu.region"() ({
      %run_scoped3A_246 = tpu.sem_alloc : memref<!tpu.dma_semaphore, #tpu.memory_space<semaphore_mem>>
      %dma_start3A_247 = arith.constant 0 : i32
      %dma_start3A_248 = tpu.memref_slice %arg9[%mul3A_4, %dma_start3A_247] : memref<100352x16xf32, #tpu.memory_space<vmem_shared>> -> memref<6272x16xf32, #tpu.memory_space<vmem_shared>>
      %dma_start3A_249 = arith.constant 0 : i32
      %dma_start3A_250 = tpu.memref_slice %arg4[%mul3A_2, %dma_start3A_249] : memref<100352x16xf32, #tpu.memory_space<hbm>> -> memref<6272x16xf32, #tpu.memory_space<hbm>>
      tpu.enqueue_dma source(%dma_start3A_250 : memref<6272x16xf32, #tpu.memory_space<hbm>>) target(%dma_start3A_248 : memref<6272x16xf32, #tpu.memory_space<vmem_shared>>) target_semaphore(%run_scoped3A_246 : memref<!tpu.dma_semaphore, #tpu.memory_space<semaphore_mem>>)
      %dma_wait3A_251 = arith.constant 0 : i32
      %dma_wait3A_252 = tpu.memref_slice %arg9[%mul3A_4, %dma_wait3A_251] : memref<100352x16xf32, #tpu.memory_space<vmem_shared>> -> memref<6272x16xf32, #tpu.memory_space<vmem_shared>>
      %dma_wait3A_253 = arith.constant 0 : i32
      %dma_wait3A_254 = tpu.memref_slice %arg4[%mul3A_2, %dma_wait3A_253] : memref<100352x16xf32, #tpu.memory_space<hbm>> -> memref<6272x16xf32, #tpu.memory_space<hbm>>
      tpu.wait_dma2 semaphore(%run_scoped3A_246 : memref<!tpu.dma_semaphore, #tpu.memory_space<semaphore_mem>>) src(%dma_wait3A_254 : memref<6272x16xf32, #tpu.memory_space<hbm>>) dst(%dma_wait3A_252 : memref<6272x16xf32, #tpu.memory_space<vmem_shared>>)
      tpu.yield
    }) : () -> ()
    %barrier3A = arith.constant 0 : index
    tpu.barrier barrier_id(%barrier3A)
    %mul3A_5 = arith.constant 100000 : i32
    %mul3A_6 = arith.muli %add3A, %mul3A_5 : i32
    %add3A_7 = arith.constant 0 : i32
    %add3A_8 = arith.addi %mul3A_6, %add3A_7 : i32
    %add3A_9 = arith.constant 0 : i32
    %add3A_10 = arith.addi %mul3A_6, %add3A_9 : i32
    %dma_start3A = arith.constant 0 : i32
    %dma_start3A_11 = arith.constant 0 : i32
    %dma_start3A_12 = tpu.memref_slice %arg6[%dma_start3A_11] : memref<2048xi32, #tpu.memory_space<vmem>> -> memref<512xi32, #tpu.memory_space<vmem>>
    %dma_start3A_13 = tpu.memref_slice %arg3[%dma_start3A, %add3A_8] : memref<2x3200000xi32, #tpu.memory_space<hbm>> -> memref<1x512xi32, #tpu.memory_space<hbm>>
    %dma_start3A_14 = tpu.memref_squeeze %dma_start3A_13 : memref<1x512xi32, #tpu.memory_space<hbm>> -> memref<512xi32, #tpu.memory_space<hbm>>
    %dma_start3A_15 = arith.constant 0 : i32
    %dma_start3A_16 = tpu.memref_slice %arg6[%dma_start3A_15] : memref<2048xi32, #tpu.memory_space<vmem>> -> memref<512xi32, #tpu.memory_space<vmem>>
    %dma_start3A_17 = tpu.memref_slice %arg3[%dma_start3A, %add3A_8] : memref<2x3200000xi32, #tpu.memory_space<hbm>> -> memref<1x512xi32, #tpu.memory_space<hbm>>
    %dma_start3A_18 = tpu.memref_squeeze %dma_start3A_17 : memref<1x512xi32, #tpu.memory_space<hbm>> -> memref<512xi32, #tpu.memory_space<hbm>>
    tpu.enqueue_dma source(%dma_start3A_18 : memref<512xi32, #tpu.memory_space<hbm>>) target(%dma_start3A_16 : memref<512xi32, #tpu.memory_space<vmem>>) target_semaphore(%arg12 : memref<!tpu.dma_semaphore, #tpu.memory_space<semaphore_mem>>)
    %dma_start3A_19 = arith.constant 1 : i32
    %dma_start3A_20 = arith.constant 0 : i32
    %dma_start3A_21 = tpu.memref_slice %arg7[%dma_start3A_20] : memref<2048xi32, #tpu.memory_space<vmem>> -> memref<512xi32, #tpu.memory_space<vmem>>
    %dma_start3A_22 = tpu.memref_slice %arg3[%dma_start3A_19, %add3A_10] : memref<2x3200000xi32, #tpu.memory_space<hbm>> -> memref<1x512xi32, #tpu.memory_space<hbm>>
    %dma_start3A_23 = tpu.memref_squeeze %dma_start3A_22 : memref<1x512xi32, #tpu.memory_space<hbm>> -> memref<512xi32, #tpu.memory_space<hbm>>
    %dma_start3A_24 = arith.constant 0 : i32
    %dma_start3A_25 = tpu.memref_slice %arg7[%dma_start3A_24] : memref<2048xi32, #tpu.memory_space<vmem>> -> memref<512xi32, #tpu.memory_space<vmem>>
    %dma_start3A_26 = tpu.memref_slice %arg3[%dma_start3A_19, %add3A_10] : memref<2x3200000xi32, #tpu.memory_space<hbm>> -> memref<1x512xi32, #tpu.memory_space<hbm>>
    %dma_start3A_27 = tpu.memref_squeeze %dma_start3A_26 : memref<1x512xi32, #tpu.memory_space<hbm>> -> memref<512xi32, #tpu.memory_space<hbm>>
    tpu.enqueue_dma source(%dma_start3A_27 : memref<512xi32, #tpu.memory_space<hbm>>) target(%dma_start3A_25 : memref<512xi32, #tpu.memory_space<vmem>>) target_semaphore(%arg12 : memref<!tpu.dma_semaphore, #tpu.memory_space<semaphore_mem>>)
    %add3A_28 = arith.constant 512 : i32
    %add3A_29 = arith.addi %mul3A_6, %add3A_28 : i32
    %add3A_30 = arith.constant 512 : i32
    %add3A_31 = arith.addi %mul3A_6, %add3A_30 : i32
    %dma_start3A_32 = arith.constant 0 : i32
    %dma_start3A_33 = arith.constant 512 : i32
    %dma_start3A_34 = tpu.memref_slice %arg6[%dma_start3A_33] : memref<2048xi32, #tpu.memory_space<vmem>> -> memref<512xi32, #tpu.memory_space<vmem>>
    %dma_start3A_35 = tpu.memref_slice %arg3[%dma_start3A_32, %add3A_29] : memref<2x3200000xi32, #tpu.memory_space<hbm>> -> memref<1x512xi32, #tpu.memory_space<hbm>>
    %dma_start3A_36 = tpu.memref_squeeze %dma_start3A_35 : memref<1x512xi32, #tpu.memory_space<hbm>> -> memref<512xi32, #tpu.memory_space<hbm>>
    %dma_start3A_37 = arith.constant 512 : i32
    %dma_start3A_38 = tpu.memref_slice %arg6[%dma_start3A_37] : memref<2048xi32, #tpu.memory_space<vmem>> -> memref<512xi32, #tpu.memory_space<vmem>>
    %dma_start3A_39 = tpu.memref_slice %arg3[%dma_start3A_32, %add3A_29] : memref<2x3200000xi32, #tpu.memory_space<hbm>> -> memref<1x512xi32, #tpu.memory_space<hbm>>
    %dma_start3A_40 = tpu.memref_squeeze %dma_start3A_39 : memref<1x512xi32, #tpu.memory_space<hbm>> -> memref<512xi32, #tpu.memory_space<hbm>>
    tpu.enqueue_dma source(%dma_start3A_40 : memref<512xi32, #tpu.memory_space<hbm>>) target(%dma_start3A_38 : memref<512xi32, #tpu.memory_space<vmem>>) target_semaphore(%arg12 : memref<!tpu.dma_semaphore, #tpu.memory_space<semaphore_mem>>)
    %dma_start3A_41 = arith.constant 1 : i32
    %dma_start3A_42 = arith.constant 512 : i32
    %dma_start3A_43 = tpu.memref_slice %arg7[%dma_start3A_42] : memref<2048xi32, #tpu.memory_space<vmem>> -> memref<512xi32, #tpu.memory_space<vmem>>
    %dma_start3A_44 = tpu.memref_slice %arg3[%dma_start3A_41, %add3A_31] : memref<2x3200000xi32, #tpu.memory_space<hbm>> -> memref<1x512xi32, #tpu.memory_space<hbm>>
    %dma_start3A_45 = tpu.memref_squeeze %dma_start3A_44 : memref<1x512xi32, #tpu.memory_space<hbm>> -> memref<512xi32, #tpu.memory_space<hbm>>
    %dma_start3A_46 = arith.constant 512 : i32
    %dma_start3A_47 = tpu.memref_slice %arg7[%dma_start3A_46] : memref<2048xi32, #tpu.memory_space<vmem>> -> memref<512xi32, #tpu.memory_space<vmem>>
    %dma_start3A_48 = tpu.memref_slice %arg3[%dma_start3A_41, %add3A_31] : memref<2x3200000xi32, #tpu.memory_space<hbm>> -> memref<1x512xi32, #tpu.memory_space<hbm>>
    %dma_start3A_49 = tpu.memref_squeeze %dma_start3A_48 : memref<1x512xi32, #tpu.memory_space<hbm>> -> memref<512xi32, #tpu.memory_space<hbm>>
    tpu.enqueue_dma source(%dma_start3A_49 : memref<512xi32, #tpu.memory_space<hbm>>) target(%dma_start3A_47 : memref<512xi32, #tpu.memory_space<vmem>>) target_semaphore(%arg12 : memref<!tpu.dma_semaphore, #tpu.memory_space<semaphore_mem>>)
    %add3A_50 = arith.constant 1024 : i32
    %add3A_51 = arith.addi %mul3A_6, %add3A_50 : i32
    %add3A_52 = arith.constant 1024 : i32
    %add3A_53 = arith.addi %mul3A_6, %add3A_52 : i32
    %dma_start3A_54 = arith.constant 0 : i32
    %dma_start3A_55 = arith.constant 1024 : i32
    %dma_start3A_56 = tpu.memref_slice %arg6[%dma_start3A_55] : memref<2048xi32, #tpu.memory_space<vmem>> -> memref<512xi32, #tpu.memory_space<vmem>>
    %dma_start3A_57 = tpu.memref_slice %arg3[%dma_start3A_54, %add3A_51] : memref<2x3200000xi32, #tpu.memory_space<hbm>> -> memref<1x512xi32, #tpu.memory_space<hbm>>
    %dma_start3A_58 = tpu.memref_squeeze %dma_start3A_57 : memref<1x512xi32, #tpu.memory_space<hbm>> -> memref<512xi32, #tpu.memory_space<hbm>>
    %dma_start3A_59 = arith.constant 1024 : i32
    %dma_start3A_60 = tpu.memref_slice %arg6[%dma_start3A_59] : memref<2048xi32, #tpu.memory_space<vmem>> -> memref<512xi32, #tpu.memory_space<vmem>>
    %dma_start3A_61 = tpu.memref_slice %arg3[%dma_start3A_54, %add3A_51] : memref<2x3200000xi32, #tpu.memory_space<hbm>> -> memref<1x512xi32, #tpu.memory_space<hbm>>
    %dma_start3A_62 = tpu.memref_squeeze %dma_start3A_61 : memref<1x512xi32, #tpu.memory_space<hbm>> -> memref<512xi32, #tpu.memory_space<hbm>>
    tpu.enqueue_dma source(%dma_start3A_62 : memref<512xi32, #tpu.memory_space<hbm>>) target(%dma_start3A_60 : memref<512xi32, #tpu.memory_space<vmem>>) target_semaphore(%arg12 : memref<!tpu.dma_semaphore, #tpu.memory_space<semaphore_mem>>)
    %dma_start3A_63 = arith.constant 1 : i32
    %dma_start3A_64 = arith.constant 1024 : i32
    %dma_start3A_65 = tpu.memref_slice %arg7[%dma_start3A_64] : memref<2048xi32, #tpu.memory_space<vmem>> -> memref<512xi32, #tpu.memory_space<vmem>>
    %dma_start3A_66 = tpu.memref_slice %arg3[%dma_start3A_63, %add3A_53] : memref<2x3200000xi32, #tpu.memory_space<hbm>> -> memref<1x512xi32, #tpu.memory_space<hbm>>
    %dma_start3A_67 = tpu.memref_squeeze %dma_start3A_66 : memref<1x512xi32, #tpu.memory_space<hbm>> -> memref<512xi32, #tpu.memory_space<hbm>>
    %dma_start3A_68 = arith.constant 1024 : i32
    %dma_start3A_69 = tpu.memref_slice %arg7[%dma_start3A_68] : memref<2048xi32, #tpu.memory_space<vmem>> -> memref<512xi32, #tpu.memory_space<vmem>>
    %dma_start3A_70 = tpu.memref_slice %arg3[%dma_start3A_63, %add3A_53] : memref<2x3200000xi32, #tpu.memory_space<hbm>> -> memref<1x512xi32, #tpu.memory_space<hbm>>
    %dma_start3A_71 = tpu.memref_squeeze %dma_start3A_70 : memref<1x512xi32, #tpu.memory_space<hbm>> -> memref<512xi32, #tpu.memory_space<hbm>>
    tpu.enqueue_dma source(%dma_start3A_71 : memref<512xi32, #tpu.memory_space<hbm>>) target(%dma_start3A_69 : memref<512xi32, #tpu.memory_space<vmem>>) target_semaphore(%arg12 : memref<!tpu.dma_semaphore, #tpu.memory_space<semaphore_mem>>)
    %add3A_72 = arith.constant 0 : i32
    %add3A_73 = arith.addi %mul3A_6, %add3A_72 : i32
    %add3A_74 = arith.constant 0 : i32
    %add3A_75 = arith.addi %mul3A_6, %add3A_74 : i32
    %dma_wait3A = arith.constant 0 : i32
    %dma_wait3A_76 = arith.constant 0 : i32
    %dma_wait3A_77 = tpu.memref_slice %arg6[%dma_wait3A_76] : memref<2048xi32, #tpu.memory_space<vmem>> -> memref<512xi32, #tpu.memory_space<vmem>>
    %dma_wait3A_78 = tpu.memref_slice %arg3[%dma_wait3A, %add3A_73] : memref<2x3200000xi32, #tpu.memory_space<hbm>> -> memref<1x512xi32, #tpu.memory_space<hbm>>
    %dma_wait3A_79 = tpu.memref_squeeze %dma_wait3A_78 : memref<1x512xi32, #tpu.memory_space<hbm>> -> memref<512xi32, #tpu.memory_space<hbm>>
    %dma_wait3A_80 = arith.constant 0 : i32
    %dma_wait3A_81 = tpu.memref_slice %arg6[%dma_wait3A_80] : memref<2048xi32, #tpu.memory_space<vmem>> -> memref<512xi32, #tpu.memory_space<vmem>>
    %dma_wait3A_82 = tpu.memref_slice %arg3[%dma_wait3A, %add3A_73] : memref<2x3200000xi32, #tpu.memory_space<hbm>> -> memref<1x512xi32, #tpu.memory_space<hbm>>
    %dma_wait3A_83 = tpu.memref_squeeze %dma_wait3A_82 : memref<1x512xi32, #tpu.memory_space<hbm>> -> memref<512xi32, #tpu.memory_space<hbm>>
    tpu.wait_dma2 semaphore(%arg12 : memref<!tpu.dma_semaphore, #tpu.memory_space<semaphore_mem>>) src(%dma_wait3A_83 : memref<512xi32, #tpu.memory_space<hbm>>) dst(%dma_wait3A_81 : memref<512xi32, #tpu.memory_space<vmem>>)
    %dma_wait3A_84 = arith.constant 1 : i32
    %dma_wait3A_85 = arith.constant 0 : i32
    %dma_wait3A_86 = tpu.memref_slice %arg7[%dma_wait3A_85] : memref<2048xi32, #tpu.memory_space<vmem>> -> memref<512xi32, #tpu.memory_space<vmem>>
    %dma_wait3A_87 = tpu.memref_slice %arg3[%dma_wait3A_84, %add3A_75] : memref<2x3200000xi32, #tpu.memory_space<hbm>> -> memref<1x512xi32, #tpu.memory_space<hbm>>
    %dma_wait3A_88 = tpu.memref_squeeze %dma_wait3A_87 : memref<1x512xi32, #tpu.memory_space<hbm>> -> memref<512xi32, #tpu.memory_space<hbm>>
    %dma_wait3A_89 = arith.constant 0 : i32
    %dma_wait3A_90 = tpu.memref_slice %arg7[%dma_wait3A_89] : memref<2048xi32, #tpu.memory_space<vmem>> -> memref<512xi32, #tpu.memory_space<vmem>>
    %dma_wait3A_91 = tpu.memref_slice %arg3[%dma_wait3A_84, %add3A_75] : memref<2x3200000xi32, #tpu.memory_space<hbm>> -> memref<1x512xi32, #tpu.memory_space<hbm>>
    %dma_wait3A_92 = tpu.memref_squeeze %dma_wait3A_91 : memref<1x512xi32, #tpu.memory_space<hbm>> -> memref<512xi32, #tpu.memory_space<hbm>>
    tpu.wait_dma2 semaphore(%arg12 : memref<!tpu.dma_semaphore, #tpu.memory_space<semaphore_mem>>) src(%dma_wait3A_92 : memref<512xi32, #tpu.memory_space<hbm>>) dst(%dma_wait3A_90 : memref<512xi32, #tpu.memory_space<vmem>>)
    %dma_start3A_93 = arith.constant 0 : i32
    %dma_start3A_94 = arith.constant 0 : i32
    %dma_start3A_95 = tpu.memref_slice %arg8[%dma_start3A_93, %dma_start3A_94] : memref<1024x16xf32, #tpu.memory_space<vmem>> -> memref<512x16xf32, #tpu.memory_space<vmem>>
    %dma_start3A_96 = arith.constant 0 : i32
    %dma_start3A_97 = tpu.memref_slice %arg6[%dma_start3A_96] : memref<2048xi32, #tpu.memory_space<vmem>> -> memref<512xi32, #tpu.memory_space<vmem>>
    %dma_start3A_98 = arith.constant 0 : i32
    %dma_start3A_99 = arith.constant 0 : i32
    %dma_start3A_100 = tpu.memref_slice %arg2[%dma_start3A_98, %dma_start3A_99] : memref<100352x16xf32, #tpu.memory_space<hbm>> -> memref<100352x16xf32, #tpu.memory_space<hbm>>
    tpu.enqueue_indirect_dma source(%dma_start3A_100 : memref<100352x16xf32, #tpu.memory_space<hbm>>) target(%dma_start3A_95 : memref<512x16xf32, #tpu.memory_space<vmem>>) offsets(%dma_start3A_97 : memref<512xi32, #tpu.memory_space<vmem>>) semaphore(%arg10 : memref<!tpu.dma_semaphore, #tpu.memory_space<semaphore_mem>>)
    %add3A_101 = arith.constant 512 : i32
    %add3A_102 = arith.addi %mul3A_6, %add3A_101 : i32
    %add3A_103 = arith.constant 512 : i32
    %add3A_104 = arith.addi %mul3A_6, %add3A_103 : i32
    %dma_wait3A_105 = arith.constant 0 : i32
    %dma_wait3A_106 = arith.constant 512 : i32
    %dma_wait3A_107 = tpu.memref_slice %arg6[%dma_wait3A_106] : memref<2048xi32, #tpu.memory_space<vmem>> -> memref<512xi32, #tpu.memory_space<vmem>>
    %dma_wait3A_108 = tpu.memref_slice %arg3[%dma_wait3A_105, %add3A_102] : memref<2x3200000xi32, #tpu.memory_space<hbm>> -> memref<1x512xi32, #tpu.memory_space<hbm>>
    %dma_wait3A_109 = tpu.memref_squeeze %dma_wait3A_108 : memref<1x512xi32, #tpu.memory_space<hbm>> -> memref<512xi32, #tpu.memory_space<hbm>>
    %dma_wait3A_110 = arith.constant 512 : i32
    %dma_wait3A_111 = tpu.memref_slice %arg6[%dma_wait3A_110] : memref<2048xi32, #tpu.memory_space<vmem>> -> memref<512xi32, #tpu.memory_space<vmem>>
    %dma_wait3A_112 = tpu.memref_slice %arg3[%dma_wait3A_105, %add3A_102] : memref<2x3200000xi32, #tpu.memory_space<hbm>> -> memref<1x512xi32, #tpu.memory_space<hbm>>
    %dma_wait3A_113 = tpu.memref_squeeze %dma_wait3A_112 : memref<1x512xi32, #tpu.memory_space<hbm>> -> memref<512xi32, #tpu.memory_space<hbm>>
    tpu.wait_dma2 semaphore(%arg12 : memref<!tpu.dma_semaphore, #tpu.memory_space<semaphore_mem>>) src(%dma_wait3A_113 : memref<512xi32, #tpu.memory_space<hbm>>) dst(%dma_wait3A_111 : memref<512xi32, #tpu.memory_space<vmem>>)
    %dma_wait3A_114 = arith.constant 1 : i32
    %dma_wait3A_115 = arith.constant 512 : i32
    %dma_wait3A_116 = tpu.memref_slice %arg7[%dma_wait3A_115] : memref<2048xi32, #tpu.memory_space<vmem>> -> memref<512xi32, #tpu.memory_space<vmem>>
    %dma_wait3A_117 = tpu.memref_slice %arg3[%dma_wait3A_114, %add3A_104] : memref<2x3200000xi32, #tpu.memory_space<hbm>> -> memref<1x512xi32, #tpu.memory_space<hbm>>
    %dma_wait3A_118 = tpu.memref_squeeze %dma_wait3A_117 : memref<1x512xi32, #tpu.memory_space<hbm>> -> memref<512xi32, #tpu.memory_space<hbm>>
    %dma_wait3A_119 = arith.constant 512 : i32
    %dma_wait3A_120 = tpu.memref_slice %arg7[%dma_wait3A_119] : memref<2048xi32, #tpu.memory_space<vmem>> -> memref<512xi32, #tpu.memory_space<vmem>>
    %dma_wait3A_121 = tpu.memref_slice %arg3[%dma_wait3A_114, %add3A_104] : memref<2x3200000xi32, #tpu.memory_space<hbm>> -> memref<1x512xi32, #tpu.memory_space<hbm>>
    %dma_wait3A_122 = tpu.memref_squeeze %dma_wait3A_121 : memref<1x512xi32, #tpu.memory_space<hbm>> -> memref<512xi32, #tpu.memory_space<hbm>>
    tpu.wait_dma2 semaphore(%arg12 : memref<!tpu.dma_semaphore, #tpu.memory_space<semaphore_mem>>) src(%dma_wait3A_122 : memref<512xi32, #tpu.memory_space<hbm>>) dst(%dma_wait3A_120 : memref<512xi32, #tpu.memory_space<vmem>>)
    %dma_start3A_123 = arith.constant 512 : i32
    %dma_start3A_124 = arith.constant 0 : i32
    %dma_start3A_125 = tpu.memref_slice %arg8[%dma_start3A_123, %dma_start3A_124] : memref<1024x16xf32, #tpu.memory_space<vmem>> -> memref<512x16xf32, #tpu.memory_space<vmem>>
    %dma_start3A_126 = arith.constant 512 : i32
    %dma_start3A_127 = tpu.memref_slice %arg6[%dma_start3A_126] : memref<2048xi32, #tpu.memory_space<vmem>> -> memref<512xi32, #tpu.memory_space<vmem>>
    %dma_start3A_128 = arith.constant 0 : i32
    %dma_start3A_129 = arith.constant 0 : i32
    %dma_start3A_130 = tpu.memref_slice %arg2[%dma_start3A_128, %dma_start3A_129] : memref<100352x16xf32, #tpu.memory_space<hbm>> -> memref<100352x16xf32, #tpu.memory_space<hbm>>
    tpu.enqueue_indirect_dma source(%dma_start3A_130 : memref<100352x16xf32, #tpu.memory_space<hbm>>) target(%dma_start3A_125 : memref<512x16xf32, #tpu.memory_space<vmem>>) offsets(%dma_start3A_127 : memref<512xi32, #tpu.memory_space<vmem>>) semaphore(%arg10 : memref<!tpu.dma_semaphore, #tpu.memory_space<semaphore_mem>>)
    %dma_wait3A_131 = arith.constant 0 : i32
    %dma_wait3A_132 = arith.constant 0 : i32
    %dma_wait3A_133 = tpu.memref_slice %arg8[%dma_wait3A_131, %dma_wait3A_132] : memref<1024x16xf32, #tpu.memory_space<vmem>> -> memref<512x16xf32, #tpu.memory_space<vmem>>
    %dma_wait3A_134 = arith.constant 0 : i32
    %dma_wait3A_135 = tpu.memref_slice %arg6[%dma_wait3A_134] : memref<2048xi32, #tpu.memory_space<vmem>> -> memref<512xi32, #tpu.memory_space<vmem>>
    %dma_wait3A_136 = arith.constant 0 : i32
    %dma_wait3A_137 = arith.constant 0 : i32
    %dma_wait3A_138 = tpu.memref_slice %arg2[%dma_wait3A_136, %dma_wait3A_137] : memref<100352x16xf32, #tpu.memory_space<hbm>> -> memref<100352x16xf32, #tpu.memory_space<hbm>>
    tpu.wait_indirect_dma semaphore(%arg10 : memref<!tpu.dma_semaphore, #tpu.memory_space<semaphore_mem>>) src(%dma_wait3A_138 : memref<100352x16xf32, #tpu.memory_space<hbm>>) dst(%dma_wait3A_133 : memref<512x16xf32, #tpu.memory_space<vmem>>)
    %dma_start3A_139 = arith.constant 0 : i32
    %dma_start3A_140 = arith.constant 0 : i32
    %dma_start3A_141 = tpu.memref_slice %arg8[%dma_start3A_139, %dma_start3A_140] : memref<1024x16xf32, #tpu.memory_space<vmem>> -> memref<512x16xf32, #tpu.memory_space<vmem>>
    %dma_start3A_142 = arith.constant 0 : i32
    %dma_start3A_143 = tpu.memref_slice %arg7[%dma_start3A_142] : memref<2048xi32, #tpu.memory_space<vmem>> -> memref<512xi32, #tpu.memory_space<vmem>>
    %dma_start3A_144 = arith.constant 0 : i32
    %dma_start3A_145 = arith.constant 0 : i32
    %dma_start3A_146 = tpu.memref_slice %arg9[%dma_start3A_144, %dma_start3A_145] : memref<100352x16xf32, #tpu.memory_space<vmem_shared>> -> memref<100352x16xf32, #tpu.memory_space<vmem_shared>>
    tpu.enqueue_indirect_dma source(%dma_start3A_141 : memref<512x16xf32, #tpu.memory_space<vmem>>) target(%dma_start3A_146 : memref<100352x16xf32, #tpu.memory_space<vmem_shared>>) offsets(%dma_start3A_143 : memref<512xi32, #tpu.memory_space<vmem>>) semaphore(%arg11 : memref<!tpu.dma_semaphore, #tpu.memory_space<semaphore_mem>>) {add = true}
    %scan3A = arith.constant 0 : i32
    %scan3A_147 = arith.constant 1 : i32
    %scan3A_148 = arith.constant 193 : i32
    %scan3A_149 = arith.addi %scan3A_147, %scan3A_148 : i32
    %scan3A_150 = arith.constant 1 : i32
    scf.for %scan3A_246 = %scan3A_147 to %scan3A_149 step %scan3A_150  : i32 {
      %and3A = arith.constant 3 : i32
      %and3A_247 = arith.andi %scan3A_246, %and3A : i32
      %and3A_248 = arith.constant 1 : i32
      %and3A_249 = arith.andi %scan3A_246, %and3A_248 : i32
      %mul3A_250 = arith.constant 512 : i32
      %mul3A_251 = arith.muli %and3A_247, %mul3A_250 : i32
      %mul3A_252 = arith.constant 512 : i32
      %mul3A_253 = arith.muli %and3A_249, %mul3A_252 : i32
      %dma_wait3A_254 = arith.constant 0 : i32
      %dma_wait3A_255 = tpu.memref_slice %arg8[%mul3A_253, %dma_wait3A_254] : memref<1024x16xf32, #tpu.memory_space<vmem>> -> memref<512x16xf32, #tpu.memory_space<vmem>>
      %dma_wait3A_256 = tpu.memref_slice %arg6[%mul3A_251] : memref<2048xi32, #tpu.memory_space<vmem>> -> memref<512xi32, #tpu.memory_space<vmem>>
      %dma_wait3A_257 = arith.constant 0 : i32
      %dma_wait3A_258 = arith.constant 0 : i32
      %dma_wait3A_259 = tpu.memref_slice %arg2[%dma_wait3A_257, %dma_wait3A_258] : memref<100352x16xf32, #tpu.memory_space<hbm>> -> memref<100352x16xf32, #tpu.memory_space<hbm>>
      tpu.wait_indirect_dma semaphore(%arg10 : memref<!tpu.dma_semaphore, #tpu.memory_space<semaphore_mem>>) src(%dma_wait3A_259 : memref<100352x16xf32, #tpu.memory_space<hbm>>) dst(%dma_wait3A_255 : memref<512x16xf32, #tpu.memory_space<vmem>>)
      %sub3A = arith.constant 1 : i32
      %sub3A_260 = arith.subi %scan3A_246, %sub3A : i32
      %and3A_261 = arith.constant 3 : i32
      %and3A_262 = arith.andi %sub3A_260, %and3A_261 : i32
      %and3A_263 = arith.constant 1 : i32
      %and3A_264 = arith.andi %sub3A_260, %and3A_263 : i32
      %mul3A_265 = arith.constant 512 : i32
      %mul3A_266 = arith.muli %and3A_264, %mul3A_265 : i32
      %mul3A_267 = arith.constant 512 : i32
      %mul3A_268 = arith.muli %and3A_262, %mul3A_267 : i32
      %dma_wait3A_269 = arith.constant 0 : i32
      %dma_wait3A_270 = tpu.memref_slice %arg8[%mul3A_266, %dma_wait3A_269] : memref<1024x16xf32, #tpu.memory_space<vmem>> -> memref<512x16xf32, #tpu.memory_space<vmem>>
      %dma_wait3A_271 = tpu.memref_slice %arg7[%mul3A_268] : memref<2048xi32, #tpu.memory_space<vmem>> -> memref<512xi32, #tpu.memory_space<vmem>>
      %dma_wait3A_272 = arith.constant 0 : i32
      %dma_wait3A_273 = arith.constant 0 : i32
      %dma_wait3A_274 = tpu.memref_slice %arg9[%dma_wait3A_272, %dma_wait3A_273] : memref<100352x16xf32, #tpu.memory_space<vmem_shared>> -> memref<100352x16xf32, #tpu.memory_space<vmem_shared>>
      tpu.wait_indirect_dma semaphore(%arg11 : memref<!tpu.dma_semaphore, #tpu.memory_space<semaphore_mem>>) src(%dma_wait3A_270 : memref<512x16xf32, #tpu.memory_space<vmem>>) dst(%dma_wait3A_274 : memref<100352x16xf32, #tpu.memory_space<vmem_shared>>)
      %add3A_275 = arith.constant 1 : i32
      %add3A_276 = arith.addi %scan3A_246, %add3A_275 : i32
      %and3A_277 = arith.constant 3 : i32
      %and3A_278 = arith.andi %add3A_276, %and3A_277 : i32
      %mul3A_279 = arith.constant 512 : i32
      %mul3A_280 = arith.muli %add3A_276, %mul3A_279 : i32
      %add3A_281 = arith.addi %mul3A_6, %mul3A_280 : i32
      %mul3A_282 = arith.constant 512 : i32
      %mul3A_283 = arith.muli %and3A_278, %mul3A_282 : i32
      %mul3A_284 = arith.constant 512 : i32
      %mul3A_285 = arith.muli %add3A_276, %mul3A_284 : i32
      %add3A_286 = arith.addi %mul3A_6, %mul3A_285 : i32
      %mul3A_287 = arith.constant 512 : i32
      %mul3A_288 = arith.muli %and3A_278, %mul3A_287 : i32
      %dma_wait3A_289 = arith.constant 0 : i32
      %dma_wait3A_290 = tpu.memref_slice %arg6[%mul3A_283] : memref<2048xi32, #tpu.memory_space<vmem>> -> memref<512xi32, #tpu.memory_space<vmem>>
      %dma_wait3A_291 = tpu.memref_slice %arg3[%dma_wait3A_289, %add3A_281] : memref<2x3200000xi32, #tpu.memory_space<hbm>> -> memref<1x512xi32, #tpu.memory_space<hbm>>
      %dma_wait3A_292 = tpu.memref_squeeze %dma_wait3A_291 : memref<1x512xi32, #tpu.memory_space<hbm>> -> memref<512xi32, #tpu.memory_space<hbm>>
      %dma_wait3A_293 = tpu.memref_slice %arg6[%mul3A_283] : memref<2048xi32, #tpu.memory_space<vmem>> -> memref<512xi32, #tpu.memory_space<vmem>>
      %dma_wait3A_294 = tpu.memref_slice %arg3[%dma_wait3A_289, %add3A_281] : memref<2x3200000xi32, #tpu.memory_space<hbm>> -> memref<1x512xi32, #tpu.memory_space<hbm>>
      %dma_wait3A_295 = tpu.memref_squeeze %dma_wait3A_294 : memref<1x512xi32, #tpu.memory_space<hbm>> -> memref<512xi32, #tpu.memory_space<hbm>>
      tpu.wait_dma2 semaphore(%arg12 : memref<!tpu.dma_semaphore, #tpu.memory_space<semaphore_mem>>) src(%dma_wait3A_295 : memref<512xi32, #tpu.memory_space<hbm>>) dst(%dma_wait3A_293 : memref<512xi32, #tpu.memory_space<vmem>>)
      %dma_wait3A_296 = arith.constant 1 : i32
      %dma_wait3A_297 = tpu.memref_slice %arg7[%mul3A_288] : memref<2048xi32, #tpu.memory_space<vmem>> -> memref<512xi32, #tpu.memory_space<vmem>>
      %dma_wait3A_298 = tpu.memref_slice %arg3[%dma_wait3A_296, %add3A_286] : memref<2x3200000xi32, #tpu.memory_space<hbm>> -> memref<1x512xi32, #tpu.memory_space<hbm>>
      %dma_wait3A_299 = tpu.memref_squeeze %dma_wait3A_298 : memref<1x512xi32, #tpu.memory_space<hbm>> -> memref<512xi32, #tpu.memory_space<hbm>>
      %dma_wait3A_300 = tpu.memref_slice %arg7[%mul3A_288] : memref<2048xi32, #tpu.memory_space<vmem>> -> memref<512xi32, #tpu.memory_space<vmem>>
      %dma_wait3A_301 = tpu.memref_slice %arg3[%dma_wait3A_296, %add3A_286] : memref<2x3200000xi32, #tpu.memory_space<hbm>> -> memref<1x512xi32, #tpu.memory_space<hbm>>
      %dma_wait3A_302 = tpu.memref_squeeze %dma_wait3A_301 : memref<1x512xi32, #tpu.memory_space<hbm>> -> memref<512xi32, #tpu.memory_space<hbm>>
      tpu.wait_dma2 semaphore(%arg12 : memref<!tpu.dma_semaphore, #tpu.memory_space<semaphore_mem>>) src(%dma_wait3A_302 : memref<512xi32, #tpu.memory_space<hbm>>) dst(%dma_wait3A_300 : memref<512xi32, #tpu.memory_space<vmem>>)
      %add3A_303 = arith.constant 2 : i32
      %add3A_304 = arith.addi %scan3A_246, %add3A_303 : i32
      %min3A = arith.constant 194 : i32
      %min3A_305 = arith.minsi %add3A_304, %min3A : i32
      %and3A_306 = arith.constant 3 : i32
      %and3A_307 = arith.andi %min3A_305, %and3A_306 : i32
      %mul3A_308 = arith.constant 512 : i32
      %mul3A_309 = arith.muli %min3A_305, %mul3A_308 : i32
      %add3A_310 = arith.addi %mul3A_6, %mul3A_309 : i32
      %mul3A_311 = arith.constant 512 : i32
      %mul3A_312 = arith.muli %and3A_307, %mul3A_311 : i32
      %mul3A_313 = arith.constant 512 : i32
      %mul3A_314 = arith.muli %min3A_305, %mul3A_313 : i32
      %add3A_315 = arith.addi %mul3A_6, %mul3A_314 : i32
      %mul3A_316 = arith.constant 512 : i32
      %mul3A_317 = arith.muli %and3A_307, %mul3A_316 : i32
      %dma_start3A_318 = arith.constant 0 : i32
      %dma_start3A_319 = tpu.memref_slice %arg6[%mul3A_312] : memref<2048xi32, #tpu.memory_space<vmem>> -> memref<512xi32, #tpu.memory_space<vmem>>
      %dma_start3A_320 = tpu.memref_slice %arg3[%dma_start3A_318, %add3A_310] : memref<2x3200000xi32, #tpu.memory_space<hbm>> -> memref<1x512xi32, #tpu.memory_space<hbm>>
      %dma_start3A_321 = tpu.memref_squeeze %dma_start3A_320 : memref<1x512xi32, #tpu.memory_space<hbm>> -> memref<512xi32, #tpu.memory_space<hbm>>
      %dma_start3A_322 = tpu.memref_slice %arg6[%mul3A_312] : memref<2048xi32, #tpu.memory_space<vmem>> -> memref<512xi32, #tpu.memory_space<vmem>>
      %dma_start3A_323 = tpu.memref_slice %arg3[%dma_start3A_318, %add3A_310] : memref<2x3200000xi32, #tpu.memory_space<hbm>> -> memref<1x512xi32, #tpu.memory_space<hbm>>
      %dma_start3A_324 = tpu.memref_squeeze %dma_start3A_323 : memref<1x512xi32, #tpu.memory_space<hbm>> -> memref<512xi32, #tpu.memory_space<hbm>>
      tpu.enqueue_dma source(%dma_start3A_324 : memref<512xi32, #tpu.memory_space<hbm>>) target(%dma_start3A_322 : memref<512xi32, #tpu.memory_space<vmem>>) target_semaphore(%arg12 : memref<!tpu.dma_semaphore, #tpu.memory_space<semaphore_mem>>)
      %dma_start3A_325 = arith.constant 1 : i32
      %dma_start3A_326 = tpu.memref_slice %arg7[%mul3A_317] : memref<2048xi32, #tpu.memory_space<vmem>> -> memref<512xi32, #tpu.memory_space<vmem>>
      %dma_start3A_327 = tpu.memref_slice %arg3[%dma_start3A_325, %add3A_315] : memref<2x3200000xi32, #tpu.memory_space<hbm>> -> memref<1x512xi32, #tpu.memory_space<hbm>>
      %dma_start3A_328 = tpu.memref_squeeze %dma_start3A_327 : memref<1x512xi32, #tpu.memory_space<hbm>> -> memref<512xi32, #tpu.memory_space<hbm>>
      %dma_start3A_329 = tpu.memref_slice %arg7[%mul3A_317] : memref<2048xi32, #tpu.memory_space<vmem>> -> memref<512xi32, #tpu.memory_space<vmem>>
      %dma_start3A_330 = tpu.memref_slice %arg3[%dma_start3A_325, %add3A_315] : memref<2x3200000xi32, #tpu.memory_space<hbm>> -> memref<1x512xi32, #tpu.memory_space<hbm>>
      %dma_start3A_331 = tpu.memref_squeeze %dma_start3A_330 : memref<1x512xi32, #tpu.memory_space<hbm>> -> memref<512xi32, #tpu.memory_space<hbm>>
      tpu.enqueue_dma source(%dma_start3A_331 : memref<512xi32, #tpu.memory_space<hbm>>) target(%dma_start3A_329 : memref<512xi32, #tpu.memory_space<vmem>>) target_semaphore(%arg12 : memref<!tpu.dma_semaphore, #tpu.memory_space<semaphore_mem>>)
      %add3A_332 = arith.constant 1 : i32
      %add3A_333 = arith.addi %scan3A_246, %add3A_332 : i32
      %and3A_334 = arith.constant 3 : i32
      %and3A_335 = arith.andi %add3A_333, %and3A_334 : i32
      %and3A_336 = arith.constant 1 : i32
      %and3A_337 = arith.andi %add3A_333, %and3A_336 : i32
      %mul3A_338 = arith.constant 512 : i32
      %mul3A_339 = arith.muli %and3A_335, %mul3A_338 : i32
      %mul3A_340 = arith.constant 512 : i32
      %mul3A_341 = arith.muli %and3A_337, %mul3A_340 : i32
      %dma_start3A_342 = arith.constant 0 : i32
      %dma_start3A_343 = tpu.memref_slice %arg8[%mul3A_341, %dma_start3A_342] : memref<1024x16xf32, #tpu.memory_space<vmem>> -> memref<512x16xf32, #tpu.memory_space<vmem>>
      %dma_start3A_344 = tpu.memref_slice %arg6[%mul3A_339] : memref<2048xi32, #tpu.memory_space<vmem>> -> memref<512xi32, #tpu.memory_space<vmem>>
      %dma_start3A_345 = arith.constant 0 : i32
      %dma_start3A_346 = arith.constant 0 : i32
      %dma_start3A_347 = tpu.memref_slice %arg2[%dma_start3A_345, %dma_start3A_346] : memref<100352x16xf32, #tpu.memory_space<hbm>> -> memref<100352x16xf32, #tpu.memory_space<hbm>>
      tpu.enqueue_indirect_dma source(%dma_start3A_347 : memref<100352x16xf32, #tpu.memory_space<hbm>>) target(%dma_start3A_343 : memref<512x16xf32, #tpu.memory_space<vmem>>) offsets(%dma_start3A_344 : memref<512xi32, #tpu.memory_space<vmem>>) semaphore(%arg10 : memref<!tpu.dma_semaphore, #tpu.memory_space<semaphore_mem>>)
      %and3A_348 = arith.constant 3 : i32
      %and3A_349 = arith.andi %scan3A_246, %and3A_348 : i32
      %and3A_350 = arith.constant 1 : i32
      %and3A_351 = arith.andi %scan3A_246, %and3A_350 : i32
      %mul3A_352 = arith.constant 512 : i32
      %mul3A_353 = arith.muli %and3A_351, %mul3A_352 : i32
      %mul3A_354 = arith.constant 512 : i32
      %mul3A_355 = arith.muli %and3A_349, %mul3A_354 : i32
      %dma_start3A_356 = arith.constant 0 : i32
      %dma_start3A_357 = tpu.memref_slice %arg8[%mul3A_353, %dma_start3A_356] : memref<1024x16xf32, #tpu.memory_space<vmem>> -> memref<512x16xf32, #tpu.memory_space<vmem>>
      %dma_start3A_358 = tpu.memref_slice %arg7[%mul3A_355] : memref<2048xi32, #tpu.memory_space<vmem>> -> memref<512xi32, #tpu.memory_space<vmem>>
      %dma_start3A_359 = arith.constant 0 : i32
      %dma_start3A_360 = arith.constant 0 : i32
      %dma_start3A_361 = tpu.memref_slice %arg9[%dma_start3A_359, %dma_start3A_360] : memref<100352x16xf32, #tpu.memory_space<vmem_shared>> -> memref<100352x16xf32, #tpu.memory_space<vmem_shared>>
      tpu.enqueue_indirect_dma source(%dma_start3A_357 : memref<512x16xf32, #tpu.memory_space<vmem>>) target(%dma_start3A_361 : memref<100352x16xf32, #tpu.memory_space<vmem_shared>>) offsets(%dma_start3A_358 : memref<512xi32, #tpu.memory_space<vmem>>) semaphore(%arg11 : memref<!tpu.dma_semaphore, #tpu.memory_space<semaphore_mem>>) {add = true}
    }
    %scan3A_151 = arith.constant 193 : i32
    %dma_wait3A_152 = arith.constant 0 : i32
    %dma_wait3A_153 = arith.constant 0 : i32
    %dma_wait3A_154 = tpu.memref_slice %arg8[%dma_wait3A_152, %dma_wait3A_153] : memref<1024x16xf32, #tpu.memory_space<vmem>> -> memref<512x16xf32, #tpu.memory_space<vmem>>
    %dma_wait3A_155 = arith.constant 1024 : i32
    %dma_wait3A_156 = tpu.memref_slice %arg6[%dma_wait3A_155] : memref<2048xi32, #tpu.memory_space<vmem>> -> memref<512xi32, #tpu.memory_space<vmem>>
    %dma_wait3A_157 = arith.constant 0 : i32
    %dma_wait3A_158 = arith.constant 0 : i32
    %dma_wait3A_159 = tpu.memref_slice %arg2[%dma_wait3A_157, %dma_wait3A_158] : memref<100352x16xf32, #tpu.memory_space<hbm>> -> memref<100352x16xf32, #tpu.memory_space<hbm>>
    tpu.wait_indirect_dma semaphore(%arg10 : memref<!tpu.dma_semaphore, #tpu.memory_space<semaphore_mem>>) src(%dma_wait3A_159 : memref<100352x16xf32, #tpu.memory_space<hbm>>) dst(%dma_wait3A_154 : memref<512x16xf32, #tpu.memory_space<vmem>>)
    %dma_wait3A_160 = arith.constant 512 : i32
    %dma_wait3A_161 = arith.constant 0 : i32
    %dma_wait3A_162 = tpu.memref_slice %arg8[%dma_wait3A_160, %dma_wait3A_161] : memref<1024x16xf32, #tpu.memory_space<vmem>> -> memref<512x16xf32, #tpu.memory_space<vmem>>
    %dma_wait3A_163 = arith.constant 512 : i32
    %dma_wait3A_164 = tpu.memref_slice %arg7[%dma_wait3A_163] : memref<2048xi32, #tpu.memory_space<vmem>> -> memref<512xi32, #tpu.memory_space<vmem>>
    %dma_wait3A_165 = arith.constant 0 : i32
    %dma_wait3A_166 = arith.constant 0 : i32
    %dma_wait3A_167 = tpu.memref_slice %arg9[%dma_wait3A_165, %dma_wait3A_166] : memref<100352x16xf32, #tpu.memory_space<vmem_shared>> -> memref<100352x16xf32, #tpu.memory_space<vmem_shared>>
    tpu.wait_indirect_dma semaphore(%arg11 : memref<!tpu.dma_semaphore, #tpu.memory_space<semaphore_mem>>) src(%dma_wait3A_162 : memref<512x16xf32, #tpu.memory_space<vmem>>) dst(%dma_wait3A_167 : memref<100352x16xf32, #tpu.memory_space<vmem_shared>>)
    %dma_start3A_168 = arith.constant 0 : i32
    %dma_start3A_169 = arith.constant 0 : i32
    %dma_start3A_170 = tpu.memref_slice %arg8[%dma_start3A_168, %dma_start3A_169] : memref<1024x16xf32, #tpu.memory_space<vmem>> -> memref<512x16xf32, #tpu.memory_space<vmem>>
    %dma_start3A_171 = arith.constant 1024 : i32
    %dma_start3A_172 = tpu.memref_slice %arg7[%dma_start3A_171] : memref<2048xi32, #tpu.memory_space<vmem>> -> memref<512xi32, #tpu.memory_space<vmem>>
    %dma_start3A_173 = arith.constant 0 : i32
    %dma_start3A_174 = arith.constant 0 : i32
    %dma_start3A_175 = tpu.memref_slice %arg9[%dma_start3A_173, %dma_start3A_174] : memref<100352x16xf32, #tpu.memory_space<vmem_shared>> -> memref<100352x16xf32, #tpu.memory_space<vmem_shared>>
    tpu.enqueue_indirect_dma source(%dma_start3A_170 : memref<512x16xf32, #tpu.memory_space<vmem>>) target(%dma_start3A_175 : memref<100352x16xf32, #tpu.memory_space<vmem_shared>>) offsets(%dma_start3A_172 : memref<512xi32, #tpu.memory_space<vmem>>) semaphore(%arg11 : memref<!tpu.dma_semaphore, #tpu.memory_space<semaphore_mem>>) {add = true}
    %dma_wait3A_176 = arith.constant 0 : i32
    %dma_wait3A_177 = arith.constant 0 : i32
    %dma_wait3A_178 = tpu.memref_slice %arg8[%dma_wait3A_176, %dma_wait3A_177] : memref<1024x16xf32, #tpu.memory_space<vmem>> -> memref<512x16xf32, #tpu.memory_space<vmem>>
    %dma_wait3A_179 = arith.constant 1024 : i32
    %dma_wait3A_180 = tpu.memref_slice %arg7[%dma_wait3A_179] : memref<2048xi32, #tpu.memory_space<vmem>> -> memref<512xi32, #tpu.memory_space<vmem>>
    %dma_wait3A_181 = arith.constant 0 : i32
    %dma_wait3A_182 = arith.constant 0 : i32
    %dma_wait3A_183 = tpu.memref_slice %arg9[%dma_wait3A_181, %dma_wait3A_182] : memref<100352x16xf32, #tpu.memory_space<vmem_shared>> -> memref<100352x16xf32, #tpu.memory_space<vmem_shared>>
    tpu.wait_indirect_dma semaphore(%arg11 : memref<!tpu.dma_semaphore, #tpu.memory_space<semaphore_mem>>) src(%dma_wait3A_178 : memref<512x16xf32, #tpu.memory_space<vmem>>) dst(%dma_wait3A_183 : memref<100352x16xf32, #tpu.memory_space<vmem_shared>>)
    %add3A_184 = arith.constant 99328 : i32
    %add3A_185 = arith.addi %mul3A_6, %add3A_184 : i32
    %add3A_186 = arith.constant 99328 : i32
    %add3A_187 = arith.addi %mul3A_6, %add3A_186 : i32
    %dma_wait3A_188 = arith.constant 0 : i32
    %dma_wait3A_189 = arith.constant 1024 : i32
    %dma_wait3A_190 = tpu.memref_slice %arg6[%dma_wait3A_189] : memref<2048xi32, #tpu.memory_space<vmem>> -> memref<512xi32, #tpu.memory_space<vmem>>
    %dma_wait3A_191 = tpu.memref_slice %arg3[%dma_wait3A_188, %add3A_185] : memref<2x3200000xi32, #tpu.memory_space<hbm>> -> memref<1x512xi32, #tpu.memory_space<hbm>>
    %dma_wait3A_192 = tpu.memref_squeeze %dma_wait3A_191 : memref<1x512xi32, #tpu.memory_space<hbm>> -> memref<512xi32, #tpu.memory_space<hbm>>
    %dma_wait3A_193 = arith.constant 1024 : i32
    %dma_wait3A_194 = tpu.memref_slice %arg6[%dma_wait3A_193] : memref<2048xi32, #tpu.memory_space<vmem>> -> memref<512xi32, #tpu.memory_space<vmem>>
    %dma_wait3A_195 = tpu.memref_slice %arg3[%dma_wait3A_188, %add3A_185] : memref<2x3200000xi32, #tpu.memory_space<hbm>> -> memref<1x512xi32, #tpu.memory_space<hbm>>
    %dma_wait3A_196 = tpu.memref_squeeze %dma_wait3A_195 : memref<1x512xi32, #tpu.memory_space<hbm>> -> memref<512xi32, #tpu.memory_space<hbm>>
    tpu.wait_dma2 semaphore(%arg12 : memref<!tpu.dma_semaphore, #tpu.memory_space<semaphore_mem>>) src(%dma_wait3A_196 : memref<512xi32, #tpu.memory_space<hbm>>) dst(%dma_wait3A_194 : memref<512xi32, #tpu.memory_space<vmem>>)
    %dma_wait3A_197 = arith.constant 1 : i32
    %dma_wait3A_198 = arith.constant 1024 : i32
    %dma_wait3A_199 = tpu.memref_slice %arg7[%dma_wait3A_198] : memref<2048xi32, #tpu.memory_space<vmem>> -> memref<512xi32, #tpu.memory_space<vmem>>
    %dma_wait3A_200 = tpu.memref_slice %arg3[%dma_wait3A_197, %add3A_187] : memref<2x3200000xi32, #tpu.memory_space<hbm>> -> memref<1x512xi32, #tpu.memory_space<hbm>>
    %dma_wait3A_201 = tpu.memref_squeeze %dma_wait3A_200 : memref<1x512xi32, #tpu.memory_space<hbm>> -> memref<512xi32, #tpu.memory_space<hbm>>
    %dma_wait3A_202 = arith.constant 1024 : i32
    %dma_wait3A_203 = tpu.memref_slice %arg7[%dma_wait3A_202] : memref<2048xi32, #tpu.memory_space<vmem>> -> memref<512xi32, #tpu.memory_space<vmem>>
    %dma_wait3A_204 = tpu.memref_slice %arg3[%dma_wait3A_197, %add3A_187] : memref<2x3200000xi32, #tpu.memory_space<hbm>> -> memref<1x512xi32, #tpu.memory_space<hbm>>
    %dma_wait3A_205 = tpu.memref_squeeze %dma_wait3A_204 : memref<1x512xi32, #tpu.memory_space<hbm>> -> memref<512xi32, #tpu.memory_space<hbm>>
    tpu.wait_dma2 semaphore(%arg12 : memref<!tpu.dma_semaphore, #tpu.memory_space<semaphore_mem>>) src(%dma_wait3A_205 : memref<512xi32, #tpu.memory_space<hbm>>) dst(%dma_wait3A_203 : memref<512xi32, #tpu.memory_space<vmem>>)
    %add3A_206 = arith.constant 99840 : i32
    %add3A_207 = arith.addi %mul3A_6, %add3A_206 : i32
    %run_scoped3A = arith.constant 0 : i32
    "tpu.region"() ({
      %run_scoped3A_246 = tpu.sem_alloc : memref<!tpu.dma_semaphore, #tpu.memory_space<semaphore_mem>>
      %dma_start3A_247 = arith.constant 0 : i32
      %dma_start3A_248 = tpu.memref_slice %arg6[%dma_start3A_247] : memref<2048xi32, #tpu.memory_space<vmem>> -> memref<160xi32, #tpu.memory_space<vmem>>
      %dma_start3A_249 = tpu.memref_slice %arg3[%run_scoped3A, %add3A_207] : memref<2x3200000xi32, #tpu.memory_space<hbm>> -> memref<1x160xi32, #tpu.memory_space<hbm>>
      %dma_start3A_250 = tpu.memref_squeeze %dma_start3A_249 : memref<1x160xi32, #tpu.memory_space<hbm>> -> memref<160xi32, #tpu.memory_space<hbm>>
      %dma_start3A_251 = arith.constant 0 : i32
      %dma_start3A_252 = tpu.memref_slice %arg6[%dma_start3A_251] : memref<2048xi32, #tpu.memory_space<vmem>> -> memref<160xi32, #tpu.memory_space<vmem>>
      %dma_start3A_253 = tpu.memref_slice %arg3[%run_scoped3A, %add3A_207] : memref<2x3200000xi32, #tpu.memory_space<hbm>> -> memref<1x160xi32, #tpu.memory_space<hbm>>
      %dma_start3A_254 = tpu.memref_squeeze %dma_start3A_253 : memref<1x160xi32, #tpu.memory_space<hbm>> -> memref<160xi32, #tpu.memory_space<hbm>>
      tpu.enqueue_dma source(%dma_start3A_254 : memref<160xi32, #tpu.memory_space<hbm>>) target(%dma_start3A_252 : memref<160xi32, #tpu.memory_space<vmem>>) target_semaphore(%run_scoped3A_246 : memref<!tpu.dma_semaphore, #tpu.memory_space<semaphore_mem>>)
      %dma_wait3A_255 = arith.constant 0 : i32
      %dma_wait3A_256 = tpu.memref_slice %arg6[%dma_wait3A_255] : memref<2048xi32, #tpu.memory_space<vmem>> -> memref<160xi32, #tpu.memory_space<vmem>>
      %dma_wait3A_257 = tpu.memref_slice %arg3[%run_scoped3A, %add3A_207] : memref<2x3200000xi32, #tpu.memory_space<hbm>> -> memref<1x160xi32, #tpu.memory_space<hbm>>
      %dma_wait3A_258 = tpu.memref_squeeze %dma_wait3A_257 : memref<1x160xi32, #tpu.memory_space<hbm>> -> memref<160xi32, #tpu.memory_space<hbm>>
      %dma_wait3A_259 = arith.constant 0 : i32
      %dma_wait3A_260 = tpu.memref_slice %arg6[%dma_wait3A_259] : memref<2048xi32, #tpu.memory_space<vmem>> -> memref<160xi32, #tpu.memory_space<vmem>>
      %dma_wait3A_261 = tpu.memref_slice %arg3[%run_scoped3A, %add3A_207] : memref<2x3200000xi32, #tpu.memory_space<hbm>> -> memref<1x160xi32, #tpu.memory_space<hbm>>
      %dma_wait3A_262 = tpu.memref_squeeze %dma_wait3A_261 : memref<1x160xi32, #tpu.memory_space<hbm>> -> memref<160xi32, #tpu.memory_space<hbm>>
      tpu.wait_dma2 semaphore(%run_scoped3A_246 : memref<!tpu.dma_semaphore, #tpu.memory_space<semaphore_mem>>) src(%dma_wait3A_262 : memref<160xi32, #tpu.memory_space<hbm>>) dst(%dma_wait3A_260 : memref<160xi32, #tpu.memory_space<vmem>>)
      tpu.yield
    }) : () -> ()
    %run_scoped3A_208 = arith.constant 1 : i32
    "tpu.region"() ({
      %run_scoped3A_246 = tpu.sem_alloc : memref<!tpu.dma_semaphore, #tpu.memory_space<semaphore_mem>>
      %dma_start3A_247 = arith.constant 0 : i32
      %dma_start3A_248 = tpu.memref_slice %arg7[%dma_start3A_247] : memref<2048xi32, #tpu.memory_space<vmem>> -> memref<160xi32, #tpu.memory_space<vmem>>
      %dma_start3A_249 = tpu.memref_slice %arg3[%run_scoped3A_208, %add3A_207] : memref<2x3200000xi32, #tpu.memory_space<hbm>> -> memref<1x160xi32, #tpu.memory_space<hbm>>
      %dma_start3A_250 = tpu.memref_squeeze %dma_start3A_249 : memref<1x160xi32, #tpu.memory_space<hbm>> -> memref<160xi32, #tpu.memory_space<hbm>>
      %dma_start3A_251 = arith.constant 0 : i32
      %dma_start3A_252 = tpu.memref_slice %arg7[%dma_start3A_251] : memref<2048xi32, #tpu.memory_space<vmem>> -> memref<160xi32, #tpu.memory_space<vmem>>
      %dma_start3A_253 = tpu.memref_slice %arg3[%run_scoped3A_208, %add3A_207] : memref<2x3200000xi32, #tpu.memory_space<hbm>> -> memref<1x160xi32, #tpu.memory_space<hbm>>
      %dma_start3A_254 = tpu.memref_squeeze %dma_start3A_253 : memref<1x160xi32, #tpu.memory_space<hbm>> -> memref<160xi32, #tpu.memory_space<hbm>>
      tpu.enqueue_dma source(%dma_start3A_254 : memref<160xi32, #tpu.memory_space<hbm>>) target(%dma_start3A_252 : memref<160xi32, #tpu.memory_space<vmem>>) target_semaphore(%run_scoped3A_246 : memref<!tpu.dma_semaphore, #tpu.memory_space<semaphore_mem>>)
      %dma_wait3A_255 = arith.constant 0 : i32
      %dma_wait3A_256 = tpu.memref_slice %arg7[%dma_wait3A_255] : memref<2048xi32, #tpu.memory_space<vmem>> -> memref<160xi32, #tpu.memory_space<vmem>>
      %dma_wait3A_257 = tpu.memref_slice %arg3[%run_scoped3A_208, %add3A_207] : memref<2x3200000xi32, #tpu.memory_space<hbm>> -> memref<1x160xi32, #tpu.memory_space<hbm>>
      %dma_wait3A_258 = tpu.memref_squeeze %dma_wait3A_257 : memref<1x160xi32, #tpu.memory_space<hbm>> -> memref<160xi32, #tpu.memory_space<hbm>>
      %dma_wait3A_259 = arith.constant 0 : i32
      %dma_wait3A_260 = tpu.memref_slice %arg7[%dma_wait3A_259] : memref<2048xi32, #tpu.memory_space<vmem>> -> memref<160xi32, #tpu.memory_space<vmem>>
      %dma_wait3A_261 = tpu.memref_slice %arg3[%run_scoped3A_208, %add3A_207] : memref<2x3200000xi32, #tpu.memory_space<hbm>> -> memref<1x160xi32, #tpu.memory_space<hbm>>
      %dma_wait3A_262 = tpu.memref_squeeze %dma_wait3A_261 : memref<1x160xi32, #tpu.memory_space<hbm>> -> memref<160xi32, #tpu.memory_space<hbm>>
      tpu.wait_dma2 semaphore(%run_scoped3A_246 : memref<!tpu.dma_semaphore, #tpu.memory_space<semaphore_mem>>) src(%dma_wait3A_262 : memref<160xi32, #tpu.memory_space<hbm>>) dst(%dma_wait3A_260 : memref<160xi32, #tpu.memory_space<vmem>>)
      tpu.yield
    }) : () -> ()
    %dma_start3A_209 = arith.constant 0 : i32
    %dma_start3A_210 = arith.constant 0 : i32
    %dma_start3A_211 = tpu.memref_slice %arg8[%dma_start3A_209, %dma_start3A_210] : memref<1024x16xf32, #tpu.memory_space<vmem>> -> memref<160x16xf32, #tpu.memory_space<vmem>>
    %dma_start3A_212 = arith.constant 0 : i32
    %dma_start3A_213 = tpu.memref_slice %arg6[%dma_start3A_212] : memref<2048xi32, #tpu.memory_space<vmem>> -> memref<160xi32, #tpu.memory_space<vmem>>
    %dma_start3A_214 = arith.constant 0 : i32
    %dma_start3A_215 = arith.constant 0 : i32
    %dma_start3A_216 = tpu.memref_slice %arg2[%dma_start3A_214, %dma_start3A_215] : memref<100352x16xf32, #tpu.memory_space<hbm>> -> memref<100352x16xf32, #tpu.memory_space<hbm>>
    tpu.enqueue_indirect_dma source(%dma_start3A_216 : memref<100352x16xf32, #tpu.memory_space<hbm>>) target(%dma_start3A_211 : memref<160x16xf32, #tpu.memory_space<vmem>>) offsets(%dma_start3A_213 : memref<160xi32, #tpu.memory_space<vmem>>) semaphore(%arg10 : memref<!tpu.dma_semaphore, #tpu.memory_space<semaphore_mem>>)
    %dma_wait3A_217 = arith.constant 0 : i32
    %dma_wait3A_218 = arith.constant 0 : i32
    %dma_wait3A_219 = tpu.memref_slice %arg8[%dma_wait3A_217, %dma_wait3A_218] : memref<1024x16xf32, #tpu.memory_space<vmem>> -> memref<160x16xf32, #tpu.memory_space<vmem>>
    %dma_wait3A_220 = arith.constant 0 : i32
    %dma_wait3A_221 = tpu.memref_slice %arg6[%dma_wait3A_220] : memref<2048xi32, #tpu.memory_space<vmem>> -> memref<160xi32, #tpu.memory_space<vmem>>
    %dma_wait3A_222 = arith.constant 0 : i32
    %dma_wait3A_223 = arith.constant 0 : i32
    %dma_wait3A_224 = tpu.memref_slice %arg2[%dma_wait3A_222, %dma_wait3A_223] : memref<100352x16xf32, #tpu.memory_space<hbm>> -> memref<100352x16xf32, #tpu.memory_space<hbm>>
    tpu.wait_indirect_dma semaphore(%arg10 : memref<!tpu.dma_semaphore, #tpu.memory_space<semaphore_mem>>) src(%dma_wait3A_224 : memref<100352x16xf32, #tpu.memory_space<hbm>>) dst(%dma_wait3A_219 : memref<160x16xf32, #tpu.memory_space<vmem>>)
    %dma_start3A_225 = arith.constant 0 : i32
    %dma_start3A_226 = arith.constant 0 : i32
    %dma_start3A_227 = tpu.memref_slice %arg8[%dma_start3A_225, %dma_start3A_226] : memref<1024x16xf32, #tpu.memory_space<vmem>> -> memref<160x16xf32, #tpu.memory_space<vmem>>
    %dma_start3A_228 = arith.constant 0 : i32
    %dma_start3A_229 = tpu.memref_slice %arg7[%dma_start3A_228] : memref<2048xi32, #tpu.memory_space<vmem>> -> memref<160xi32, #tpu.memory_space<vmem>>
    %dma_start3A_230 = arith.constant 0 : i32
    %dma_start3A_231 = arith.constant 0 : i32
    %dma_start3A_232 = tpu.memref_slice %arg9[%dma_start3A_230, %dma_start3A_231] : memref<100352x16xf32, #tpu.memory_space<vmem_shared>> -> memref<100352x16xf32, #tpu.memory_space<vmem_shared>>
    tpu.enqueue_indirect_dma source(%dma_start3A_227 : memref<160x16xf32, #tpu.memory_space<vmem>>) target(%dma_start3A_232 : memref<100352x16xf32, #tpu.memory_space<vmem_shared>>) offsets(%dma_start3A_229 : memref<160xi32, #tpu.memory_space<vmem>>) semaphore(%arg11 : memref<!tpu.dma_semaphore, #tpu.memory_space<semaphore_mem>>) {add = true}
    %dma_wait3A_233 = arith.constant 0 : i32
    %dma_wait3A_234 = arith.constant 0 : i32
    %dma_wait3A_235 = tpu.memref_slice %arg8[%dma_wait3A_233, %dma_wait3A_234] : memref<1024x16xf32, #tpu.memory_space<vmem>> -> memref<160x16xf32, #tpu.memory_space<vmem>>
    %dma_wait3A_236 = arith.constant 0 : i32
    %dma_wait3A_237 = tpu.memref_slice %arg7[%dma_wait3A_236] : memref<2048xi32, #tpu.memory_space<vmem>> -> memref<160xi32, #tpu.memory_space<vmem>>
    %dma_wait3A_238 = arith.constant 0 : i32
    %dma_wait3A_239 = arith.constant 0 : i32
    %dma_wait3A_240 = tpu.memref_slice %arg9[%dma_wait3A_238, %dma_wait3A_239] : memref<100352x16xf32, #tpu.memory_space<vmem_shared>> -> memref<100352x16xf32, #tpu.memory_space<vmem_shared>>
    tpu.wait_indirect_dma semaphore(%arg11 : memref<!tpu.dma_semaphore, #tpu.memory_space<semaphore_mem>>) src(%dma_wait3A_235 : memref<160x16xf32, #tpu.memory_space<vmem>>) dst(%dma_wait3A_240 : memref<100352x16xf32, #tpu.memory_space<vmem_shared>>)
    %barrier3A_241 = arith.constant 0 : index
    tpu.barrier barrier_id(%barrier3A_241)
    %mul3A_242 = arith.constant 6272 : i32
    %mul3A_243 = arith.muli %arg1, %mul3A_242 : i32
    %mul3A_244 = arith.constant 6272 : i32
    %mul3A_245 = arith.muli %arg1, %mul3A_244 : i32
    "tpu.region"() ({
      %run_scoped3A_246 = tpu.sem_alloc : memref<!tpu.dma_semaphore, #tpu.memory_space<semaphore_mem>>
      %dma_start3A_247 = arith.constant 0 : i32
      %dma_start3A_248 = tpu.memref_slice %arg5[%arg0, %mul3A_245, %dma_start3A_247] : memref<2x100352x16xf32, #tpu.memory_space<hbm>> -> memref<1x6272x16xf32, #tpu.memory_space<hbm>>
      %dma_start3A_249 = tpu.memref_squeeze %dma_start3A_248 : memref<1x6272x16xf32, #tpu.memory_space<hbm>> -> memref<6272x16xf32, #tpu.memory_space<hbm>>
      %dma_start3A_250 = arith.constant 0 : i32
      %dma_start3A_251 = tpu.memref_slice %arg9[%mul3A_243, %dma_start3A_250] : memref<100352x16xf32, #tpu.memory_space<vmem_shared>> -> memref<6272x16xf32, #tpu.memory_space<vmem_shared>>
      tpu.enqueue_dma source(%dma_start3A_251 : memref<6272x16xf32, #tpu.memory_space<vmem_shared>>) target(%dma_start3A_249 : memref<6272x16xf32, #tpu.memory_space<hbm>>) target_semaphore(%run_scoped3A_246 : memref<!tpu.dma_semaphore, #tpu.memory_space<semaphore_mem>>)
      %dma_wait3A_252 = arith.constant 0 : i32
      %dma_wait3A_253 = tpu.memref_slice %arg5[%arg0, %mul3A_245, %dma_wait3A_252] : memref<2x100352x16xf32, #tpu.memory_space<hbm>> -> memref<1x6272x16xf32, #tpu.memory_space<hbm>>
      %dma_wait3A_254 = tpu.memref_squeeze %dma_wait3A_253 : memref<1x6272x16xf32, #tpu.memory_space<hbm>> -> memref<6272x16xf32, #tpu.memory_space<hbm>>
      %dma_wait3A_255 = arith.constant 0 : i32
      %dma_wait3A_256 = tpu.memref_slice %arg9[%mul3A_243, %dma_wait3A_255] : memref<100352x16xf32, #tpu.memory_space<vmem_shared>> -> memref<6272x16xf32, #tpu.memory_space<vmem_shared>>
      tpu.wait_dma2 semaphore(%run_scoped3A_246 : memref<!tpu.dma_semaphore, #tpu.memory_space<semaphore_mem>>) src(%dma_wait3A_256 : memref<6272x16xf32, #tpu.memory_space<vmem_shared>>) dst(%dma_wait3A_254 : memref<6272x16xf32, #tpu.memory_space<hbm>>)
      tpu.yield
    }) : () -> ()
    return
  }
}

#map = affine_map<(d0, d1) -> (0, 0)>
#map1 = affine_map<(d0, d1) -> (0, 0, 0)>
module attributes {stable_mosaic.version = 14 : i64} {
  func.func @_edge_pass(%arg0: i32, %arg1: i32, %arg2: memref<100352x16xf32, #tpu.memory_space<hbm>>, %arg3: memref<2x3200000xi32, #tpu.memory_space<hbm>>, %arg4: memref<100352x16xf32, #tpu.memory_space<hbm>>, %arg5: memref<2x100352x16xf32, #tpu.memory_space<hbm>>, %arg6: memref<2048xi32, #tpu.memory_space<vmem>>, %arg7: memref<2048xi32, #tpu.memory_space<vmem>>, %arg8: memref<1024x16xf32, #tpu.memory_space<vmem>>, %arg9: memref<100352x16xf32, #tpu.memory_space<vmem_shared>>, %arg10: memref<!tpu.dma_semaphore, #tpu.memory_space<semaphore_mem>>, %arg11: memref<!tpu.dma_semaphore, #tpu.memory_space<semaphore_mem>>, %arg12: memref<!tpu.dma_semaphore, #tpu.memory_space<semaphore_mem>>) attributes {dimension_semantics = [#tpu.dimension_semantics<core_parallel>, #tpu.dimension_semantics<subcore_parallel>], iteration_bounds = array<i64: 2, 16>, scalar_prefetch = 0 : i64, scratch_operands = 7 : i64, tpu.core_type = #tpu.core_type<sc_vector_subcore>, window_params = [{transform_indices = #map}, {transform_indices = #map}, {transform_indices = #map}, {transform_indices = #map1}]} {
    %mul3A = arith.constant 16 : i32
    %mul3A_0 = arith.muli %arg0, %mul3A : i32
    %add3A = arith.addi %mul3A_0, %arg1 : i32
    %mul3A_1 = arith.constant 6272 : i32
    %mul3A_2 = arith.muli %arg1, %mul3A_1 : i32
    %mul3A_3 = arith.constant 6272 : i32
    %mul3A_4 = arith.muli %arg1, %mul3A_3 : i32
    "tpu.region"() ({
      %run_scoped3A_246 = tpu.sem_alloc : memref<!tpu.dma_semaphore, #tpu.memory_space<semaphore_mem>>
      %dma_start3A_247 = arith.constant 0 : i32
      %dma_start3A_248 = tpu.memref_slice %arg9[%mul3A_4, %dma_start3A_247] : memref<100352x16xf32, #tpu.memory_space<vmem_shared>> -> memref<6272x16xf32, #tpu.memory_space<vmem_shared>>
      %dma_start3A_249 = arith.constant 0 : i32
      %dma_start3A_250 = tpu.memref_slice %arg4[%mul3A_2, %dma_start3A_249] : memref<100352x16xf32, #tpu.memory_space<hbm>> -> memref<6272x16xf32, #tpu.memory_space<hbm>>
      tpu.enqueue_dma source(%dma_start3A_250 : memref<6272x16xf32, #tpu.memory_space<hbm>>) target(%dma_start3A_248 : memref<6272x16xf32, #tpu.memory_space<vmem_shared>>) target_semaphore(%run_scoped3A_246 : memref<!tpu.dma_semaphore, #tpu.memory_space<semaphore_mem>>)
      %dma_wait3A_251 = arith.constant 0 : i32
      %dma_wait3A_252 = tpu.memref_slice %arg9[%mul3A_4, %dma_wait3A_251] : memref<100352x16xf32, #tpu.memory_space<vmem_shared>> -> memref<6272x16xf32, #tpu.memory_space<vmem_shared>>
      %dma_wait3A_253 = arith.constant 0 : i32
      %dma_wait3A_254 = tpu.memref_slice %arg4[%mul3A_2, %dma_wait3A_253] : memref<100352x16xf32, #tpu.memory_space<hbm>> -> memref<6272x16xf32, #tpu.memory_space<hbm>>
      tpu.wait_dma2 semaphore(%run_scoped3A_246 : memref<!tpu.dma_semaphore, #tpu.memory_space<semaphore_mem>>) src(%dma_wait3A_254 : memref<6272x16xf32, #tpu.memory_space<hbm>>) dst(%dma_wait3A_252 : memref<6272x16xf32, #tpu.memory_space<vmem_shared>>)
      tpu.yield
    }) : () -> ()
    %barrier3A = arith.constant 0 : index
    tpu.barrier barrier_id(%barrier3A)
    %mul3A_5 = arith.constant 100000 : i32
    %mul3A_6 = arith.muli %add3A, %mul3A_5 : i32
    %add3A_7 = arith.constant 0 : i32
    %add3A_8 = arith.addi %mul3A_6, %add3A_7 : i32
    %add3A_9 = arith.constant 0 : i32
    %add3A_10 = arith.addi %mul3A_6, %add3A_9 : i32
    %dma_start3A = arith.constant 0 : i32
    %dma_start3A_11 = arith.constant 0 : i32
    %dma_start3A_12 = tpu.memref_slice %arg6[%dma_start3A_11] : memref<2048xi32, #tpu.memory_space<vmem>> -> memref<512xi32, #tpu.memory_space<vmem>>
    %dma_start3A_13 = tpu.memref_slice %arg3[%dma_start3A, %add3A_8] : memref<2x3200000xi32, #tpu.memory_space<hbm>> -> memref<1x512xi32, #tpu.memory_space<hbm>>
    %dma_start3A_14 = tpu.memref_squeeze %dma_start3A_13 : memref<1x512xi32, #tpu.memory_space<hbm>> -> memref<512xi32, #tpu.memory_space<hbm>>
    %dma_start3A_15 = arith.constant 0 : i32
    %dma_start3A_16 = tpu.memref_slice %arg6[%dma_start3A_15] : memref<2048xi32, #tpu.memory_space<vmem>> -> memref<512xi32, #tpu.memory_space<vmem>>
    %dma_start3A_17 = tpu.memref_slice %arg3[%dma_start3A, %add3A_8] : memref<2x3200000xi32, #tpu.memory_space<hbm>> -> memref<1x512xi32, #tpu.memory_space<hbm>>
    %dma_start3A_18 = tpu.memref_squeeze %dma_start3A_17 : memref<1x512xi32, #tpu.memory_space<hbm>> -> memref<512xi32, #tpu.memory_space<hbm>>
    tpu.enqueue_dma source(%dma_start3A_18 : memref<512xi32, #tpu.memory_space<hbm>>) target(%dma_start3A_16 : memref<512xi32, #tpu.memory_space<vmem>>) target_semaphore(%arg12 : memref<!tpu.dma_semaphore, #tpu.memory_space<semaphore_mem>>)
    %dma_start3A_19 = arith.constant 1 : i32
    %dma_start3A_20 = arith.constant 0 : i32
    %dma_start3A_21 = tpu.memref_slice %arg7[%dma_start3A_20] : memref<2048xi32, #tpu.memory_space<vmem>> -> memref<512xi32, #tpu.memory_space<vmem>>
    %dma_start3A_22 = tpu.memref_slice %arg3[%dma_start3A_19, %add3A_10] : memref<2x3200000xi32, #tpu.memory_space<hbm>> -> memref<1x512xi32, #tpu.memory_space<hbm>>
    %dma_start3A_23 = tpu.memref_squeeze %dma_start3A_22 : memref<1x512xi32, #tpu.memory_space<hbm>> -> memref<512xi32, #tpu.memory_space<hbm>>
    %dma_start3A_24 = arith.constant 0 : i32
    %dma_start3A_25 = tpu.memref_slice %arg7[%dma_start3A_24] : memref<2048xi32, #tpu.memory_space<vmem>> -> memref<512xi32, #tpu.memory_space<vmem>>
    %dma_start3A_26 = tpu.memref_slice %arg3[%dma_start3A_19, %add3A_10] : memref<2x3200000xi32, #tpu.memory_space<hbm>> -> memref<1x512xi32, #tpu.memory_space<hbm>>
    %dma_start3A_27 = tpu.memref_squeeze %dma_start3A_26 : memref<1x512xi32, #tpu.memory_space<hbm>> -> memref<512xi32, #tpu.memory_space<hbm>>
    tpu.enqueue_dma source(%dma_start3A_27 : memref<512xi32, #tpu.memory_space<hbm>>) target(%dma_start3A_25 : memref<512xi32, #tpu.memory_space<vmem>>) target_semaphore(%arg12 : memref<!tpu.dma_semaphore, #tpu.memory_space<semaphore_mem>>)
    %add3A_28 = arith.constant 512 : i32
    %add3A_29 = arith.addi %mul3A_6, %add3A_28 : i32
    %add3A_30 = arith.constant 512 : i32
    %add3A_31 = arith.addi %mul3A_6, %add3A_30 : i32
    %dma_start3A_32 = arith.constant 0 : i32
    %dma_start3A_33 = arith.constant 512 : i32
    %dma_start3A_34 = tpu.memref_slice %arg6[%dma_start3A_33] : memref<2048xi32, #tpu.memory_space<vmem>> -> memref<512xi32, #tpu.memory_space<vmem>>
    %dma_start3A_35 = tpu.memref_slice %arg3[%dma_start3A_32, %add3A_29] : memref<2x3200000xi32, #tpu.memory_space<hbm>> -> memref<1x512xi32, #tpu.memory_space<hbm>>
    %dma_start3A_36 = tpu.memref_squeeze %dma_start3A_35 : memref<1x512xi32, #tpu.memory_space<hbm>> -> memref<512xi32, #tpu.memory_space<hbm>>
    %dma_start3A_37 = arith.constant 512 : i32
    %dma_start3A_38 = tpu.memref_slice %arg6[%dma_start3A_37] : memref<2048xi32, #tpu.memory_space<vmem>> -> memref<512xi32, #tpu.memory_space<vmem>>
    %dma_start3A_39 = tpu.memref_slice %arg3[%dma_start3A_32, %add3A_29] : memref<2x3200000xi32, #tpu.memory_space<hbm>> -> memref<1x512xi32, #tpu.memory_space<hbm>>
    %dma_start3A_40 = tpu.memref_squeeze %dma_start3A_39 : memref<1x512xi32, #tpu.memory_space<hbm>> -> memref<512xi32, #tpu.memory_space<hbm>>
    tpu.enqueue_dma source(%dma_start3A_40 : memref<512xi32, #tpu.memory_space<hbm>>) target(%dma_start3A_38 : memref<512xi32, #tpu.memory_space<vmem>>) target_semaphore(%arg12 : memref<!tpu.dma_semaphore, #tpu.memory_space<semaphore_mem>>)
    %dma_start3A_41 = arith.constant 1 : i32
    %dma_start3A_42 = arith.constant 512 : i32
    %dma_start3A_43 = tpu.memref_slice %arg7[%dma_start3A_42] : memref<2048xi32, #tpu.memory_space<vmem>> -> memref<512xi32, #tpu.memory_space<vmem>>
    %dma_start3A_44 = tpu.memref_slice %arg3[%dma_start3A_41, %add3A_31] : memref<2x3200000xi32, #tpu.memory_space<hbm>> -> memref<1x512xi32, #tpu.memory_space<hbm>>
    %dma_start3A_45 = tpu.memref_squeeze %dma_start3A_44 : memref<1x512xi32, #tpu.memory_space<hbm>> -> memref<512xi32, #tpu.memory_space<hbm>>
    %dma_start3A_46 = arith.constant 512 : i32
    %dma_start3A_47 = tpu.memref_slice %arg7[%dma_start3A_46] : memref<2048xi32, #tpu.memory_space<vmem>> -> memref<512xi32, #tpu.memory_space<vmem>>
    %dma_start3A_48 = tpu.memref_slice %arg3[%dma_start3A_41, %add3A_31] : memref<2x3200000xi32, #tpu.memory_space<hbm>> -> memref<1x512xi32, #tpu.memory_space<hbm>>
    %dma_start3A_49 = tpu.memref_squeeze %dma_start3A_48 : memref<1x512xi32, #tpu.memory_space<hbm>> -> memref<512xi32, #tpu.memory_space<hbm>>
    tpu.enqueue_dma source(%dma_start3A_49 : memref<512xi32, #tpu.memory_space<hbm>>) target(%dma_start3A_47 : memref<512xi32, #tpu.memory_space<vmem>>) target_semaphore(%arg12 : memref<!tpu.dma_semaphore, #tpu.memory_space<semaphore_mem>>)
    %add3A_50 = arith.constant 1024 : i32
    %add3A_51 = arith.addi %mul3A_6, %add3A_50 : i32
    %add3A_52 = arith.constant 1024 : i32
    %add3A_53 = arith.addi %mul3A_6, %add3A_52 : i32
    %dma_start3A_54 = arith.constant 0 : i32
    %dma_start3A_55 = arith.constant 1024 : i32
    %dma_start3A_56 = tpu.memref_slice %arg6[%dma_start3A_55] : memref<2048xi32, #tpu.memory_space<vmem>> -> memref<512xi32, #tpu.memory_space<vmem>>
    %dma_start3A_57 = tpu.memref_slice %arg3[%dma_start3A_54, %add3A_51] : memref<2x3200000xi32, #tpu.memory_space<hbm>> -> memref<1x512xi32, #tpu.memory_space<hbm>>
    %dma_start3A_58 = tpu.memref_squeeze %dma_start3A_57 : memref<1x512xi32, #tpu.memory_space<hbm>> -> memref<512xi32, #tpu.memory_space<hbm>>
    %dma_start3A_59 = arith.constant 1024 : i32
    %dma_start3A_60 = tpu.memref_slice %arg6[%dma_start3A_59] : memref<2048xi32, #tpu.memory_space<vmem>> -> memref<512xi32, #tpu.memory_space<vmem>>
    %dma_start3A_61 = tpu.memref_slice %arg3[%dma_start3A_54, %add3A_51] : memref<2x3200000xi32, #tpu.memory_space<hbm>> -> memref<1x512xi32, #tpu.memory_space<hbm>>
    %dma_start3A_62 = tpu.memref_squeeze %dma_start3A_61 : memref<1x512xi32, #tpu.memory_space<hbm>> -> memref<512xi32, #tpu.memory_space<hbm>>
    tpu.enqueue_dma source(%dma_start3A_62 : memref<512xi32, #tpu.memory_space<hbm>>) target(%dma_start3A_60 : memref<512xi32, #tpu.memory_space<vmem>>) target_semaphore(%arg12 : memref<!tpu.dma_semaphore, #tpu.memory_space<semaphore_mem>>)
    %dma_start3A_63 = arith.constant 1 : i32
    %dma_start3A_64 = arith.constant 1024 : i32
    %dma_start3A_65 = tpu.memref_slice %arg7[%dma_start3A_64] : memref<2048xi32, #tpu.memory_space<vmem>> -> memref<512xi32, #tpu.memory_space<vmem>>
    %dma_start3A_66 = tpu.memref_slice %arg3[%dma_start3A_63, %add3A_53] : memref<2x3200000xi32, #tpu.memory_space<hbm>> -> memref<1x512xi32, #tpu.memory_space<hbm>>
    %dma_start3A_67 = tpu.memref_squeeze %dma_start3A_66 : memref<1x512xi32, #tpu.memory_space<hbm>> -> memref<512xi32, #tpu.memory_space<hbm>>
    %dma_start3A_68 = arith.constant 1024 : i32
    %dma_start3A_69 = tpu.memref_slice %arg7[%dma_start3A_68] : memref<2048xi32, #tpu.memory_space<vmem>> -> memref<512xi32, #tpu.memory_space<vmem>>
    %dma_start3A_70 = tpu.memref_slice %arg3[%dma_start3A_63, %add3A_53] : memref<2x3200000xi32, #tpu.memory_space<hbm>> -> memref<1x512xi32, #tpu.memory_space<hbm>>
    %dma_start3A_71 = tpu.memref_squeeze %dma_start3A_70 : memref<1x512xi32, #tpu.memory_space<hbm>> -> memref<512xi32, #tpu.memory_space<hbm>>
    tpu.enqueue_dma source(%dma_start3A_71 : memref<512xi32, #tpu.memory_space<hbm>>) target(%dma_start3A_69 : memref<512xi32, #tpu.memory_space<vmem>>) target_semaphore(%arg12 : memref<!tpu.dma_semaphore, #tpu.memory_space<semaphore_mem>>)
    %add3A_72 = arith.constant 0 : i32
    %add3A_73 = arith.addi %mul3A_6, %add3A_72 : i32
    %add3A_74 = arith.constant 0 : i32
    %add3A_75 = arith.addi %mul3A_6, %add3A_74 : i32
    %dma_wait3A = arith.constant 0 : i32
    %dma_wait3A_76 = arith.constant 0 : i32
    %dma_wait3A_77 = tpu.memref_slice %arg6[%dma_wait3A_76] : memref<2048xi32, #tpu.memory_space<vmem>> -> memref<512xi32, #tpu.memory_space<vmem>>
    %dma_wait3A_78 = tpu.memref_slice %arg3[%dma_wait3A, %add3A_73] : memref<2x3200000xi32, #tpu.memory_space<hbm>> -> memref<1x512xi32, #tpu.memory_space<hbm>>
    %dma_wait3A_79 = tpu.memref_squeeze %dma_wait3A_78 : memref<1x512xi32, #tpu.memory_space<hbm>> -> memref<512xi32, #tpu.memory_space<hbm>>
    %dma_wait3A_80 = arith.constant 0 : i32
    %dma_wait3A_81 = tpu.memref_slice %arg6[%dma_wait3A_80] : memref<2048xi32, #tpu.memory_space<vmem>> -> memref<512xi32, #tpu.memory_space<vmem>>
    %dma_wait3A_82 = tpu.memref_slice %arg3[%dma_wait3A, %add3A_73] : memref<2x3200000xi32, #tpu.memory_space<hbm>> -> memref<1x512xi32, #tpu.memory_space<hbm>>
    %dma_wait3A_83 = tpu.memref_squeeze %dma_wait3A_82 : memref<1x512xi32, #tpu.memory_space<hbm>> -> memref<512xi32, #tpu.memory_space<hbm>>
    tpu.wait_dma2 semaphore(%arg12 : memref<!tpu.dma_semaphore, #tpu.memory_space<semaphore_mem>>) src(%dma_wait3A_83 : memref<512xi32, #tpu.memory_space<hbm>>) dst(%dma_wait3A_81 : memref<512xi32, #tpu.memory_space<vmem>>)
    %dma_wait3A_84 = arith.constant 1 : i32
    %dma_wait3A_85 = arith.constant 0 : i32
    %dma_wait3A_86 = tpu.memref_slice %arg7[%dma_wait3A_85] : memref<2048xi32, #tpu.memory_space<vmem>> -> memref<512xi32, #tpu.memory_space<vmem>>
    %dma_wait3A_87 = tpu.memref_slice %arg3[%dma_wait3A_84, %add3A_75] : memref<2x3200000xi32, #tpu.memory_space<hbm>> -> memref<1x512xi32, #tpu.memory_space<hbm>>
    %dma_wait3A_88 = tpu.memref_squeeze %dma_wait3A_87 : memref<1x512xi32, #tpu.memory_space<hbm>> -> memref<512xi32, #tpu.memory_space<hbm>>
    %dma_wait3A_89 = arith.constant 0 : i32
    %dma_wait3A_90 = tpu.memref_slice %arg7[%dma_wait3A_89] : memref<2048xi32, #tpu.memory_space<vmem>> -> memref<512xi32, #tpu.memory_space<vmem>>
    %dma_wait3A_91 = tpu.memref_slice %arg3[%dma_wait3A_84, %add3A_75] : memref<2x3200000xi32, #tpu.memory_space<hbm>> -> memref<1x512xi32, #tpu.memory_space<hbm>>
    %dma_wait3A_92 = tpu.memref_squeeze %dma_wait3A_91 : memref<1x512xi32, #tpu.memory_space<hbm>> -> memref<512xi32, #tpu.memory_space<hbm>>
    tpu.wait_dma2 semaphore(%arg12 : memref<!tpu.dma_semaphore, #tpu.memory_space<semaphore_mem>>) src(%dma_wait3A_92 : memref<512xi32, #tpu.memory_space<hbm>>) dst(%dma_wait3A_90 : memref<512xi32, #tpu.memory_space<vmem>>)
    %dma_start3A_93 = arith.constant 0 : i32
    %dma_start3A_94 = arith.constant 0 : i32
    %dma_start3A_95 = tpu.memref_slice %arg8[%dma_start3A_93, %dma_start3A_94] : memref<1024x16xf32, #tpu.memory_space<vmem>> -> memref<512x16xf32, #tpu.memory_space<vmem>>
    %dma_start3A_96 = arith.constant 0 : i32
    %dma_start3A_97 = tpu.memref_slice %arg6[%dma_start3A_96] : memref<2048xi32, #tpu.memory_space<vmem>> -> memref<512xi32, #tpu.memory_space<vmem>>
    %dma_start3A_98 = arith.constant 0 : i32
    %dma_start3A_99 = arith.constant 0 : i32
    %dma_start3A_100 = tpu.memref_slice %arg2[%dma_start3A_98, %dma_start3A_99] : memref<100352x16xf32, #tpu.memory_space<hbm>> -> memref<100352x16xf32, #tpu.memory_space<hbm>>
    tpu.enqueue_indirect_dma source(%dma_start3A_100 : memref<100352x16xf32, #tpu.memory_space<hbm>>) target(%dma_start3A_95 : memref<512x16xf32, #tpu.memory_space<vmem>>) offsets(%dma_start3A_97 : memref<512xi32, #tpu.memory_space<vmem>>) semaphore(%arg10 : memref<!tpu.dma_semaphore, #tpu.memory_space<semaphore_mem>>)
    %add3A_101 = arith.constant 512 : i32
    %add3A_102 = arith.addi %mul3A_6, %add3A_101 : i32
    %add3A_103 = arith.constant 512 : i32
    %add3A_104 = arith.addi %mul3A_6, %add3A_103 : i32
    %dma_wait3A_105 = arith.constant 0 : i32
    %dma_wait3A_106 = arith.constant 512 : i32
    %dma_wait3A_107 = tpu.memref_slice %arg6[%dma_wait3A_106] : memref<2048xi32, #tpu.memory_space<vmem>> -> memref<512xi32, #tpu.memory_space<vmem>>
    %dma_wait3A_108 = tpu.memref_slice %arg3[%dma_wait3A_105, %add3A_102] : memref<2x3200000xi32, #tpu.memory_space<hbm>> -> memref<1x512xi32, #tpu.memory_space<hbm>>
    %dma_wait3A_109 = tpu.memref_squeeze %dma_wait3A_108 : memref<1x512xi32, #tpu.memory_space<hbm>> -> memref<512xi32, #tpu.memory_space<hbm>>
    %dma_wait3A_110 = arith.constant 512 : i32
    %dma_wait3A_111 = tpu.memref_slice %arg6[%dma_wait3A_110] : memref<2048xi32, #tpu.memory_space<vmem>> -> memref<512xi32, #tpu.memory_space<vmem>>
    %dma_wait3A_112 = tpu.memref_slice %arg3[%dma_wait3A_105, %add3A_102] : memref<2x3200000xi32, #tpu.memory_space<hbm>> -> memref<1x512xi32, #tpu.memory_space<hbm>>
    %dma_wait3A_113 = tpu.memref_squeeze %dma_wait3A_112 : memref<1x512xi32, #tpu.memory_space<hbm>> -> memref<512xi32, #tpu.memory_space<hbm>>
    tpu.wait_dma2 semaphore(%arg12 : memref<!tpu.dma_semaphore, #tpu.memory_space<semaphore_mem>>) src(%dma_wait3A_113 : memref<512xi32, #tpu.memory_space<hbm>>) dst(%dma_wait3A_111 : memref<512xi32, #tpu.memory_space<vmem>>)
    %dma_wait3A_114 = arith.constant 1 : i32
    %dma_wait3A_115 = arith.constant 512 : i32
    %dma_wait3A_116 = tpu.memref_slice %arg7[%dma_wait3A_115] : memref<2048xi32, #tpu.memory_space<vmem>> -> memref<512xi32, #tpu.memory_space<vmem>>
    %dma_wait3A_117 = tpu.memref_slice %arg3[%dma_wait3A_114, %add3A_104] : memref<2x3200000xi32, #tpu.memory_space<hbm>> -> memref<1x512xi32, #tpu.memory_space<hbm>>
    %dma_wait3A_118 = tpu.memref_squeeze %dma_wait3A_117 : memref<1x512xi32, #tpu.memory_space<hbm>> -> memref<512xi32, #tpu.memory_space<hbm>>
    %dma_wait3A_119 = arith.constant 512 : i32
    %dma_wait3A_120 = tpu.memref_slice %arg7[%dma_wait3A_119] : memref<2048xi32, #tpu.memory_space<vmem>> -> memref<512xi32, #tpu.memory_space<vmem>>
    %dma_wait3A_121 = tpu.memref_slice %arg3[%dma_wait3A_114, %add3A_104] : memref<2x3200000xi32, #tpu.memory_space<hbm>> -> memref<1x512xi32, #tpu.memory_space<hbm>>
    %dma_wait3A_122 = tpu.memref_squeeze %dma_wait3A_121 : memref<1x512xi32, #tpu.memory_space<hbm>> -> memref<512xi32, #tpu.memory_space<hbm>>
    tpu.wait_dma2 semaphore(%arg12 : memref<!tpu.dma_semaphore, #tpu.memory_space<semaphore_mem>>) src(%dma_wait3A_122 : memref<512xi32, #tpu.memory_space<hbm>>) dst(%dma_wait3A_120 : memref<512xi32, #tpu.memory_space<vmem>>)
    %dma_start3A_123 = arith.constant 512 : i32
    %dma_start3A_124 = arith.constant 0 : i32
    %dma_start3A_125 = tpu.memref_slice %arg8[%dma_start3A_123, %dma_start3A_124] : memref<1024x16xf32, #tpu.memory_space<vmem>> -> memref<512x16xf32, #tpu.memory_space<vmem>>
    %dma_start3A_126 = arith.constant 512 : i32
    %dma_start3A_127 = tpu.memref_slice %arg6[%dma_start3A_126] : memref<2048xi32, #tpu.memory_space<vmem>> -> memref<512xi32, #tpu.memory_space<vmem>>
    %dma_start3A_128 = arith.constant 0 : i32
    %dma_start3A_129 = arith.constant 0 : i32
    %dma_start3A_130 = tpu.memref_slice %arg2[%dma_start3A_128, %dma_start3A_129] : memref<100352x16xf32, #tpu.memory_space<hbm>> -> memref<100352x16xf32, #tpu.memory_space<hbm>>
    tpu.enqueue_indirect_dma source(%dma_start3A_130 : memref<100352x16xf32, #tpu.memory_space<hbm>>) target(%dma_start3A_125 : memref<512x16xf32, #tpu.memory_space<vmem>>) offsets(%dma_start3A_127 : memref<512xi32, #tpu.memory_space<vmem>>) semaphore(%arg10 : memref<!tpu.dma_semaphore, #tpu.memory_space<semaphore_mem>>)
    %dma_wait3A_131 = arith.constant 0 : i32
    %dma_wait3A_132 = arith.constant 0 : i32
    %dma_wait3A_133 = tpu.memref_slice %arg8[%dma_wait3A_131, %dma_wait3A_132] : memref<1024x16xf32, #tpu.memory_space<vmem>> -> memref<512x16xf32, #tpu.memory_space<vmem>>
    %dma_wait3A_134 = arith.constant 0 : i32
    %dma_wait3A_135 = tpu.memref_slice %arg6[%dma_wait3A_134] : memref<2048xi32, #tpu.memory_space<vmem>> -> memref<512xi32, #tpu.memory_space<vmem>>
    %dma_wait3A_136 = arith.constant 0 : i32
    %dma_wait3A_137 = arith.constant 0 : i32
    %dma_wait3A_138 = tpu.memref_slice %arg2[%dma_wait3A_136, %dma_wait3A_137] : memref<100352x16xf32, #tpu.memory_space<hbm>> -> memref<100352x16xf32, #tpu.memory_space<hbm>>
    tpu.wait_indirect_dma semaphore(%arg10 : memref<!tpu.dma_semaphore, #tpu.memory_space<semaphore_mem>>) src(%dma_wait3A_138 : memref<100352x16xf32, #tpu.memory_space<hbm>>) dst(%dma_wait3A_133 : memref<512x16xf32, #tpu.memory_space<vmem>>)
    %dma_start3A_139 = arith.constant 0 : i32
    %dma_start3A_140 = arith.constant 0 : i32
    %dma_start3A_141 = tpu.memref_slice %arg8[%dma_start3A_139, %dma_start3A_140] : memref<1024x16xf32, #tpu.memory_space<vmem>> -> memref<512x16xf32, #tpu.memory_space<vmem>>
    %dma_start3A_142 = arith.constant 0 : i32
    %dma_start3A_143 = tpu.memref_slice %arg7[%dma_start3A_142] : memref<2048xi32, #tpu.memory_space<vmem>> -> memref<512xi32, #tpu.memory_space<vmem>>
    %dma_start3A_144 = arith.constant 0 : i32
    %dma_start3A_145 = arith.constant 0 : i32
    %dma_start3A_146 = tpu.memref_slice %arg9[%dma_start3A_144, %dma_start3A_145] : memref<100352x16xf32, #tpu.memory_space<vmem_shared>> -> memref<100352x16xf32, #tpu.memory_space<vmem_shared>>
    tpu.enqueue_indirect_dma source(%dma_start3A_141 : memref<512x16xf32, #tpu.memory_space<vmem>>) target(%dma_start3A_146 : memref<100352x16xf32, #tpu.memory_space<vmem_shared>>) offsets(%dma_start3A_143 : memref<512xi32, #tpu.memory_space<vmem>>) semaphore(%arg11 : memref<!tpu.dma_semaphore, #tpu.memory_space<semaphore_mem>>) {add = true}
    %scan3A = arith.constant 0 : i32
    %scan3A_147 = arith.constant 1 : i32
    %scan3A_148 = arith.constant 193 : i32
    %scan3A_149 = arith.addi %scan3A_147, %scan3A_148 : i32
    %scan3A_150 = arith.constant 1 : i32
    scf.for %scan3A_246 = %scan3A_147 to %scan3A_149 step %scan3A_150  : i32 {
      %and3A = arith.constant 3 : i32
      %and3A_247 = arith.andi %scan3A_246, %and3A : i32
      %and3A_248 = arith.constant 1 : i32
      %and3A_249 = arith.andi %scan3A_246, %and3A_248 : i32
      %mul3A_250 = arith.constant 512 : i32
      %mul3A_251 = arith.muli %and3A_247, %mul3A_250 : i32
      %mul3A_252 = arith.constant 512 : i32
      %mul3A_253 = arith.muli %and3A_249, %mul3A_252 : i32
      %dma_wait3A_254 = arith.constant 0 : i32
      %dma_wait3A_255 = tpu.memref_slice %arg8[%mul3A_253, %dma_wait3A_254] : memref<1024x16xf32, #tpu.memory_space<vmem>> -> memref<512x16xf32, #tpu.memory_space<vmem>>
      %dma_wait3A_256 = tpu.memref_slice %arg6[%mul3A_251] : memref<2048xi32, #tpu.memory_space<vmem>> -> memref<512xi32, #tpu.memory_space<vmem>>
      %dma_wait3A_257 = arith.constant 0 : i32
      %dma_wait3A_258 = arith.constant 0 : i32
      %dma_wait3A_259 = tpu.memref_slice %arg2[%dma_wait3A_257, %dma_wait3A_258] : memref<100352x16xf32, #tpu.memory_space<hbm>> -> memref<100352x16xf32, #tpu.memory_space<hbm>>
      tpu.wait_indirect_dma semaphore(%arg10 : memref<!tpu.dma_semaphore, #tpu.memory_space<semaphore_mem>>) src(%dma_wait3A_259 : memref<100352x16xf32, #tpu.memory_space<hbm>>) dst(%dma_wait3A_255 : memref<512x16xf32, #tpu.memory_space<vmem>>)
      %sub3A = arith.constant 1 : i32
      %sub3A_260 = arith.subi %scan3A_246, %sub3A : i32
      %and3A_261 = arith.constant 3 : i32
      %and3A_262 = arith.andi %sub3A_260, %and3A_261 : i32
      %and3A_263 = arith.constant 1 : i32
      %and3A_264 = arith.andi %sub3A_260, %and3A_263 : i32
      %mul3A_265 = arith.constant 512 : i32
      %mul3A_266 = arith.muli %and3A_264, %mul3A_265 : i32
      %mul3A_267 = arith.constant 512 : i32
      %mul3A_268 = arith.muli %and3A_262, %mul3A_267 : i32
      %dma_wait3A_269 = arith.constant 0 : i32
      %dma_wait3A_270 = tpu.memref_slice %arg8[%mul3A_266, %dma_wait3A_269] : memref<1024x16xf32, #tpu.memory_space<vmem>> -> memref<512x16xf32, #tpu.memory_space<vmem>>
      %dma_wait3A_271 = tpu.memref_slice %arg7[%mul3A_268] : memref<2048xi32, #tpu.memory_space<vmem>> -> memref<512xi32, #tpu.memory_space<vmem>>
      %dma_wait3A_272 = arith.constant 0 : i32
      %dma_wait3A_273 = arith.constant 0 : i32
      %dma_wait3A_274 = tpu.memref_slice %arg9[%dma_wait3A_272, %dma_wait3A_273] : memref<100352x16xf32, #tpu.memory_space<vmem_shared>> -> memref<100352x16xf32, #tpu.memory_space<vmem_shared>>
      tpu.wait_indirect_dma semaphore(%arg11 : memref<!tpu.dma_semaphore, #tpu.memory_space<semaphore_mem>>) src(%dma_wait3A_270 : memref<512x16xf32, #tpu.memory_space<vmem>>) dst(%dma_wait3A_274 : memref<100352x16xf32, #tpu.memory_space<vmem_shared>>)
      %add3A_275 = arith.constant 1 : i32
      %add3A_276 = arith.addi %scan3A_246, %add3A_275 : i32
      %and3A_277 = arith.constant 3 : i32
      %and3A_278 = arith.andi %add3A_276, %and3A_277 : i32
      %mul3A_279 = arith.constant 512 : i32
      %mul3A_280 = arith.muli %add3A_276, %mul3A_279 : i32
      %add3A_281 = arith.addi %mul3A_6, %mul3A_280 : i32
      %mul3A_282 = arith.constant 512 : i32
      %mul3A_283 = arith.muli %and3A_278, %mul3A_282 : i32
      %mul3A_284 = arith.constant 512 : i32
      %mul3A_285 = arith.muli %add3A_276, %mul3A_284 : i32
      %add3A_286 = arith.addi %mul3A_6, %mul3A_285 : i32
      %mul3A_287 = arith.constant 512 : i32
      %mul3A_288 = arith.muli %and3A_278, %mul3A_287 : i32
      %dma_wait3A_289 = arith.constant 0 : i32
      %dma_wait3A_290 = tpu.memref_slice %arg6[%mul3A_283] : memref<2048xi32, #tpu.memory_space<vmem>> -> memref<512xi32, #tpu.memory_space<vmem>>
      %dma_wait3A_291 = tpu.memref_slice %arg3[%dma_wait3A_289, %add3A_281] : memref<2x3200000xi32, #tpu.memory_space<hbm>> -> memref<1x512xi32, #tpu.memory_space<hbm>>
      %dma_wait3A_292 = tpu.memref_squeeze %dma_wait3A_291 : memref<1x512xi32, #tpu.memory_space<hbm>> -> memref<512xi32, #tpu.memory_space<hbm>>
      %dma_wait3A_293 = tpu.memref_slice %arg6[%mul3A_283] : memref<2048xi32, #tpu.memory_space<vmem>> -> memref<512xi32, #tpu.memory_space<vmem>>
      %dma_wait3A_294 = tpu.memref_slice %arg3[%dma_wait3A_289, %add3A_281] : memref<2x3200000xi32, #tpu.memory_space<hbm>> -> memref<1x512xi32, #tpu.memory_space<hbm>>
      %dma_wait3A_295 = tpu.memref_squeeze %dma_wait3A_294 : memref<1x512xi32, #tpu.memory_space<hbm>> -> memref<512xi32, #tpu.memory_space<hbm>>
      tpu.wait_dma2 semaphore(%arg12 : memref<!tpu.dma_semaphore, #tpu.memory_space<semaphore_mem>>) src(%dma_wait3A_295 : memref<512xi32, #tpu.memory_space<hbm>>) dst(%dma_wait3A_293 : memref<512xi32, #tpu.memory_space<vmem>>)
      %dma_wait3A_296 = arith.constant 1 : i32
      %dma_wait3A_297 = tpu.memref_slice %arg7[%mul3A_288] : memref<2048xi32, #tpu.memory_space<vmem>> -> memref<512xi32, #tpu.memory_space<vmem>>
      %dma_wait3A_298 = tpu.memref_slice %arg3[%dma_wait3A_296, %add3A_286] : memref<2x3200000xi32, #tpu.memory_space<hbm>> -> memref<1x512xi32, #tpu.memory_space<hbm>>
      %dma_wait3A_299 = tpu.memref_squeeze %dma_wait3A_298 : memref<1x512xi32, #tpu.memory_space<hbm>> -> memref<512xi32, #tpu.memory_space<hbm>>
      %dma_wait3A_300 = tpu.memref_slice %arg7[%mul3A_288] : memref<2048xi32, #tpu.memory_space<vmem>> -> memref<512xi32, #tpu.memory_space<vmem>>
      %dma_wait3A_301 = tpu.memref_slice %arg3[%dma_wait3A_296, %add3A_286] : memref<2x3200000xi32, #tpu.memory_space<hbm>> -> memref<1x512xi32, #tpu.memory_space<hbm>>
      %dma_wait3A_302 = tpu.memref_squeeze %dma_wait3A_301 : memref<1x512xi32, #tpu.memory_space<hbm>> -> memref<512xi32, #tpu.memory_space<hbm>>
      tpu.wait_dma2 semaphore(%arg12 : memref<!tpu.dma_semaphore, #tpu.memory_space<semaphore_mem>>) src(%dma_wait3A_302 : memref<512xi32, #tpu.memory_space<hbm>>) dst(%dma_wait3A_300 : memref<512xi32, #tpu.memory_space<vmem>>)
      %add3A_303 = arith.constant 2 : i32
      %add3A_304 = arith.addi %scan3A_246, %add3A_303 : i32
      %min3A = arith.constant 194 : i32
      %min3A_305 = arith.minsi %add3A_304, %min3A : i32
      %and3A_306 = arith.constant 3 : i32
      %and3A_307 = arith.andi %min3A_305, %and3A_306 : i32
      %mul3A_308 = arith.constant 512 : i32
      %mul3A_309 = arith.muli %min3A_305, %mul3A_308 : i32
      %add3A_310 = arith.addi %mul3A_6, %mul3A_309 : i32
      %mul3A_311 = arith.constant 512 : i32
      %mul3A_312 = arith.muli %and3A_307, %mul3A_311 : i32
      %mul3A_313 = arith.constant 512 : i32
      %mul3A_314 = arith.muli %min3A_305, %mul3A_313 : i32
      %add3A_315 = arith.addi %mul3A_6, %mul3A_314 : i32
      %mul3A_316 = arith.constant 512 : i32
      %mul3A_317 = arith.muli %and3A_307, %mul3A_316 : i32
      %dma_start3A_318 = arith.constant 0 : i32
      %dma_start3A_319 = tpu.memref_slice %arg6[%mul3A_312] : memref<2048xi32, #tpu.memory_space<vmem>> -> memref<512xi32, #tpu.memory_space<vmem>>
      %dma_start3A_320 = tpu.memref_slice %arg3[%dma_start3A_318, %add3A_310] : memref<2x3200000xi32, #tpu.memory_space<hbm>> -> memref<1x512xi32, #tpu.memory_space<hbm>>
      %dma_start3A_321 = tpu.memref_squeeze %dma_start3A_320 : memref<1x512xi32, #tpu.memory_space<hbm>> -> memref<512xi32, #tpu.memory_space<hbm>>
      %dma_start3A_322 = tpu.memref_slice %arg6[%mul3A_312] : memref<2048xi32, #tpu.memory_space<vmem>> -> memref<512xi32, #tpu.memory_space<vmem>>
      %dma_start3A_323 = tpu.memref_slice %arg3[%dma_start3A_318, %add3A_310] : memref<2x3200000xi32, #tpu.memory_space<hbm>> -> memref<1x512xi32, #tpu.memory_space<hbm>>
      %dma_start3A_324 = tpu.memref_squeeze %dma_start3A_323 : memref<1x512xi32, #tpu.memory_space<hbm>> -> memref<512xi32, #tpu.memory_space<hbm>>
      tpu.enqueue_dma source(%dma_start3A_324 : memref<512xi32, #tpu.memory_space<hbm>>) target(%dma_start3A_322 : memref<512xi32, #tpu.memory_space<vmem>>) target_semaphore(%arg12 : memref<!tpu.dma_semaphore, #tpu.memory_space<semaphore_mem>>)
      %dma_start3A_325 = arith.constant 1 : i32
      %dma_start3A_326 = tpu.memref_slice %arg7[%mul3A_317] : memref<2048xi32, #tpu.memory_space<vmem>> -> memref<512xi32, #tpu.memory_space<vmem>>
      %dma_start3A_327 = tpu.memref_slice %arg3[%dma_start3A_325, %add3A_315] : memref<2x3200000xi32, #tpu.memory_space<hbm>> -> memref<1x512xi32, #tpu.memory_space<hbm>>
      %dma_start3A_328 = tpu.memref_squeeze %dma_start3A_327 : memref<1x512xi32, #tpu.memory_space<hbm>> -> memref<512xi32, #tpu.memory_space<hbm>>
      %dma_start3A_329 = tpu.memref_slice %arg7[%mul3A_317] : memref<2048xi32, #tpu.memory_space<vmem>> -> memref<512xi32, #tpu.memory_space<vmem>>
      %dma_start3A_330 = tpu.memref_slice %arg3[%dma_start3A_325, %add3A_315] : memref<2x3200000xi32, #tpu.memory_space<hbm>> -> memref<1x512xi32, #tpu.memory_space<hbm>>
      %dma_start3A_331 = tpu.memref_squeeze %dma_start3A_330 : memref<1x512xi32, #tpu.memory_space<hbm>> -> memref<512xi32, #tpu.memory_space<hbm>>
      tpu.enqueue_dma source(%dma_start3A_331 : memref<512xi32, #tpu.memory_space<hbm>>) target(%dma_start3A_329 : memref<512xi32, #tpu.memory_space<vmem>>) target_semaphore(%arg12 : memref<!tpu.dma_semaphore, #tpu.memory_space<semaphore_mem>>)
      %add3A_332 = arith.constant 1 : i32
      %add3A_333 = arith.addi %scan3A_246, %add3A_332 : i32
      %and3A_334 = arith.constant 3 : i32
      %and3A_335 = arith.andi %add3A_333, %and3A_334 : i32
      %and3A_336 = arith.constant 1 : i32
      %and3A_337 = arith.andi %add3A_333, %and3A_336 : i32
      %mul3A_338 = arith.constant 512 : i32
      %mul3A_339 = arith.muli %and3A_335, %mul3A_338 : i32
      %mul3A_340 = arith.constant 512 : i32
      %mul3A_341 = arith.muli %and3A_337, %mul3A_340 : i32
      %dma_start3A_342 = arith.constant 0 : i32
      %dma_start3A_343 = tpu.memref_slice %arg8[%mul3A_341, %dma_start3A_342] : memref<1024x16xf32, #tpu.memory_space<vmem>> -> memref<512x16xf32, #tpu.memory_space<vmem>>
      %dma_start3A_344 = tpu.memref_slice %arg6[%mul3A_339] : memref<2048xi32, #tpu.memory_space<vmem>> -> memref<512xi32, #tpu.memory_space<vmem>>
      %dma_start3A_345 = arith.constant 0 : i32
      %dma_start3A_346 = arith.constant 0 : i32
      %dma_start3A_347 = tpu.memref_slice %arg2[%dma_start3A_345, %dma_start3A_346] : memref<100352x16xf32, #tpu.memory_space<hbm>> -> memref<100352x16xf32, #tpu.memory_space<hbm>>
      tpu.enqueue_indirect_dma source(%dma_start3A_347 : memref<100352x16xf32, #tpu.memory_space<hbm>>) target(%dma_start3A_343 : memref<512x16xf32, #tpu.memory_space<vmem>>) offsets(%dma_start3A_344 : memref<512xi32, #tpu.memory_space<vmem>>) semaphore(%arg10 : memref<!tpu.dma_semaphore, #tpu.memory_space<semaphore_mem>>)
      %and3A_348 = arith.constant 3 : i32
      %and3A_349 = arith.andi %scan3A_246, %and3A_348 : i32
      %and3A_350 = arith.constant 1 : i32
      %and3A_351 = arith.andi %scan3A_246, %and3A_350 : i32
      %mul3A_352 = arith.constant 512 : i32
      %mul3A_353 = arith.muli %and3A_351, %mul3A_352 : i32
      %mul3A_354 = arith.constant 512 : i32
      %mul3A_355 = arith.muli %and3A_349, %mul3A_354 : i32
      %dma_start3A_356 = arith.constant 0 : i32
      %dma_start3A_357 = tpu.memref_slice %arg8[%mul3A_353, %dma_start3A_356] : memref<1024x16xf32, #tpu.memory_space<vmem>> -> memref<512x16xf32, #tpu.memory_space<vmem>>
      %dma_start3A_358 = tpu.memref_slice %arg7[%mul3A_355] : memref<2048xi32, #tpu.memory_space<vmem>> -> memref<512xi32, #tpu.memory_space<vmem>>
      %dma_start3A_359 = arith.constant 0 : i32
      %dma_start3A_360 = arith.constant 0 : i32
      %dma_start3A_361 = tpu.memref_slice %arg9[%dma_start3A_359, %dma_start3A_360] : memref<100352x16xf32, #tpu.memory_space<vmem_shared>> -> memref<100352x16xf32, #tpu.memory_space<vmem_shared>>
      tpu.enqueue_indirect_dma source(%dma_start3A_357 : memref<512x16xf32, #tpu.memory_space<vmem>>) target(%dma_start3A_361 : memref<100352x16xf32, #tpu.memory_space<vmem_shared>>) offsets(%dma_start3A_358 : memref<512xi32, #tpu.memory_space<vmem>>) semaphore(%arg11 : memref<!tpu.dma_semaphore, #tpu.memory_space<semaphore_mem>>) {add = true}
    }
    %scan3A_151 = arith.constant 193 : i32
    %dma_wait3A_152 = arith.constant 0 : i32
    %dma_wait3A_153 = arith.constant 0 : i32
    %dma_wait3A_154 = tpu.memref_slice %arg8[%dma_wait3A_152, %dma_wait3A_153] : memref<1024x16xf32, #tpu.memory_space<vmem>> -> memref<512x16xf32, #tpu.memory_space<vmem>>
    %dma_wait3A_155 = arith.constant 1024 : i32
    %dma_wait3A_156 = tpu.memref_slice %arg6[%dma_wait3A_155] : memref<2048xi32, #tpu.memory_space<vmem>> -> memref<512xi32, #tpu.memory_space<vmem>>
    %dma_wait3A_157 = arith.constant 0 : i32
    %dma_wait3A_158 = arith.constant 0 : i32
    %dma_wait3A_159 = tpu.memref_slice %arg2[%dma_wait3A_157, %dma_wait3A_158] : memref<100352x16xf32, #tpu.memory_space<hbm>> -> memref<100352x16xf32, #tpu.memory_space<hbm>>
    tpu.wait_indirect_dma semaphore(%arg10 : memref<!tpu.dma_semaphore, #tpu.memory_space<semaphore_mem>>) src(%dma_wait3A_159 : memref<100352x16xf32, #tpu.memory_space<hbm>>) dst(%dma_wait3A_154 : memref<512x16xf32, #tpu.memory_space<vmem>>)
    %dma_wait3A_160 = arith.constant 512 : i32
    %dma_wait3A_161 = arith.constant 0 : i32
    %dma_wait3A_162 = tpu.memref_slice %arg8[%dma_wait3A_160, %dma_wait3A_161] : memref<1024x16xf32, #tpu.memory_space<vmem>> -> memref<512x16xf32, #tpu.memory_space<vmem>>
    %dma_wait3A_163 = arith.constant 512 : i32
    %dma_wait3A_164 = tpu.memref_slice %arg7[%dma_wait3A_163] : memref<2048xi32, #tpu.memory_space<vmem>> -> memref<512xi32, #tpu.memory_space<vmem>>
    %dma_wait3A_165 = arith.constant 0 : i32
    %dma_wait3A_166 = arith.constant 0 : i32
    %dma_wait3A_167 = tpu.memref_slice %arg9[%dma_wait3A_165, %dma_wait3A_166] : memref<100352x16xf32, #tpu.memory_space<vmem_shared>> -> memref<100352x16xf32, #tpu.memory_space<vmem_shared>>
    tpu.wait_indirect_dma semaphore(%arg11 : memref<!tpu.dma_semaphore, #tpu.memory_space<semaphore_mem>>) src(%dma_wait3A_162 : memref<512x16xf32, #tpu.memory_space<vmem>>) dst(%dma_wait3A_167 : memref<100352x16xf32, #tpu.memory_space<vmem_shared>>)
    %dma_start3A_168 = arith.constant 0 : i32
    %dma_start3A_169 = arith.constant 0 : i32
    %dma_start3A_170 = tpu.memref_slice %arg8[%dma_start3A_168, %dma_start3A_169] : memref<1024x16xf32, #tpu.memory_space<vmem>> -> memref<512x16xf32, #tpu.memory_space<vmem>>
    %dma_start3A_171 = arith.constant 1024 : i32
    %dma_start3A_172 = tpu.memref_slice %arg7[%dma_start3A_171] : memref<2048xi32, #tpu.memory_space<vmem>> -> memref<512xi32, #tpu.memory_space<vmem>>
    %dma_start3A_173 = arith.constant 0 : i32
    %dma_start3A_174 = arith.constant 0 : i32
    %dma_start3A_175 = tpu.memref_slice %arg9[%dma_start3A_173, %dma_start3A_174] : memref<100352x16xf32, #tpu.memory_space<vmem_shared>> -> memref<100352x16xf32, #tpu.memory_space<vmem_shared>>
    tpu.enqueue_indirect_dma source(%dma_start3A_170 : memref<512x16xf32, #tpu.memory_space<vmem>>) target(%dma_start3A_175 : memref<100352x16xf32, #tpu.memory_space<vmem_shared>>) offsets(%dma_start3A_172 : memref<512xi32, #tpu.memory_space<vmem>>) semaphore(%arg11 : memref<!tpu.dma_semaphore, #tpu.memory_space<semaphore_mem>>) {add = true}
    %dma_wait3A_176 = arith.constant 0 : i32
    %dma_wait3A_177 = arith.constant 0 : i32
    %dma_wait3A_178 = tpu.memref_slice %arg8[%dma_wait3A_176, %dma_wait3A_177] : memref<1024x16xf32, #tpu.memory_space<vmem>> -> memref<512x16xf32, #tpu.memory_space<vmem>>
    %dma_wait3A_179 = arith.constant 1024 : i32
    %dma_wait3A_180 = tpu.memref_slice %arg7[%dma_wait3A_179] : memref<2048xi32, #tpu.memory_space<vmem>> -> memref<512xi32, #tpu.memory_space<vmem>>
    %dma_wait3A_181 = arith.constant 0 : i32
    %dma_wait3A_182 = arith.constant 0 : i32
    %dma_wait3A_183 = tpu.memref_slice %arg9[%dma_wait3A_181, %dma_wait3A_182] : memref<100352x16xf32, #tpu.memory_space<vmem_shared>> -> memref<100352x16xf32, #tpu.memory_space<vmem_shared>>
    tpu.wait_indirect_dma semaphore(%arg11 : memref<!tpu.dma_semaphore, #tpu.memory_space<semaphore_mem>>) src(%dma_wait3A_178 : memref<512x16xf32, #tpu.memory_space<vmem>>) dst(%dma_wait3A_183 : memref<100352x16xf32, #tpu.memory_space<vmem_shared>>)
    %add3A_184 = arith.constant 99328 : i32
    %add3A_185 = arith.addi %mul3A_6, %add3A_184 : i32
    %add3A_186 = arith.constant 99328 : i32
    %add3A_187 = arith.addi %mul3A_6, %add3A_186 : i32
    %dma_wait3A_188 = arith.constant 0 : i32
    %dma_wait3A_189 = arith.constant 1024 : i32
    %dma_wait3A_190 = tpu.memref_slice %arg6[%dma_wait3A_189] : memref<2048xi32, #tpu.memory_space<vmem>> -> memref<512xi32, #tpu.memory_space<vmem>>
    %dma_wait3A_191 = tpu.memref_slice %arg3[%dma_wait3A_188, %add3A_185] : memref<2x3200000xi32, #tpu.memory_space<hbm>> -> memref<1x512xi32, #tpu.memory_space<hbm>>
    %dma_wait3A_192 = tpu.memref_squeeze %dma_wait3A_191 : memref<1x512xi32, #tpu.memory_space<hbm>> -> memref<512xi32, #tpu.memory_space<hbm>>
    %dma_wait3A_193 = arith.constant 1024 : i32
    %dma_wait3A_194 = tpu.memref_slice %arg6[%dma_wait3A_193] : memref<2048xi32, #tpu.memory_space<vmem>> -> memref<512xi32, #tpu.memory_space<vmem>>
    %dma_wait3A_195 = tpu.memref_slice %arg3[%dma_wait3A_188, %add3A_185] : memref<2x3200000xi32, #tpu.memory_space<hbm>> -> memref<1x512xi32, #tpu.memory_space<hbm>>
    %dma_wait3A_196 = tpu.memref_squeeze %dma_wait3A_195 : memref<1x512xi32, #tpu.memory_space<hbm>> -> memref<512xi32, #tpu.memory_space<hbm>>
    tpu.wait_dma2 semaphore(%arg12 : memref<!tpu.dma_semaphore, #tpu.memory_space<semaphore_mem>>) src(%dma_wait3A_196 : memref<512xi32, #tpu.memory_space<hbm>>) dst(%dma_wait3A_194 : memref<512xi32, #tpu.memory_space<vmem>>)
    %dma_wait3A_197 = arith.constant 1 : i32
    %dma_wait3A_198 = arith.constant 1024 : i32
    %dma_wait3A_199 = tpu.memref_slice %arg7[%dma_wait3A_198] : memref<2048xi32, #tpu.memory_space<vmem>> -> memref<512xi32, #tpu.memory_space<vmem>>
    %dma_wait3A_200 = tpu.memref_slice %arg3[%dma_wait3A_197, %add3A_187] : memref<2x3200000xi32, #tpu.memory_space<hbm>> -> memref<1x512xi32, #tpu.memory_space<hbm>>
    %dma_wait3A_201 = tpu.memref_squeeze %dma_wait3A_200 : memref<1x512xi32, #tpu.memory_space<hbm>> -> memref<512xi32, #tpu.memory_space<hbm>>
    %dma_wait3A_202 = arith.constant 1024 : i32
    %dma_wait3A_203 = tpu.memref_slice %arg7[%dma_wait3A_202] : memref<2048xi32, #tpu.memory_space<vmem>> -> memref<512xi32, #tpu.memory_space<vmem>>
    %dma_wait3A_204 = tpu.memref_slice %arg3[%dma_wait3A_197, %add3A_187] : memref<2x3200000xi32, #tpu.memory_space<hbm>> -> memref<1x512xi32, #tpu.memory_space<hbm>>
    %dma_wait3A_205 = tpu.memref_squeeze %dma_wait3A_204 : memref<1x512xi32, #tpu.memory_space<hbm>> -> memref<512xi32, #tpu.memory_space<hbm>>
    tpu.wait_dma2 semaphore(%arg12 : memref<!tpu.dma_semaphore, #tpu.memory_space<semaphore_mem>>) src(%dma_wait3A_205 : memref<512xi32, #tpu.memory_space<hbm>>) dst(%dma_wait3A_203 : memref<512xi32, #tpu.memory_space<vmem>>)
    %add3A_206 = arith.constant 99840 : i32
    %add3A_207 = arith.addi %mul3A_6, %add3A_206 : i32
    %run_scoped3A = arith.constant 0 : i32
    "tpu.region"() ({
      %run_scoped3A_246 = tpu.sem_alloc : memref<!tpu.dma_semaphore, #tpu.memory_space<semaphore_mem>>
      %dma_start3A_247 = arith.constant 0 : i32
      %dma_start3A_248 = tpu.memref_slice %arg6[%dma_start3A_247] : memref<2048xi32, #tpu.memory_space<vmem>> -> memref<160xi32, #tpu.memory_space<vmem>>
      %dma_start3A_249 = tpu.memref_slice %arg3[%run_scoped3A, %add3A_207] : memref<2x3200000xi32, #tpu.memory_space<hbm>> -> memref<1x160xi32, #tpu.memory_space<hbm>>
      %dma_start3A_250 = tpu.memref_squeeze %dma_start3A_249 : memref<1x160xi32, #tpu.memory_space<hbm>> -> memref<160xi32, #tpu.memory_space<hbm>>
      %dma_start3A_251 = arith.constant 0 : i32
      %dma_start3A_252 = tpu.memref_slice %arg6[%dma_start3A_251] : memref<2048xi32, #tpu.memory_space<vmem>> -> memref<160xi32, #tpu.memory_space<vmem>>
      %dma_start3A_253 = tpu.memref_slice %arg3[%run_scoped3A, %add3A_207] : memref<2x3200000xi32, #tpu.memory_space<hbm>> -> memref<1x160xi32, #tpu.memory_space<hbm>>
      %dma_start3A_254 = tpu.memref_squeeze %dma_start3A_253 : memref<1x160xi32, #tpu.memory_space<hbm>> -> memref<160xi32, #tpu.memory_space<hbm>>
      tpu.enqueue_dma source(%dma_start3A_254 : memref<160xi32, #tpu.memory_space<hbm>>) target(%dma_start3A_252 : memref<160xi32, #tpu.memory_space<vmem>>) target_semaphore(%run_scoped3A_246 : memref<!tpu.dma_semaphore, #tpu.memory_space<semaphore_mem>>)
      %dma_wait3A_255 = arith.constant 0 : i32
      %dma_wait3A_256 = tpu.memref_slice %arg6[%dma_wait3A_255] : memref<2048xi32, #tpu.memory_space<vmem>> -> memref<160xi32, #tpu.memory_space<vmem>>
      %dma_wait3A_257 = tpu.memref_slice %arg3[%run_scoped3A, %add3A_207] : memref<2x3200000xi32, #tpu.memory_space<hbm>> -> memref<1x160xi32, #tpu.memory_space<hbm>>
      %dma_wait3A_258 = tpu.memref_squeeze %dma_wait3A_257 : memref<1x160xi32, #tpu.memory_space<hbm>> -> memref<160xi32, #tpu.memory_space<hbm>>
      %dma_wait3A_259 = arith.constant 0 : i32
      %dma_wait3A_260 = tpu.memref_slice %arg6[%dma_wait3A_259] : memref<2048xi32, #tpu.memory_space<vmem>> -> memref<160xi32, #tpu.memory_space<vmem>>
      %dma_wait3A_261 = tpu.memref_slice %arg3[%run_scoped3A, %add3A_207] : memref<2x3200000xi32, #tpu.memory_space<hbm>> -> memref<1x160xi32, #tpu.memory_space<hbm>>
      %dma_wait3A_262 = tpu.memref_squeeze %dma_wait3A_261 : memref<1x160xi32, #tpu.memory_space<hbm>> -> memref<160xi32, #tpu.memory_space<hbm>>
      tpu.wait_dma2 semaphore(%run_scoped3A_246 : memref<!tpu.dma_semaphore, #tpu.memory_space<semaphore_mem>>) src(%dma_wait3A_262 : memref<160xi32, #tpu.memory_space<hbm>>) dst(%dma_wait3A_260 : memref<160xi32, #tpu.memory_space<vmem>>)
      tpu.yield
    }) : () -> ()
    %run_scoped3A_208 = arith.constant 1 : i32
    "tpu.region"() ({
      %run_scoped3A_246 = tpu.sem_alloc : memref<!tpu.dma_semaphore, #tpu.memory_space<semaphore_mem>>
      %dma_start3A_247 = arith.constant 0 : i32
      %dma_start3A_248 = tpu.memref_slice %arg7[%dma_start3A_247] : memref<2048xi32, #tpu.memory_space<vmem>> -> memref<160xi32, #tpu.memory_space<vmem>>
      %dma_start3A_249 = tpu.memref_slice %arg3[%run_scoped3A_208, %add3A_207] : memref<2x3200000xi32, #tpu.memory_space<hbm>> -> memref<1x160xi32, #tpu.memory_space<hbm>>
      %dma_start3A_250 = tpu.memref_squeeze %dma_start3A_249 : memref<1x160xi32, #tpu.memory_space<hbm>> -> memref<160xi32, #tpu.memory_space<hbm>>
      %dma_start3A_251 = arith.constant 0 : i32
      %dma_start3A_252 = tpu.memref_slice %arg7[%dma_start3A_251] : memref<2048xi32, #tpu.memory_space<vmem>> -> memref<160xi32, #tpu.memory_space<vmem>>
      %dma_start3A_253 = tpu.memref_slice %arg3[%run_scoped3A_208, %add3A_207] : memref<2x3200000xi32, #tpu.memory_space<hbm>> -> memref<1x160xi32, #tpu.memory_space<hbm>>
      %dma_start3A_254 = tpu.memref_squeeze %dma_start3A_253 : memref<1x160xi32, #tpu.memory_space<hbm>> -> memref<160xi32, #tpu.memory_space<hbm>>
      tpu.enqueue_dma source(%dma_start3A_254 : memref<160xi32, #tpu.memory_space<hbm>>) target(%dma_start3A_252 : memref<160xi32, #tpu.memory_space<vmem>>) target_semaphore(%run_scoped3A_246 : memref<!tpu.dma_semaphore, #tpu.memory_space<semaphore_mem>>)
      %dma_wait3A_255 = arith.constant 0 : i32
      %dma_wait3A_256 = tpu.memref_slice %arg7[%dma_wait3A_255] : memref<2048xi32, #tpu.memory_space<vmem>> -> memref<160xi32, #tpu.memory_space<vmem>>
      %dma_wait3A_257 = tpu.memref_slice %arg3[%run_scoped3A_208, %add3A_207] : memref<2x3200000xi32, #tpu.memory_space<hbm>> -> memref<1x160xi32, #tpu.memory_space<hbm>>
      %dma_wait3A_258 = tpu.memref_squeeze %dma_wait3A_257 : memref<1x160xi32, #tpu.memory_space<hbm>> -> memref<160xi32, #tpu.memory_space<hbm>>
      %dma_wait3A_259 = arith.constant 0 : i32
      %dma_wait3A_260 = tpu.memref_slice %arg7[%dma_wait3A_259] : memref<2048xi32, #tpu.memory_space<vmem>> -> memref<160xi32, #tpu.memory_space<vmem>>
      %dma_wait3A_261 = tpu.memref_slice %arg3[%run_scoped3A_208, %add3A_207] : memref<2x3200000xi32, #tpu.memory_space<hbm>> -> memref<1x160xi32, #tpu.memory_space<hbm>>
      %dma_wait3A_262 = tpu.memref_squeeze %dma_wait3A_261 : memref<1x160xi32, #tpu.memory_space<hbm>> -> memref<160xi32, #tpu.memory_space<hbm>>
      tpu.wait_dma2 semaphore(%run_scoped3A_246 : memref<!tpu.dma_semaphore, #tpu.memory_space<semaphore_mem>>) src(%dma_wait3A_262 : memref<160xi32, #tpu.memory_space<hbm>>) dst(%dma_wait3A_260 : memref<160xi32, #tpu.memory_space<vmem>>)
      tpu.yield
    }) : () -> ()
    %dma_start3A_209 = arith.constant 0 : i32
    %dma_start3A_210 = arith.constant 0 : i32
    %dma_start3A_211 = tpu.memref_slice %arg8[%dma_start3A_209, %dma_start3A_210] : memref<1024x16xf32, #tpu.memory_space<vmem>> -> memref<160x16xf32, #tpu.memory_space<vmem>>
    %dma_start3A_212 = arith.constant 0 : i32
    %dma_start3A_213 = tpu.memref_slice %arg6[%dma_start3A_212] : memref<2048xi32, #tpu.memory_space<vmem>> -> memref<160xi32, #tpu.memory_space<vmem>>
    %dma_start3A_214 = arith.constant 0 : i32
    %dma_start3A_215 = arith.constant 0 : i32
    %dma_start3A_216 = tpu.memref_slice %arg2[%dma_start3A_214, %dma_start3A_215] : memref<100352x16xf32, #tpu.memory_space<hbm>> -> memref<100352x16xf32, #tpu.memory_space<hbm>>
    tpu.enqueue_indirect_dma source(%dma_start3A_216 : memref<100352x16xf32, #tpu.memory_space<hbm>>) target(%dma_start3A_211 : memref<160x16xf32, #tpu.memory_space<vmem>>) offsets(%dma_start3A_213 : memref<160xi32, #tpu.memory_space<vmem>>) semaphore(%arg10 : memref<!tpu.dma_semaphore, #tpu.memory_space<semaphore_mem>>)
    %dma_wait3A_217 = arith.constant 0 : i32
    %dma_wait3A_218 = arith.constant 0 : i32
    %dma_wait3A_219 = tpu.memref_slice %arg8[%dma_wait3A_217, %dma_wait3A_218] : memref<1024x16xf32, #tpu.memory_space<vmem>> -> memref<160x16xf32, #tpu.memory_space<vmem>>
    %dma_wait3A_220 = arith.constant 0 : i32
    %dma_wait3A_221 = tpu.memref_slice %arg6[%dma_wait3A_220] : memref<2048xi32, #tpu.memory_space<vmem>> -> memref<160xi32, #tpu.memory_space<vmem>>
    %dma_wait3A_222 = arith.constant 0 : i32
    %dma_wait3A_223 = arith.constant 0 : i32
    %dma_wait3A_224 = tpu.memref_slice %arg2[%dma_wait3A_222, %dma_wait3A_223] : memref<100352x16xf32, #tpu.memory_space<hbm>> -> memref<100352x16xf32, #tpu.memory_space<hbm>>
    tpu.wait_indirect_dma semaphore(%arg10 : memref<!tpu.dma_semaphore, #tpu.memory_space<semaphore_mem>>) src(%dma_wait3A_224 : memref<100352x16xf32, #tpu.memory_space<hbm>>) dst(%dma_wait3A_219 : memref<160x16xf32, #tpu.memory_space<vmem>>)
    %dma_start3A_225 = arith.constant 0 : i32
    %dma_start3A_226 = arith.constant 0 : i32
    %dma_start3A_227 = tpu.memref_slice %arg8[%dma_start3A_225, %dma_start3A_226] : memref<1024x16xf32, #tpu.memory_space<vmem>> -> memref<160x16xf32, #tpu.memory_space<vmem>>
    %dma_start3A_228 = arith.constant 0 : i32
    %dma_start3A_229 = tpu.memref_slice %arg7[%dma_start3A_228] : memref<2048xi32, #tpu.memory_space<vmem>> -> memref<160xi32, #tpu.memory_space<vmem>>
    %dma_start3A_230 = arith.constant 0 : i32
    %dma_start3A_231 = arith.constant 0 : i32
    %dma_start3A_232 = tpu.memref_slice %arg9[%dma_start3A_230, %dma_start3A_231] : memref<100352x16xf32, #tpu.memory_space<vmem_shared>> -> memref<100352x16xf32, #tpu.memory_space<vmem_shared>>
    tpu.enqueue_indirect_dma source(%dma_start3A_227 : memref<160x16xf32, #tpu.memory_space<vmem>>) target(%dma_start3A_232 : memref<100352x16xf32, #tpu.memory_space<vmem_shared>>) offsets(%dma_start3A_229 : memref<160xi32, #tpu.memory_space<vmem>>) semaphore(%arg11 : memref<!tpu.dma_semaphore, #tpu.memory_space<semaphore_mem>>) {add = true}
    %dma_wait3A_233 = arith.constant 0 : i32
    %dma_wait3A_234 = arith.constant 0 : i32
    %dma_wait3A_235 = tpu.memref_slice %arg8[%dma_wait3A_233, %dma_wait3A_234] : memref<1024x16xf32, #tpu.memory_space<vmem>> -> memref<160x16xf32, #tpu.memory_space<vmem>>
    %dma_wait3A_236 = arith.constant 0 : i32
    %dma_wait3A_237 = tpu.memref_slice %arg7[%dma_wait3A_236] : memref<2048xi32, #tpu.memory_space<vmem>> -> memref<160xi32, #tpu.memory_space<vmem>>
    %dma_wait3A_238 = arith.constant 0 : i32
    %dma_wait3A_239 = arith.constant 0 : i32
    %dma_wait3A_240 = tpu.memref_slice %arg9[%dma_wait3A_238, %dma_wait3A_239] : memref<100352x16xf32, #tpu.memory_space<vmem_shared>> -> memref<100352x16xf32, #tpu.memory_space<vmem_shared>>
    tpu.wait_indirect_dma semaphore(%arg11 : memref<!tpu.dma_semaphore, #tpu.memory_space<semaphore_mem>>) src(%dma_wait3A_235 : memref<160x16xf32, #tpu.memory_space<vmem>>) dst(%dma_wait3A_240 : memref<100352x16xf32, #tpu.memory_space<vmem_shared>>)
    %barrier3A_241 = arith.constant 0 : index
    tpu.barrier barrier_id(%barrier3A_241)
    %mul3A_242 = arith.constant 6272 : i32
    %mul3A_243 = arith.muli %arg1, %mul3A_242 : i32
    %mul3A_244 = arith.constant 6272 : i32
    %mul3A_245 = arith.muli %arg1, %mul3A_244 : i32
    "tpu.region"() ({
      %run_scoped3A_246 = tpu.sem_alloc : memref<!tpu.dma_semaphore, #tpu.memory_space<semaphore_mem>>
      %dma_start3A_247 = arith.constant 0 : i32
      %dma_start3A_248 = tpu.memref_slice %arg5[%arg0, %mul3A_245, %dma_start3A_247] : memref<2x100352x16xf32, #tpu.memory_space<hbm>> -> memref<1x6272x16xf32, #tpu.memory_space<hbm>>
      %dma_start3A_249 = tpu.memref_squeeze %dma_start3A_248 : memref<1x6272x16xf32, #tpu.memory_space<hbm>> -> memref<6272x16xf32, #tpu.memory_space<hbm>>
      %dma_start3A_250 = arith.constant 0 : i32
      %dma_start3A_251 = tpu.memref_slice %arg9[%mul3A_243, %dma_start3A_250] : memref<100352x16xf32, #tpu.memory_space<vmem_shared>> -> memref<6272x16xf32, #tpu.memory_space<vmem_shared>>
      tpu.enqueue_dma source(%dma_start3A_251 : memref<6272x16xf32, #tpu.memory_space<vmem_shared>>) target(%dma_start3A_249 : memref<6272x16xf32, #tpu.memory_space<hbm>>) target_semaphore(%run_scoped3A_246 : memref<!tpu.dma_semaphore, #tpu.memory_space<semaphore_mem>>)
      %dma_wait3A_252 = arith.constant 0 : i32
      %dma_wait3A_253 = tpu.memref_slice %arg5[%arg0, %mul3A_245, %dma_wait3A_252] : memref<2x100352x16xf32, #tpu.memory_space<hbm>> -> memref<1x6272x16xf32, #tpu.memory_space<hbm>>
      %dma_wait3A_254 = tpu.memref_squeeze %dma_wait3A_253 : memref<1x6272x16xf32, #tpu.memory_space<hbm>> -> memref<6272x16xf32, #tpu.memory_space<hbm>>
      %dma_wait3A_255 = arith.constant 0 : i32
      %dma_wait3A_256 = tpu.memref_slice %arg9[%mul3A_243, %dma_wait3A_255] : memref<100352x16xf32, #tpu.memory_space<vmem_shared>> -> memref<6272x16xf32, #tpu.memory_space<vmem_shared>>
      tpu.wait_dma2 semaphore(%run_scoped3A_246 : memref<!tpu.dma_semaphore, #tpu.memory_space<semaphore_mem>>) src(%dma_wait3A_256 : memref<6272x16xf32, #tpu.memory_space<vmem_shared>>) dst(%dma_wait3A_254 : memref<6272x16xf32, #tpu.memory_space<hbm>>)
      tpu.yield
    }) : () -> ()
    return
  }
}

module attributes {stable_mosaic.version = 14 : i64} {
  func.func @_k0a_body(%arg0: i32, %arg1: memref<1568x40xf32, #tpu.memory_space<vmem>>, %arg2: memref<40x128xf32, #tpu.memory_space<vmem>>, %arg3: memref<1x128xf32, #tpu.memory_space<vmem>>, %arg4: memref<128x128xf32, #tpu.memory_space<vmem>>, %arg5: memref<1568x128xf32, #tpu.memory_space<vmem>>) attributes {dimension_semantics = [#tpu.dimension_semantics<arbitrary>], iteration_bounds = array<i64: 8>, scalar_prefetch = 0 : i64, scratch_operands = 0 : i64, tpu.core_type = #tpu.core_type<tc>, window_params = [{transform_indices = @transform_0, window_bounds = array<i64: 1568, 40>}, {pipeline_mode = #tpu.pipeline_mode<synchronous>, transform_indices = @transform_1, window_bounds = array<i64: 40, 128>}, {pipeline_mode = #tpu.pipeline_mode<synchronous>, transform_indices = @transform_2, window_bounds = array<i64: 1, 128>}, {pipeline_mode = #tpu.pipeline_mode<synchronous>, transform_indices = @transform_3, window_bounds = array<i64: 128, 128>}, {transform_indices = @transform_4, window_bounds = array<i64: 1568, 128>}]} {
    %get3A = arith.constant 0 : index
    %get3A_0 = arith.constant 0 : index
    %get3A_1 = vector.load %arg1[%get3A, %get3A_0] : memref<1568x40xf32, #tpu.memory_space<vmem>>, vector<1568x40xf32>
    %get3A_2 = arith.constant 0 : index
    %get3A_3 = arith.constant 0 : index
    %get3A_4 = vector.load %arg2[%get3A_2, %get3A_3] : memref<40x128xf32, #tpu.memory_space<vmem>>, vector<40x128xf32>
    %dot_general3A = arith.constant dense<0.000000e+00> : vector<1568x128xf32>
    %dot_general3A_5 = tpu.matmul %get3A_1, %get3A_4, %dot_general3A {dimension_numbers = #tpu.dot_dimension_numbers<[1], [0], [0], [1], [0, 0, 1, 1], [], []>, transpose_lhs_hint = false} : vector<1568x40xf32>, vector<40x128xf32>, vector<1568x128xf32> -> vector<1568x128xf32>
    %get3A_6 = arith.constant 0 : index
    %get3A_7 = arith.constant 0 : index
    %get3A_8 = vector.load %arg3[%get3A_6, %get3A_7] : memref<1x128xf32, #tpu.memory_space<vmem>>, vector<1x128xf32>
    %add3A = vector.broadcast %get3A_8 : vector<1x128xf32> to vector<1568x128xf32>
    %add3A_9 = arith.addf %dot_general3A_5, %add3A : vector<1568x128xf32>
    %get3A_10 = arith.constant 0 : index
    %get3A_11 = arith.constant 0 : index
    %get3A_12 = vector.load %arg4[%get3A_10, %get3A_11] : memref<128x128xf32, #tpu.memory_space<vmem>>, vector<128x128xf32>
    %dot_general3A_13 = arith.constant dense<0.000000e+00> : vector<1568x128xf32>
    %dot_general3A_14 = tpu.matmul %add3A_9, %get3A_12, %dot_general3A_13 {dimension_numbers = #tpu.dot_dimension_numbers<[1], [0], [0], [1], [0, 0, 1, 1], [], []>, transpose_lhs_hint = false} : vector<1568x128xf32>, vector<128x128xf32>, vector<1568x128xf32> -> vector<1568x128xf32>
    %swap3A = arith.constant 0 : index
    %swap3A_15 = arith.constant 0 : index
    %swap3A_16 = vector.load %arg5[%swap3A, %swap3A_15] : memref<1568x128xf32, #tpu.memory_space<vmem>>, vector<1568x128xf32>
    tpu.vector_store %arg5[%swap3A, %swap3A_15], %dot_general3A_14 {strides = array<i32>} : memref<1568x128xf32, #tpu.memory_space<vmem>>, vector<1568x128xf32>,
    return
  }
  func.func @transform_0(%arg0: i32) -> (i32, i32) {
    %c0_i32 = arith.constant 0 : i32
    %c0_i32_0 = arith.constant 0 : i32
    return %arg0, %c0_i32 : i32, i32
  }
  func.func @transform_1(%arg0: i32) -> (i32, i32) {
    %c0_i32 = arith.constant 0 : i32
    %c0_i32_0 = arith.constant 0 : i32
    %c0_i32_1 = arith.constant 0 : i32
    return %c0_i32, %c0_i32_0 : i32, i32
  }
  func.func @transform_2(%arg0: i32) -> (i32, i32) {
    %c0_i32 = arith.constant 0 : i32
    %c0_i32_0 = arith.constant 0 : i32
    %c0_i32_1 = arith.constant 0 : i32
    return %c0_i32, %c0_i32_0 : i32, i32
  }
  func.func @transform_3(%arg0: i32) -> (i32, i32) {
    %c0_i32 = arith.constant 0 : i32
    %c0_i32_0 = arith.constant 0 : i32
    %c0_i32_1 = arith.constant 0 : i32
    return %c0_i32, %c0_i32_0 : i32, i32
  }
  func.func @transform_4(%arg0: i32) -> (i32, i32) {
    %c0_i32 = arith.constant 0 : i32
    %c0_i32_0 = arith.constant 0 : i32
    return %arg0, %c0_i32 : i32, i32
  }
}

module attributes {stable_mosaic.version = 14 : i64} {
  func.func @_k0b_body(%arg0: i32, %arg1: memref<2x1568x8xf32, #tpu.memory_space<vmem>>, %arg2: memref<8x128xf32, #tpu.memory_space<vmem>>, %arg3: memref<1568x128xf32, #tpu.memory_space<vmem>>, %arg4: memref<1568x128xf32, #tpu.memory_space<vmem>>) attributes {dimension_semantics = [#tpu.dimension_semantics<arbitrary>], iteration_bounds = array<i64: 8>, scalar_prefetch = 0 : i64, scratch_operands = 0 : i64, tpu.core_type = #tpu.core_type<tc>, window_params = [{transform_indices = @transform_0, window_bounds = array<i64: 2, 1568, 8>}, {pipeline_mode = #tpu.pipeline_mode<synchronous>, transform_indices = @transform_1, window_bounds = array<i64: 8, 128>}, {transform_indices = @transform_2, window_bounds = array<i64: 1568, 128>}, {transform_indices = @transform_3, window_bounds = array<i64: 1568, 128>}]} {
    %get3A = arith.constant 0 : index
    %get3A_0 = arith.constant 0 : index
    %get3A_1 = arith.constant 0 : index
    %get3A_2 = vector.load %arg1[%get3A, %get3A_0, %get3A_1] : memref<2x1568x8xf32, #tpu.memory_space<vmem>>, vector<1x1568x8xf32>
    %get3A_3 = vector.shape_cast %get3A_2 : vector<1x1568x8xf32> to vector<1568x8xf32>
    %get3A_4 = arith.constant 1 : index
    %get3A_5 = arith.constant 0 : index
    %get3A_6 = arith.constant 0 : index
    %get3A_7 = vector.load %arg1[%get3A_4, %get3A_5, %get3A_6] : memref<2x1568x8xf32, #tpu.memory_space<vmem>>, vector<1x1568x8xf32>
    %get3A_8 = vector.shape_cast %get3A_7 : vector<1x1568x8xf32> to vector<1568x8xf32>
    %add3A = arith.addf %get3A_3, %get3A_8 : vector<1568x8xf32>
    %add3A_9 = arith.constant 1.000000e+00 : f32
    %add3A_10 = vector.broadcast %add3A_9 : f32 to vector<1568x8xf32>
    %add3A_11 = arith.addf %add3A, %add3A_10 : vector<1568x8xf32>
    %rsqrt3A = math.rsqrt %add3A_11 : vector<1568x8xf32>
    %get3A_12 = arith.constant 0 : index
    %get3A_13 = arith.constant 0 : index
    %get3A_14 = vector.load %arg2[%get3A_12, %get3A_13] : memref<8x128xf32, #tpu.memory_space<vmem>>, vector<8x128xf32>
    %dot_general3A = arith.constant dense<0.000000e+00> : vector<1568x128xf32>
    %dot_general3A_15 = tpu.matmul %rsqrt3A, %get3A_14, %dot_general3A {dimension_numbers = #tpu.dot_dimension_numbers<[1], [0], [0], [1], [0, 0, 1, 1], [], []>, transpose_lhs_hint = false} : vector<1568x8xf32>, vector<8x128xf32>, vector<1568x128xf32> -> vector<1568x128xf32>
    %get3A_16 = arith.constant 0 : index
    %get3A_17 = arith.constant 0 : index
    %get3A_18 = vector.load %arg3[%get3A_16, %get3A_17] : memref<1568x128xf32, #tpu.memory_space<vmem>>, vector<1568x128xf32>
    %mul3A = arith.mulf %dot_general3A_15, %get3A_18 : vector<1568x128xf32>
    %swap3A = arith.constant 0 : index
    %swap3A_19 = arith.constant 0 : index
    %swap3A_20 = vector.load %arg4[%swap3A, %swap3A_19] : memref<1568x128xf32, #tpu.memory_space<vmem>>, vector<1568x128xf32>
    tpu.vector_store %arg4[%swap3A, %swap3A_19], %mul3A {strides = array<i32>} : memref<1568x128xf32, #tpu.memory_space<vmem>>, vector<1568x128xf32>,
    return
  }
  func.func @transform_0(%arg0: i32) -> (i32, i32, i32) {
    %c0_i32 = arith.constant 0 : i32
    %c0_i32_0 = arith.constant 0 : i32
    %c0_i32_1 = arith.constant 0 : i32
    return %c0_i32, %arg0, %c0_i32_0 : i32, i32, i32
  }
  func.func @transform_1(%arg0: i32) -> (i32, i32) {
    %c0_i32 = arith.constant 0 : i32
    %c0_i32_0 = arith.constant 0 : i32
    %c0_i32_1 = arith.constant 0 : i32
    return %c0_i32, %c0_i32_0 : i32, i32
  }
  func.func @transform_2(%arg0: i32) -> (i32, i32) {
    %c0_i32 = arith.constant 0 : i32
    %c0_i32_0 = arith.constant 0 : i32
    return %arg0, %c0_i32 : i32, i32
  }
  func.func @transform_3(%arg0: i32) -> (i32, i32) {
    %c0_i32 = arith.constant 0 : i32
    %c0_i32_0 = arith.constant 0 : i32
    return %arg0, %c0_i32 : i32, i32
  }
}

module attributes {stable_mosaic.version = 14 : i64} {
  func.func @_k1_body(%arg0: i32, %arg1: memref<2x1568x8xf32, #tpu.memory_space<vmem>>, %arg2: memref<8x128xf32, #tpu.memory_space<vmem>>, %arg3: memref<2x1568x128xf32, #tpu.memory_space<vmem>>, %arg4: memref<1568x128xf32, #tpu.memory_space<vmem>>, %arg5: memref<1x128xf32, #tpu.memory_space<vmem>>, %arg6: memref<128x128xf32, #tpu.memory_space<vmem>>, %arg7: memref<1568x128xf32, #tpu.memory_space<vmem>>, %arg8: memref<1568x128xf32, #tpu.memory_space<vmem>>) attributes {dimension_semantics = [#tpu.dimension_semantics<arbitrary>], iteration_bounds = array<i64: 8>, scalar_prefetch = 0 : i64, scratch_operands = 0 : i64, tpu.core_type = #tpu.core_type<tc>, window_params = [{transform_indices = @transform_0, window_bounds = array<i64: 2, 1568, 8>}, {pipeline_mode = #tpu.pipeline_mode<synchronous>, transform_indices = @transform_1, window_bounds = array<i64: 8, 128>}, {transform_indices = @transform_2, window_bounds = array<i64: 2, 1568, 128>}, {transform_indices = @transform_3, window_bounds = array<i64: 1568, 128>}, {pipeline_mode = #tpu.pipeline_mode<synchronous>, transform_indices = @transform_4, window_bounds = array<i64: 1, 128>}, {pipeline_mode = #tpu.pipeline_mode<synchronous>, transform_indices = @transform_5, window_bounds = array<i64: 128, 128>}, {transform_indices = @transform_6, window_bounds = array<i64: 1568, 128>}, {transform_indices = @transform_7, window_bounds = array<i64: 1568, 128>}]} {
    %get3A = arith.constant 0 : index
    %get3A_0 = arith.constant 0 : index
    %get3A_1 = arith.constant 0 : index
    %get3A_2 = vector.load %arg1[%get3A, %get3A_0, %get3A_1] : memref<2x1568x8xf32, #tpu.memory_space<vmem>>, vector<1x1568x8xf32>
    %get3A_3 = vector.shape_cast %get3A_2 : vector<1x1568x8xf32> to vector<1568x8xf32>
    %get3A_4 = arith.constant 1 : index
    %get3A_5 = arith.constant 0 : index
    %get3A_6 = arith.constant 0 : index
    %get3A_7 = vector.load %arg1[%get3A_4, %get3A_5, %get3A_6] : memref<2x1568x8xf32, #tpu.memory_space<vmem>>, vector<1x1568x8xf32>
    %get3A_8 = vector.shape_cast %get3A_7 : vector<1x1568x8xf32> to vector<1568x8xf32>
    %add3A = arith.addf %get3A_3, %get3A_8 : vector<1568x8xf32>
    %add3A_9 = arith.constant 1.000000e+00 : f32
    %add3A_10 = vector.broadcast %add3A_9 : f32 to vector<1568x8xf32>
    %add3A_11 = arith.addf %add3A, %add3A_10 : vector<1568x8xf32>
    %rsqrt3A = math.rsqrt %add3A_11 : vector<1568x8xf32>
    %get3A_12 = arith.constant 0 : index
    %get3A_13 = arith.constant 0 : index
    %get3A_14 = vector.load %arg2[%get3A_12, %get3A_13] : memref<8x128xf32, #tpu.memory_space<vmem>>, vector<8x128xf32>
    %dot_general3A = arith.constant dense<0.000000e+00> : vector<1568x128xf32>
    %dot_general3A_15 = tpu.matmul %rsqrt3A, %get3A_14, %dot_general3A {dimension_numbers = #tpu.dot_dimension_numbers<[1], [0], [0], [1], [0, 0, 1, 1], [], []>, transpose_lhs_hint = false} : vector<1568x8xf32>, vector<8x128xf32>, vector<1568x128xf32> -> vector<1568x128xf32>
    %get3A_16 = arith.constant 0 : index
    %get3A_17 = arith.constant 0 : index
    %get3A_18 = arith.constant 0 : index
    %get3A_19 = vector.load %arg3[%get3A_16, %get3A_17, %get3A_18] : memref<2x1568x128xf32, #tpu.memory_space<vmem>>, vector<1x1568x128xf32>
    %get3A_20 = vector.shape_cast %get3A_19 : vector<1x1568x128xf32> to vector<1568x128xf32>
    %get3A_21 = arith.constant 1 : index
    %get3A_22 = arith.constant 0 : index
    %get3A_23 = arith.constant 0 : index
    %get3A_24 = vector.load %arg3[%get3A_21, %get3A_22, %get3A_23] : memref<2x1568x128xf32, #tpu.memory_space<vmem>>, vector<1x1568x128xf32>
    %get3A_25 = vector.shape_cast %get3A_24 : vector<1x1568x128xf32> to vector<1568x128xf32>
    %add3A_26 = arith.addf %get3A_20, %get3A_25 : vector<1568x128xf32>
    %mul3A = arith.mulf %dot_general3A_15, %add3A_26 : vector<1568x128xf32>
    %mul3A_27 = arith.mulf %dot_general3A_15, %dot_general3A_15 : vector<1568x128xf32>
    %get3A_28 = arith.constant 0 : index
    %get3A_29 = arith.constant 0 : index
    %get3A_30 = vector.load %arg4[%get3A_28, %get3A_29] : memref<1568x128xf32, #tpu.memory_space<vmem>>, vector<1568x128xf32>
    %mul3A_31 = arith.mulf %mul3A_27, %get3A_30 : vector<1568x128xf32>
    %add3A_32 = arith.addf %mul3A, %mul3A_31 : vector<1568x128xf32>
    %get3A_33 = arith.constant 0 : index
    %get3A_34 = arith.constant 0 : index
    %get3A_35 = vector.load %arg5[%get3A_33, %get3A_34] : memref<1x128xf32, #tpu.memory_space<vmem>>, vector<1x128xf32>
    %add3A_36 = vector.broadcast %get3A_35 : vector<1x128xf32> to vector<1568x128xf32>
    %add3A_37 = arith.addf %add3A_32, %add3A_36 : vector<1568x128xf32>
    %gt3A = arith.constant 0.000000e+00 : f32
    %gt3A_38 = vector.broadcast %gt3A : f32 to vector<1568x128xf32>
    %gt3A_39 = arith.cmpf ogt, %add3A_37, %gt3A_38 : vector<1568x128xf32>
    %exp3A = math.exp %add3A_37 : vector<1568x128xf32>
    %sub3A = arith.constant 1.000000e+00 : f32
    %sub3A_40 = vector.broadcast %sub3A : f32 to vector<1568x128xf32>
    %sub3A_41 = arith.subf %exp3A, %sub3A_40 : vector<1568x128xf32>
    %mul3A_42 = arith.constant 1.67326319 : f32
    %mul3A_43 = vector.broadcast %mul3A_42 : f32 to vector<1568x128xf32>
    %mul3A_44 = arith.mulf %mul3A_43, %sub3A_41 : vector<1568x128xf32>
    %select_n3A = arith.select %gt3A_39, %add3A_37, %mul3A_44 : vector<1568x128xi1>, vector<1568x128xf32>
    %mul3A_45 = arith.constant 1.05070102 : f32
    %mul3A_46 = vector.broadcast %mul3A_45 : f32 to vector<1568x128xf32>
    %mul3A_47 = arith.mulf %mul3A_46, %select_n3A : vector<1568x128xf32>
    %get3A_48 = arith.constant 0 : index
    %get3A_49 = arith.constant 0 : index
    %get3A_50 = vector.load %arg6[%get3A_48, %get3A_49] : memref<128x128xf32, #tpu.memory_space<vmem>>, vector<128x128xf32>
    %dot_general3A_51 = arith.constant dense<0.000000e+00> : vector<1568x128xf32>
    %dot_general3A_52 = tpu.matmul %mul3A_47, %get3A_50, %dot_general3A_51 {dimension_numbers = #tpu.dot_dimension_numbers<[1], [0], [0], [1], [0, 0, 1, 1], [], []>, transpose_lhs_hint = false} : vector<1568x128xf32>, vector<128x128xf32>, vector<1568x128xf32> -> vector<1568x128xf32>
    %swap3A = arith.constant 0 : index
    %swap3A_53 = arith.constant 0 : index
    %swap3A_54 = vector.load %arg7[%swap3A, %swap3A_53] : memref<1568x128xf32, #tpu.memory_space<vmem>>, vector<1568x128xf32>
    tpu.vector_store %arg7[%swap3A, %swap3A_53], %dot_general3A_52 {strides = array<i32>} : memref<1568x128xf32, #tpu.memory_space<vmem>>, vector<1568x128xf32>,
    %mul3A_55 = arith.mulf %dot_general3A_15, %dot_general3A_52 : vector<1568x128xf32>
    %swap3A_56 = arith.constant 0 : index
    %swap3A_57 = arith.constant 0 : index
    %swap3A_58 = vector.load %arg8[%swap3A_56, %swap3A_57] : memref<1568x128xf32, #tpu.memory_space<vmem>>, vector<1568x128xf32>
    tpu.vector_store %arg8[%swap3A_56, %swap3A_57], %mul3A_55 {strides = array<i32>} : memref<1568x128xf32, #tpu.memory_space<vmem>>, vector<1568x128xf32>,
    return
  }
  func.func @transform_0(%arg0: i32) -> (i32, i32, i32) {
    %c0_i32 = arith.constant 0 : i32
    %c0_i32_0 = arith.constant 0 : i32
    %c0_i32_1 = arith.constant 0 : i32
    return %c0_i32, %arg0, %c0_i32_0 : i32, i32, i32
  }
  func.func @transform_1(%arg0: i32) -> (i32, i32) {
    %c0_i32 = arith.constant 0 : i32
    %c0_i32_0 = arith.constant 0 : i32
    %c0_i32_1 = arith.constant 0 : i32
    return %c0_i32, %c0_i32_0 : i32, i32
  }
  func.func @transform_2(%arg0: i32) -> (i32, i32, i32) {
    %c0_i32 = arith.constant 0 : i32
    %c0_i32_0 = arith.constant 0 : i32
    %c0_i32_1 = arith.constant 0 : i32
    return %c0_i32, %arg0, %c0_i32_0 : i32, i32, i32
  }
  func.func @transform_3(%arg0: i32) -> (i32, i32) {
    %c0_i32 = arith.constant 0 : i32
    %c0_i32_0 = arith.constant 0 : i32
    return %arg0, %c0_i32 : i32, i32
  }
  func.func @transform_4(%arg0: i32) -> (i32, i32) {
    %c0_i32 = arith.constant 0 : i32
    %c0_i32_0 = arith.constant 0 : i32
    %c0_i32_1 = arith.constant 0 : i32
    return %c0_i32, %c0_i32_0 : i32, i32
  }
  func.func @transform_5(%arg0: i32) -> (i32, i32) {
    %c0_i32 = arith.constant 0 : i32
    %c0_i32_0 = arith.constant 0 : i32
    %c0_i32_1 = arith.constant 0 : i32
    return %c0_i32, %c0_i32_0 : i32, i32
  }
  func.func @transform_6(%arg0: i32) -> (i32, i32) {
    %c0_i32 = arith.constant 0 : i32
    %c0_i32_0 = arith.constant 0 : i32
    return %arg0, %c0_i32 : i32, i32
  }
  func.func @transform_7(%arg0: i32) -> (i32, i32) {
    %c0_i32 = arith.constant 0 : i32
    %c0_i32_0 = arith.constant 0 : i32
    return %arg0, %c0_i32 : i32, i32
  }
}

module attributes {stable_mosaic.version = 14 : i64} {
  func.func @_k2_body(%arg0: i32, %arg1: memref<2x1568x8xf32, #tpu.memory_space<vmem>>, %arg2: memref<8x128xf32, #tpu.memory_space<vmem>>, %arg3: memref<2x1568x128xf32, #tpu.memory_space<vmem>>, %arg4: memref<1568x128xf32, #tpu.memory_space<vmem>>, %arg5: memref<1x128xf32, #tpu.memory_space<vmem>>, %arg6: memref<128x16xf32, #tpu.memory_space<vmem>>, %arg7: memref<1x16xf32, #tpu.memory_space<vmem>>, %arg8: memref<16x16xf32, #tpu.memory_space<vmem>>, %arg9: memref<1568x16xf32, #tpu.memory_space<vmem>>) attributes {dimension_semantics = [#tpu.dimension_semantics<arbitrary>], iteration_bounds = array<i64: 8>, scalar_prefetch = 0 : i64, scratch_operands = 0 : i64, tpu.core_type = #tpu.core_type<tc>, window_params = [{transform_indices = @transform_0, window_bounds = array<i64: 2, 1568, 8>}, {pipeline_mode = #tpu.pipeline_mode<synchronous>, transform_indices = @transform_1, window_bounds = array<i64: 8, 128>}, {transform_indices = @transform_2, window_bounds = array<i64: 2, 1568, 128>}, {transform_indices = @transform_3, window_bounds = array<i64: 1568, 128>}, {pipeline_mode = #tpu.pipeline_mode<synchronous>, transform_indices = @transform_4, window_bounds = array<i64: 1, 128>}, {pipeline_mode = #tpu.pipeline_mode<synchronous>, transform_indices = @transform_5, window_bounds = array<i64: 128, 16>}, {pipeline_mode = #tpu.pipeline_mode<synchronous>, transform_indices = @transform_6, window_bounds = array<i64: 1, 16>}, {pipeline_mode = #tpu.pipeline_mode<synchronous>, transform_indices = @transform_7, window_bounds = array<i64: 16, 16>}, {transform_indices = @transform_8, window_bounds = array<i64: 1568, 16>}]} {
    %get3A = arith.constant 0 : index
    %get3A_0 = arith.constant 0 : index
    %get3A_1 = arith.constant 0 : index
    %get3A_2 = vector.load %arg1[%get3A, %get3A_0, %get3A_1] : memref<2x1568x8xf32, #tpu.memory_space<vmem>>, vector<1x1568x8xf32>
    %get3A_3 = vector.shape_cast %get3A_2 : vector<1x1568x8xf32> to vector<1568x8xf32>
    %get3A_4 = arith.constant 1 : index
    %get3A_5 = arith.constant 0 : index
    %get3A_6 = arith.constant 0 : index
    %get3A_7 = vector.load %arg1[%get3A_4, %get3A_5, %get3A_6] : memref<2x1568x8xf32, #tpu.memory_space<vmem>>, vector<1x1568x8xf32>
    %get3A_8 = vector.shape_cast %get3A_7 : vector<1x1568x8xf32> to vector<1568x8xf32>
    %add3A = arith.addf %get3A_3, %get3A_8 : vector<1568x8xf32>
    %add3A_9 = arith.constant 1.000000e+00 : f32
    %add3A_10 = vector.broadcast %add3A_9 : f32 to vector<1568x8xf32>
    %add3A_11 = arith.addf %add3A, %add3A_10 : vector<1568x8xf32>
    %rsqrt3A = math.rsqrt %add3A_11 : vector<1568x8xf32>
    %get3A_12 = arith.constant 0 : index
    %get3A_13 = arith.constant 0 : index
    %get3A_14 = vector.load %arg2[%get3A_12, %get3A_13] : memref<8x128xf32, #tpu.memory_space<vmem>>, vector<8x128xf32>
    %dot_general3A = arith.constant dense<0.000000e+00> : vector<1568x128xf32>
    %dot_general3A_15 = tpu.matmul %rsqrt3A, %get3A_14, %dot_general3A {dimension_numbers = #tpu.dot_dimension_numbers<[1], [0], [0], [1], [0, 0, 1, 1], [], []>, transpose_lhs_hint = false} : vector<1568x8xf32>, vector<8x128xf32>, vector<1568x128xf32> -> vector<1568x128xf32>
    %get3A_16 = arith.constant 0 : index
    %get3A_17 = arith.constant 0 : index
    %get3A_18 = arith.constant 0 : index
    %get3A_19 = vector.load %arg3[%get3A_16, %get3A_17, %get3A_18] : memref<2x1568x128xf32, #tpu.memory_space<vmem>>, vector<1x1568x128xf32>
    %get3A_20 = vector.shape_cast %get3A_19 : vector<1x1568x128xf32> to vector<1568x128xf32>
    %get3A_21 = arith.constant 1 : index
    %get3A_22 = arith.constant 0 : index
    %get3A_23 = arith.constant 0 : index
    %get3A_24 = vector.load %arg3[%get3A_21, %get3A_22, %get3A_23] : memref<2x1568x128xf32, #tpu.memory_space<vmem>>, vector<1x1568x128xf32>
    %get3A_25 = vector.shape_cast %get3A_24 : vector<1x1568x128xf32> to vector<1568x128xf32>
    %add3A_26 = arith.addf %get3A_20, %get3A_25 : vector<1568x128xf32>
    %mul3A = arith.mulf %dot_general3A_15, %add3A_26 : vector<1568x128xf32>
    %mul3A_27 = arith.mulf %dot_general3A_15, %dot_general3A_15 : vector<1568x128xf32>
    %get3A_28 = arith.constant 0 : index
    %get3A_29 = arith.constant 0 : index
    %get3A_30 = vector.load %arg4[%get3A_28, %get3A_29] : memref<1568x128xf32, #tpu.memory_space<vmem>>, vector<1568x128xf32>
    %mul3A_31 = arith.mulf %mul3A_27, %get3A_30 : vector<1568x128xf32>
    %add3A_32 = arith.addf %mul3A, %mul3A_31 : vector<1568x128xf32>
    %get3A_33 = arith.constant 0 : index
    %get3A_34 = arith.constant 0 : index
    %get3A_35 = vector.load %arg5[%get3A_33, %get3A_34] : memref<1x128xf32, #tpu.memory_space<vmem>>, vector<1x128xf32>
    %add3A_36 = vector.broadcast %get3A_35 : vector<1x128xf32> to vector<1568x128xf32>
    %add3A_37 = arith.addf %add3A_32, %add3A_36 : vector<1568x128xf32>
    %gt3A = arith.constant 0.000000e+00 : f32
    %gt3A_38 = vector.broadcast %gt3A : f32 to vector<1568x128xf32>
    %gt3A_39 = arith.cmpf ogt, %add3A_37, %gt3A_38 : vector<1568x128xf32>
    %exp3A = math.exp %add3A_37 : vector<1568x128xf32>
    %sub3A = arith.constant 1.000000e+00 : f32
    %sub3A_40 = vector.broadcast %sub3A : f32 to vector<1568x128xf32>
    %sub3A_41 = arith.subf %exp3A, %sub3A_40 : vector<1568x128xf32>
    %mul3A_42 = arith.constant 1.67326319 : f32
    %mul3A_43 = vector.broadcast %mul3A_42 : f32 to vector<1568x128xf32>
    %mul3A_44 = arith.mulf %mul3A_43, %sub3A_41 : vector<1568x128xf32>
    %select_n3A = arith.select %gt3A_39, %add3A_37, %mul3A_44 : vector<1568x128xi1>, vector<1568x128xf32>
    %mul3A_45 = arith.constant 1.05070102 : f32
    %mul3A_46 = vector.broadcast %mul3A_45 : f32 to vector<1568x128xf32>
    %mul3A_47 = arith.mulf %mul3A_46, %select_n3A : vector<1568x128xf32>
    %get3A_48 = arith.constant 0 : index
    %get3A_49 = arith.constant 0 : index
    %get3A_50 = vector.load %arg6[%get3A_48, %get3A_49] : memref<128x16xf32, #tpu.memory_space<vmem>>, vector<128x16xf32>
    %dot_general3A_51 = arith.constant dense<0.000000e+00> : vector<1568x16xf32>
    %dot_general3A_52 = tpu.matmul %mul3A_47, %get3A_50, %dot_general3A_51 {dimension_numbers = #tpu.dot_dimension_numbers<[1], [0], [0], [1], [0, 0, 1, 1], [], []>, transpose_lhs_hint = false} : vector<1568x128xf32>, vector<128x16xf32>, vector<1568x16xf32> -> vector<1568x16xf32>
    %get3A_53 = arith.constant 0 : index
    %get3A_54 = arith.constant 0 : index
    %get3A_55 = vector.load %arg7[%get3A_53, %get3A_54] : memref<1x16xf32, #tpu.memory_space<vmem>>, vector<1x16xf32>
    %add3A_56 = vector.broadcast %get3A_55 : vector<1x16xf32> to vector<1568x16xf32>
    %add3A_57 = arith.addf %dot_general3A_52, %add3A_56 : vector<1568x16xf32>
    %get3A_58 = arith.constant 0 : index
    %get3A_59 = arith.constant 0 : index
    %get3A_60 = vector.load %arg8[%get3A_58, %get3A_59] : memref<16x16xf32, #tpu.memory_space<vmem>>, vector<16x16xf32>
    %dot_general3A_61 = arith.constant dense<0.000000e+00> : vector<1568x16xf32>
    %dot_general3A_62 = tpu.matmul %add3A_57, %get3A_60, %dot_general3A_61 {dimension_numbers = #tpu.dot_dimension_numbers<[1], [0], [0], [1], [0, 0, 1, 1], [], []>, transpose_lhs_hint = false} : vector<1568x16xf32>, vector<16x16xf32>, vector<1568x16xf32> -> vector<1568x16xf32>
    %max3A = arith.maximumf %add3A_57, %dot_general3A_62 : vector<1568x16xf32>
    %sub3A_63 = arith.subf %add3A_57, %max3A : vector<1568x16xf32>
    %exp3A_64 = math.exp %sub3A_63 : vector<1568x16xf32>
    %sub3A_65 = arith.subf %dot_general3A_62, %max3A : vector<1568x16xf32>
    %exp3A_66 = math.exp %sub3A_65 : vector<1568x16xf32>
    %add3A_67 = arith.addf %exp3A_64, %exp3A_66 : vector<1568x16xf32>
    %log3A = math.log %add3A_67 : vector<1568x16xf32>
    %add3A_68 = arith.addf %max3A, %log3A : vector<1568x16xf32>
    %sub3A_69 = arith.subf %add3A_57, %add3A_68 : vector<1568x16xf32>
    %swap3A = arith.constant 0 : index
    %swap3A_70 = arith.constant 0 : index
    %swap3A_71 = vector.load %arg9[%swap3A, %swap3A_70] : memref<1568x16xf32, #tpu.memory_space<vmem>>, vector<1568x16xf32>
    tpu.vector_store %arg9[%swap3A, %swap3A_70], %sub3A_69 {strides = array<i32>} : memref<1568x16xf32, #tpu.memory_space<vmem>>, vector<1568x16xf32>,
    return
  }
  func.func @transform_0(%arg0: i32) -> (i32, i32, i32) {
    %c0_i32 = arith.constant 0 : i32
    %c0_i32_0 = arith.constant 0 : i32
    %c0_i32_1 = arith.constant 0 : i32
    return %c0_i32, %arg0, %c0_i32_0 : i32, i32, i32
  }
  func.func @transform_1(%arg0: i32) -> (i32, i32) {
    %c0_i32 = arith.constant 0 : i32
    %c0_i32_0 = arith.constant 0 : i32
    %c0_i32_1 = arith.constant 0 : i32
    return %c0_i32, %c0_i32_0 : i32, i32
  }
  func.func @transform_2(%arg0: i32) -> (i32, i32, i32) {
    %c0_i32 = arith.constant 0 : i32
    %c0_i32_0 = arith.constant 0 : i32
    %c0_i32_1 = arith.constant 0 : i32
    return %c0_i32, %arg0, %c0_i32_0 : i32, i32, i32
  }
  func.func @transform_3(%arg0: i32) -> (i32, i32) {
    %c0_i32 = arith.constant 0 : i32
    %c0_i32_0 = arith.constant 0 : i32
    return %arg0, %c0_i32 : i32, i32
  }
  func.func @transform_4(%arg0: i32) -> (i32, i32) {
    %c0_i32 = arith.constant 0 : i32
    %c0_i32_0 = arith.constant 0 : i32
    %c0_i32_1 = arith.constant 0 : i32
    return %c0_i32, %c0_i32_0 : i32, i32
  }
  func.func @transform_5(%arg0: i32) -> (i32, i32) {
    %c0_i32 = arith.constant 0 : i32
    %c0_i32_0 = arith.constant 0 : i32
    %c0_i32_1 = arith.constant 0 : i32
    return %c0_i32, %c0_i32_0 : i32, i32
  }
  func.func @transform_6(%arg0: i32) -> (i32, i32) {
    %c0_i32 = arith.constant 0 : i32
    %c0_i32_0 = arith.constant 0 : i32
    %c0_i32_1 = arith.constant 0 : i32
    return %c0_i32, %c0_i32_0 : i32, i32
  }
  func.func @transform_7(%arg0: i32) -> (i32, i32) {
    %c0_i32 = arith.constant 0 : i32
    %c0_i32_0 = arith.constant 0 : i32
    %c0_i32_1 = arith.constant 0 : i32
    return %c0_i32, %c0_i32_0 : i32, i32
  }
  func.func @transform_8(%arg0: i32) -> (i32, i32) {
    %c0_i32 = arith.constant 0 : i32
    %c0_i32_0 = arith.constant 0 : i32
    return %arg0, %c0_i32 : i32, i32
  }
}

</mosaic_0001>

<sc_bundles>
// kernel: kernel.12.cloned.1.call-start
scs
__scs_entry_jumppad:
0x0: {  	(pc) =	sbr.rel $0x88, $3  }
0x1: {  	(tag) =	ssettag $0x0;
	lr =	simm.s32 $0x1  }
0x2: {  	[smem:$0x3F97] =	sst lr;
	_ =	strace $0xD0000000  }
0x3: {  	_ = 	snop  }
0x4: {  	_ = 	snop  }
0x5: {  	_ = 	snop  }
0x6: {  	_ = 	snop  }
0x7: {  	_ = 	snop  }
__scs_overlays_trampoline_lowered:
0x8: {  	[smem:$0x3FA6] =	sst s0  }
0x9: {  	[smem:$0x3FA7] =	sst s1  }
0xa: {  	[smem:$0x3FA8] =	sst s2  }
0xb: {  	[smem:$0x3FA9] =	sst s3  }
0xc: {  	[smem:$0x3FAA] =	sst s4  }
0xd: {  	[smem:$0x3FAB] =	sst s5  }
0xe: {  	[smem:$0x3FAC] =	sst s6  }
0xf: {  	[smem:$0x3FAD] =	sst s7  }
0x10: {  	[smem:$0x3FAE] =	sst s8  }
0x11: {  	[smem:$0x3FAF] =	sst s9;
	s0 =	simm.s32 @!p0 $0x0  }
0x12: {  	s1 =	sld [smem:$0x3F95];
	s0 =	simm.s32 @p0 $0x1  }
0x13: {  	[smem:$0x3FB0] =	sst s0;
	s0 =	simm.s32 @!p1 $0x0  }
0x14: {  	s2 =	sld [smem:$0x3F94];
	s0 =	simm.s32 @p1 $0x1  }
0x15: {  	[smem:$0x3FB1] =	sst s0;
	s0 =	simm.s32 @!p2 $0x0  }
0x16: {  	s3 =	sld [smem:$0x3FDB];
	s0 =	simm.s32 @p2 $0x1  }
0x17: {  	s4 =	simm.s32 $0x1BF5;
	[smem:$0x3FB3] =	sst s0  }
0x18: {  	s0 =	sld [smem:$0x3F96];
	_ =	swait.ge [sflag:s4], $0x0  }
0x19: {  	s7 =	sld [smem:$0x3F97]  }
0x1a: {  	s8 =	sadd.s32 $0xFFFFE003, lr  }
0x1b: {  	s9 =	sadd.s32 $0xFFFFFEF7, lr;
	s5 =	simm.s32 $0xFFFFFFFF;
	p2 =	slt.u32 s8, $0xFFFFF086  }
0x1c: {  	p1 =	slt.u32 s9, $0xF7A;
	s5 =	simm.s32 @!p2 $0x0  }
0x1d: {  	s5 =	simm.s32 @p1 $0x1;
	p0 =	seq.s32 s7, s2  }
0x1e: {  	s7 =	smul.u32 @!p0 $0xF7A, s2;
	p2 =	seq.s32 @!p0 s5, $0x0  }
0x1f: {  	s9 =	smul.u32 $0xF7A, s1;
	s8 =	simm.s32 @!p0 $0x1BF5;
	p2 =	por !p2, p0  }
0x20: {  	[sflag:s8] =	ssyncset.s32 @!p0 $0xFFFFF086;
	s6 =	sadd.s32 @!p0 s3, s7;
	s7 =	simm.s32 @!p0 $0x108  }
0x21: {  	s3 =	sadd.s32 s3, s9;
	s6 =	sadd.s32 @!p0 $0x88, s6;
	s7 =	simm.s32 @p2 $0x1082  }
0x22: {  	[simem:s7], [sflag:s8] =	dma.local @!p0 [hbm:s6], $0xF7A  }
0x23: {  	s9 =	sor.u32 $0xD0000000, s2;
	s6 =	simm.s32 $0x108;
	_ =	swait.ge @!p0 [sflag:s8], $0x0  }
0x24: {  	s3 =	sadd.s32 $0x88, s3;
	s6 =	simm.s32 @!p1 $0x1082;
	[sflag:s4] =	ssyncset.s32 $0xFFFFF086  }
0x25: {  	[simem:s6], [sflag:s4] =	dma.local [hbm:s3], $0xF7A  }
0x26: {  	[smem:$0x3F97] =	sst s1;
	(tag) =	ssettag s2;
	_ =	strace s9  }
0x27: {  	s1 =	sld [smem:$0x3FA7]  }
0x28: {  	s2 =	sld [smem:$0x3FA8]  }
0x29: {  	s4 =	sld [smem:$0x3FAA]  }
0x2a: {  	p0 =	seq.s32 s5, $0x0;
	s5 =	sld [smem:$0x3FAB]  }
0x2b: {  	s6 =	sld [smem:$0x3FAC]  }
0x2c: {  	s7 =	sld [smem:$0x3FAD]  }
0x2d: {  	s3 =	simm.s32 $0x108;
	s8 =	sld [smem:$0x3FAE]  }
0x2e: {  	s3 =	simm.s32 @!p0 $0x1082;
	s9 =	sld [smem:$0x3FAF]  }
0x2f: {  	lr =	sadd.s32 s0, s3;
	s0 =	sld [smem:$0x3FA6]  }
0x30: {  	s3 =	sld [smem:$0x3FA9]  }
0x31: {  	[smem:$0x3FB2] =	sst s10  }
0x32: {  	s10 =	sld [smem:$0x3FB0];
	_ =	sdelay $0x3  }
0x33: {  	p0 =	seq.s32 s10, $0x1;
	s10 =	sld [smem:$0x3FB2];
	_ =	sdelay $0x3  }
0x34: {  	[smem:$0x3FB2] =	sst s10  }
0x35: {  	s10 =	sld [smem:$0x3FB1];
	_ =	sdelay $0x3  }
0x36: {  	p1 =	seq.s32 s10, $0x1;
	s10 =	sld [smem:$0x3FB2];
	_ =	sdelay $0x3  }
0x37: {  	[smem:$0x3FB2] =	sst s10  }
0x38: {  	s10 =	sld [smem:$0x3FB3]  }
0x39: {  	_ = 	snop;
	(pc) =	sbr.ind lr, $3  }
0x3a: {  	_ = 	snop  }
0x3b: {  	_ = 	snop  }
0x3c: {  	p2 =	seq.s32 s10, $0x1;
	s10 =	sld [smem:$0x3FB2]  }
0x3d: {  	_ =	shalt  }
0x3e: {  	_ =	shalt  }
0x3f: {  	_ =	shalt  }
0x40: {  	_ =	shalt  }
0x41: {  	_ =	shalt  }
0x42: {  	_ =	shalt  }
0x43: {  	_ =	shalt  }
0x44: {  	_ =	shalt  }
0x45: {  	_ =	shalt  }
0x46: {  	_ =	shalt  }
0x47: {  	_ =	shalt  }
0x48: {  	_ =	shalt  }
0x49: {  	_ =	shalt  }
0x4a: {  	_ =	shalt  }
0x4b: {  	_ =	shalt  }
0x4c: {  	_ =	shalt  }
0x4d: {  	_ =	shalt  }
0x4e: {  	_ =	shalt  }
0x4f: {  	_ =	shalt  }
0x50: {  	_ =	shalt  }
0x51: {  	_ =	shalt  }
0x52: {  	_ =	shalt  }
0x53: {  	_ =	shalt  }
0x54: {  	_ =	shalt  }
0x55: {  	_ =	shalt  }
0x56: {  	_ =	shalt  }
0x57: {  	_ =	shalt  }
0x58: {  	_ =	shalt  }
0x59: {  	_ =	shalt  }
0x5a: {  	_ =	shalt  }
0x5b: {  	_ =	shalt  }
0x5c: {  	_ =	shalt  }
0x5d: {  	_ =	shalt  }
0x5e: {  	_ =	shalt  }
0x5f: {  	_ =	shalt  }
0x60: {  	_ =	shalt  }
0x61: {  	_ =	shalt  }
0x62: {  	_ =	shalt  }
0x63: {  	_ =	shalt  }
0x64: {  	_ =	shalt  }
0x65: {  	_ =	shalt  }
0x66: {  	_ =	shalt  }
0x67: {  	_ =	shalt  }
0x68: {  	_ =	shalt  }
0x69: {  	_ =	shalt  }
0x6a: {  	_ =	shalt  }
0x6b: {  	_ =	shalt  }
0x6c: {  	_ =	shalt  }
0x6d: {  	_ =	shalt  }
0x6e: {  	_ =	shalt  }
0x6f: {  	_ =	shalt  }
0x70: {  	_ =	shalt  }
0x71: {  	_ =	shalt  }
0x72: {  	_ =	shalt  }
0x73: {  	_ =	shalt  }
0x74: {  	_ =	shalt  }
0x75: {  	_ =	shalt  }
0x76: {  	_ =	shalt  }
0x77: {  	_ =	shalt  }
0x78: {  	_ =	shalt  }
0x79: {  	_ =	shalt  }
0x7a: {  	_ =	shalt  }
0x7b: {  	_ =	shalt  }
0x7c: {  	_ =	shalt  }
0x7d: {  	_ =	shalt  }
0x7e: {  	_ =	shalt  }
0x7f: {  	_ =	shalt  }
0x80: {  	_ =	shalt  }
0x81: {  	_ =	shalt  }
0x82: {  	_ =	shalt  }
0x83: {  	_ =	shalt  }
0x84: {  	_ =	shalt  }
0x85: {  	_ =	shalt  }
0x86: {  	_ =	shalt  }
0x87: {  	_ =	shalt  }
.Lfunc_end0:
.L_simem_size_0:
called_computation.1_lowered:
.L_overlay_start_0:
0x88: {  	s2 =	sld [smem:$0x3FD9]  }
0x89: {  	s3 =	sld [smem:$0x3FFE];
	_ =	sdelay $0x1  }
0x8a: {  	s1 =	srdreg.scid  }
0x8b: {  	s0 =	sand.u32 $0x1, s1  }
0x8c: {  	s16 =	sshll.u32 s0, $0xA;
	s2 =	sadd.s32 s3, s2  }
0x8d: {  	s2 =	sadd.s32 s2, s16  }
0x8e: {  	[smem:$0x3FBE] =	sst s2  }
0x8f: {  	_ = 	snop  }
0x90: {  	(tm) =	ssettm $0x1  }
0x91: {  	s17 =	sld [smem:$0x3FFB];
	_ =	sdelay $0x3  }
0x92: {  	_ =	strace s17  }
0x93: {  	s2 =	sld [smem:$0x3FFC];
	_ =	sdelay $0x3  }
0x94: {  	_ =	strace s2  }
0x95: {  	s2 =	sld [smem:$0x3FFD];
	_ =	sdelay $0x3  }
0x96: {  	_ =	strace s2  }
0x97: {  	_ =	strace $0x8FFFFFFF  }
0x98: {  	s18 =	sld [smem:$0x3FDB];
	_ =	sdelay $0x1  }
0x99: {  	s19 =	simm.s32 $_scs_section_size  }
0x9a: {  	s4 =	simm.s32 $_size__tile_overlayer_lowered;
	s5 =	simm.s32 $_tile_overlayer_lowered  }
0x9b: {  	s22 =	simm.s32 $0x1BFF;
	s21 =	sshll.u32 s5, $0x1;
	s2 =	sadd.s32 s19, s18  }
0x9c: {  	s6 =	simm.s32 $0x0;
	s20 =	sshll.u32 s4, $0x1;
	s4 =	sadd.s32 s21, s2  }
0x9d: {  	[timem:s6], [sflag:s22] =	dma.local [hbm:s4], s20  }
0x9e: {  	_ =	swait.ge [sflag:s22], s20  }
0x9f: {  	s3 =	ssub.s32 $0x0, s20;
	[sflag:s22] =	ssyncset.done $0x0  }
0xa0: {  	[sflag:s22] =	ssyncadd.s32 s3;
	_ =	sdelay $0x1  }
0xa1: {  	s23 =	simm.s32 $0x1B8B  }
0xa2: {  	_ =	swait.ge [sflag:s23], $0x1  }
0xa3: {  	[sflag:s23] =	ssyncset.done $0x0  }
0xa4: {  	s25 =	simm.s32 $0x1B8E;
	s24 =	sld [smem:$0x3FFE];
	[sflag:s23] =	ssyncadd.s32 $0xFFFFFFFF  }
0xa5: {  	s26 =	simm.s32 $execute0_lowered;
	[smem:$0x3FD2] =	sst s25  }
0xa6: {  	s4 =	sshll.u32 s26, $0x1;
	_ =	strace $0x80000049;
	[dreg:$0x1] =	wrdreg $0xFFFFFFFF  }
0xa7: {  	s28 =	simm.s32 $_size_execute0_lowered;
	s2 =	sadd.s32 s2, s4;
	[dreg:$0x0] =	wrdreg $0x0  }
0xa8: {  	s4 =	sshll.u32 s28, $0x1;
	[dreg:$0x2] =	wrdreg s2  }
0xa9: {  	[dreg:$0x3] =	wrdreg s4  }
0xaa: {  	[dreg:$0x4] =	wrdreg $0xC0  }
0xab: {  	_ =	task [dreg:s6], $0x5FFFF  }
0xac: {  	[dreg:$0x1] =	wrdreg $0xFFFFFFFF  }
0xad: {  	[dreg:$0x0] =	wrdreg $0x60  }
0xae: {  	[dreg:$0x2] =	wrdreg s24  }
0xaf: {  	[dreg:$0x3] =	wrdreg $0x50000  }
0xb0: {  	[dreg:$0x4] =	wrdreg $0x9  }
0xb1: {  	_ =	task.clear_ibuf [dreg:s6], $0x5FFFF;
	_ =	strace $0x90000049  }
0xb2: {  	s29 =	simm.s32 $0x9;
	_ =	strace $0x8000004B  }
0xb3: {  	_ =	swait.ge [sflag:s29], $0x1  }
0xb4: {  	[sflag:s29] =	ssyncadd.s32 $0xFFFFFFFF  }
0xb5: {  	_ =	strace $0x9000004B  }
0xb6: {  	_ =	sfence  }
0xb7: {  	s30 =	sld [smem:$0x0];
	_ =	sdelay $0x2  }
0xb8: {  	s31 =	sshll.u32 s1, $0xD;
	s1 =	sshrl.u32 s1, $0x2  }
0xb9: {  	s3 =	sand.u32 $0x4000, s31;
	s1 =	sadd.s32 s1, s30  }
0xba: {  	s0 =	sor.u32 s3, s0;
	s1 =	sshll.u32 s1, $0x11  }
0xbb: {  	s0 =	sor.u32 s1, s0  }
0xbc: {  	s0 =	sadd.s32 $0x8F2B, s0  }
0xbd: {  	[sflag:s0] =	ssyncadd.remote.s32 $0x1  }
0xbe: {  	_ =	sfence.sel $0xFFFF  }
0xbf: {  	[dreg:$0x0] =	wrdreg $0xFFFFFFFF;
	(pc) =	sbr.abs _section_cstart, $3  }
0xc0: {  	[dreg:$0x1] =	wrdreg $0xFFFFFFFF  }
0xc1: {  	_ =	task.clear_ibuf [dreg:s6], $0x2FFFF;
	_ =	strace $0x9FFFFFFF  }
0xc2: {  	(tm) =	ssettm $0x7FFFFFFF  }
0xc3: {  	_ =	shalt  }
tec
execute0_lowered:
.L_overlay_start_1:
0x0: {  	(tag) =	ssettag $0x1  }
0x1: {  	s0 =	rddreg [dreg:$0x0]  }
0x2: {  	s2 =	rddreg [dreg:$0x1];
	s3 =	simm.s32 $0x0  }
0x3: {  	s11 =	stileid.u32;
	s1 =	srdreg.scid;
	s29 =	simm.s32 $0x1  }
0x4: {  	s30 =	simm.s32 $0x2;
	s31 =	simm.s32 $0xA0;
	[smem:$0x7FF] =	sst s3  }
0x5: {  	s7 =	smul.u32 $0x18800, s11;
	s1 =	sand.u32 $0x1, s1;
	s4 =	sadd.s32 $0x12E000, s0  }
0x6: {  	s5 =	sadd.s32 $0x2800, s0;
	_ =	strace $0x8000004A;
	s6 =	smul.u32 $0x188000, s1  }
0x7: {  	s8 =	sshll.u32 s1, $0x4;
	s1 =	ssub.s32 $0x2, s1;
	s9 =	sshrl.u32 s7, $0x3  }
0x8: {  	s8 =	sor.u32 s11, s8;
	s21 =	sshrl.u32 s1, $0x1;
	s23 =	sadd.s32 s7, s2  }
0x9: {  	s11 =	sshll.u32 s11, $0x6;
	s10 =	sadd.s32 s7, s6;
	s6 =	smul.u32 $0x186A0, s8  }
0xa: {  	s19 =	sadd.s32 s9, s0;
	s1 =	ssub.s32 s1, s21;
	s9 =	sor.u32 $0x1C04, s11  }
0xb: {  	s21 =	simm.s32 $0x800;
	s20 =	sshrl.u32 s10, $0x3;
	s8 =	sadd.s32 $0x15F000, s19  }
0xc: {  	s18 =	smax.u32 s1, $0x1;
	s19 =	sshrl.u32 s23, $0x3;
	s22 =	sshrl.u32 s6, $0x3  }
0xd: {  	s0 =	sadd.s32 s20, s0;
	[dreg:$0x3] =	wrdreg s8;
	s7 =	sadd.s32 s5, s22  }
0xe: {  	s20 =	simm.s32 $0x4;
	s17 =	sadd.s32 $0x190000, s0;
	s24 =	sadd.s32 $0x61A80, s7  }
0xf: {  	s22 =	simm.s32 $0x200;
	s25 =	sadd.s32 $0x40, s7;
	[dreg:$0x4] =	wrdreg s24  }
0x10: {  	s0 =	simm.s32 $0x0;
	s26 =	sadd.s32 $0x61AC0, s7;
	[dreg:$0x5] =	wrdreg s25  }
0x11: {  	s28 =	sadd.s32 $0x80, s7;
	s14 =	sadd.s32 $0x61B00, s7;
	[dreg:$0x6] =	wrdreg s26  }
0x12: {  	s15 =	sadd.s32 $0x30C0, s7;
	s16 =	sadd.s32 $0x64B40, s7;
	[dreg:$0x7] =	wrdreg s28  }
0x13: {  	s24 =	simm.s32 $0xC00;
	s25 =	simm.s32 $0x3;
	s26 =	simm.s32 $0x1000  }
.LBB2_1:
0x14: {  	s1 =	rddreg [dreg:$0x3]  }
0x15: {  	[spmem:s19], [sflag:s9] =	dma.local [hbm:s1], $0x3100  }
0x16: {  	_ =	swait.ge [sflag:s20], $0x3100  }
0x17: {  	[sflag:s20] =	ssyncset.done $0x0  }
0x18: {  	[sflag:s20] =	ssyncadd.s32 $0xFFFFCF00  }
0x19: {  	[bflag:$0x0] =	sbarrier.arrive $0xFFFF  }
0x1a: {  	[tilespmem:s3], [sflag:$0x3] =	stream.linear.gather [hbm4b:s7+s3], $0x200, $0x38;
	[tilespmem:$0x1D800] =	vst v63  }
0x1b: {  	s12 =	rddreg [dreg:$0x4]  }
0x1c: {  	[tilespmem:s21], [sflag:$0x3] =	stream.linear.gather [hbm4b:s12+s3], $0x200, $0x38;
	[tilespmem:$0x1D800] =	vst v63  }
0x1d: {  	s13 =	rddreg [dreg:$0x5]  }
0x1e: {  	[tilespmem:s22], [sflag:$0x3] =	stream.linear.gather [hbm4b:s13+s3], $0x200, $0x38;
	[tilespmem:$0x1D800] =	vst v63  }
0x1f: {  	s8 =	simm.s32 $0xA00;
	s23 =	rddreg [dreg:$0x6]  }
0x20: {  	[tilespmem:s8], [sflag:$0x3] =	stream.linear.gather [hbm4b:s23+s3], $0x200, $0x38;
	[tilespmem:$0x1D800] =	vst v63  }
0x21: {  	s10 =	rddreg [dreg:$0x7];
	s8 =	simm.s32 $0x400  }
0x22: {  	[tilespmem:s8], [sflag:$0x3] =	stream.linear.gather [hbm4b:s10+s3], $0x200, $0x38;
	[tilespmem:$0x1D800] =	vst v63  }
0x23: {  	_ = 	snop  }
0x24: {  	[tilespmem:s24], [sflag:$0x3] =	stream.linear.gather [hbm4b:s14+s3], $0x200, $0x38;
	[tilespmem:$0x1D800] =	vst v63  }
0x25: {  	_ =	swait.ge [sflag:s25], $0x200  }
0x26: {  	[sflag:s25] =	ssyncset.done $0x0  }
0x27: {  	[sflag:s25] =	ssyncadd.s32 $0xFFFFFE00  }
0x28: {  	_ =	swait.ge [sflag:s25], $0x200  }
0x29: {  	[sflag:s25] =	ssyncset.done $0x0  }
0x2a: {  	[sflag:s25] =	ssyncadd.s32 $0xFFFFFE00  }
0x2b: {  	[tilespmem:s26], [sflag:$0x1] =	stream.indirect.gather [hbm4b:s4+s22], $0x10, s3, s22, $0xb8;
	[tilespmem:$0x1D800] =	vst v63  }
0x2c: {  	_ =	swait.ge [sflag:s25], $0x200  }
0x2d: {  	[sflag:s25] =	ssyncset.done $0x0  }
0x2e: {  	[sflag:s25] =	ssyncadd.s32 $0xFFFFFE00  }
0x2f: {  	_ =	swait.ge [sflag:s25], $0x200  }
0x30: {  	[sflag:s25] =	ssyncset.done $0x0  }
0x31: {  	s11 =	simm.s32 $0x3000;
	[sflag:s25] =	ssyncadd.s32 $0xFFFFFE00  }
0x32: {  	[tilespmem:s11], [sflag:$0x1] =	stream.indirect.gather [hbm4b:s4+s22], $0x10, s22, s22, $0xb8;
	[tilespmem:$0x1D800] =	vst v63  }
0x33: {  	_ =	swait.ge [sflag:s29], $0x2000  }
0x34: {  	[sflag:s29] =	ssyncset.done $0x0  }
0x35: {  	[sflag:s29] =	ssyncadd.s32 $0xFFFFE000  }
0x36: {  	[spmem:s2] =	stream.indirect.scatter.add.f32 [tilespmem:s26], [sflag:$0x2], $0x10, s21, s22, $0xb8;
	[tilespmem:$0x1D800] =	vst v63  }
0x37: {  	_ =	swait.ge [sflag:s29], $0x2000  }
0x38: {  	[sflag:s29] =	ssyncset.done $0x0  }
0x39: {  	[sflag:s29] =	ssyncadd.s32 $0xFFFFE000  }
0x3a: {  	_ =	swait.ge [sflag:s30], $0x2000  }
0x3b: {  	[sflag:s30] =	ssyncset.done $0x0  }
0x3c: {  	[sflag:s30] =	ssyncadd.s32 $0xFFFFE000  }
0x3d: {  	s12 =	smin.u32 s29, $0xC0;
	_ =	swait.ge [sflag:s25], $0x200  }
0x3e: {  	s1 =	sshll.u32 s12, $0x9;
	s13 =	simm.s32 $0x2000;
	[sflag:s25] =	ssyncset.done $0x0  }
0x3f: {  	s12 =	sand.u32 $0x2000, s13;
	s10 =	sadd.s32 $0x400, s1;
	[sflag:s25] =	ssyncadd.s32 $0xFFFFFE00  }
0x40: {  	s13 =	simm.s32 $0x200;
	s23 =	sadd.s32 s6, s10;
	_ =	swait.ge [sflag:s25], $0x200  }
0x41: {  	s1 =	simm.s32 $0x4000;
	s23 =	sshrl.u32 s23, $0x3;
	[sflag:s25] =	ssyncset.done $0x0  }
0x42: {  	s10 =	sand.u32 $0x600, s10;
	s23 =	sadd.s32 s5, s23;
	[sflag:s25] =	ssyncadd.s32 $0xFFFFFE00  }
0x43: {  	[tilespmem:s10], [sflag:$0x3] =	stream.linear.gather [hbm4b:s23+s3], $0x200, $0x38;
	[tilespmem:$0x1D800] =	vst v63  }
0x44: {  	s28 =	sand.u32 $0x2000, s1;
	s10 =	sor.u32 $0x800, s10;
	s23 =	sadd.s32 $0x61A80, s23  }
0x45: {  	[tilespmem:s10], [sflag:$0x3] =	stream.linear.gather [hbm4b:s23+s3], $0x200, $0x38;
	[tilespmem:$0x1D800] =	vst v63  }
0x46: {  	s8 =	sand.u32 $0x600, s8;
	s11 =	sor.u32 $0x1000, s28;
	s28 =	simm.s32 $0x1  }
0x47: {  	[tilespmem:s11], [sflag:$0x1] =	stream.indirect.gather [hbm4b:s4+s22], $0x10, s8, s22, $0xb8;
	[tilespmem:$0x1D800] =	vst v63  }
0x48: {  	s23 =	simm.s32 $0x600;
	s10 =	sand.u32 $0x600, s13;
	s8 =	sor.u32 $0x1000, s12  }
.LBB2_2:
0x49: {  	s28 =	sadd.s32 $0x1, s28  }
0x4a: {  	s10 =	sor.u32 $0x800, s10;
	s1 =	sadd.s32 $0x2000, s1;
	s11 =	smov.u32 s23  }
0x4b: {  	[spmem:s2] =	stream.indirect.scatter.add.f32 [tilespmem:s8], [sflag:$0x2], $0x10, s10, s22, $0xb8;
	[tilespmem:$0x1D800] =	vst v63  }
0x4c: {  	p0 =	sne.s32 s23, $0x18400;
	s23 =	sadd.s32 $0x200, s23;
	_ =	swait.ge [sflag:s29], $0x2000  }
0x4d: {  	[sflag:s29] =	ssyncset.done $0x0  }
0x4e: {  	[sflag:s29] =	ssyncadd.s32 $0xFFFFE000  }
0x4f: {  	_ =	swait.ge [sflag:s30], $0x2000  }
0x50: {  	[sflag:s30] =	ssyncset.done $0x0  }
0x51: {  	[sflag:s30] =	ssyncadd.s32 $0xFFFFE000  }
0x52: {  	s8 =	smin.u32 s28, $0xC0;
	_ =	swait.ge [sflag:s25], $0x200  }
0x53: {  	s8 =	sshll.u32 s8, $0x9;
	[sflag:s25] =	ssyncset.done $0x0  }
0x54: {  	s12 =	sadd.s32 $0xFFFFE000, s1;
	s8 =	sadd.s32 $0x400, s8;
	[sflag:s25] =	ssyncadd.s32 $0xFFFFFE00  }
0x55: {  	s10 =	sand.u32 $0x600, s8;
	s8 =	sadd.s32 s6, s8;
	_ =	swait.ge [sflag:s25], $0x200  }
0x56: {  	s13 =	sand.u32 $0x2000, s1;
	s8 =	sshrl.u32 s8, $0x3;
	[sflag:s25] =	ssyncset.done $0x0  }
0x57: {  	s12 =	sand.u32 $0x2000, s12;
	s8 =	sadd.s32 s5, s8;
	[sflag:s25] =	ssyncadd.s32 $0xFFFFFE00  }
0x58: {  	[tilespmem:s10], [sflag:$0x3] =	stream.linear.gather [hbm4b:s8+s3], $0x200, $0x38;
	[tilespmem:$0x1D800] =	vst v63  }
.Ltmp0:
0x59: {  	s10 =	sor.u32 $0x800, s10;
	s8 =	sadd.s32 $0x61A80, s8;
	(pc) =	sbr.rel @p0 .LBB2_2-.Ltmp0, $4  }
0x5a: {  	[tilespmem:s10], [sflag:$0x3] =	stream.linear.gather [hbm4b:s8+s3], $0x200, $0x38;
	[tilespmem:$0x1D800] =	vst v63  }
0x5b: {  	s8 =	sand.u32 $0x600, s11;
	s10 =	sor.u32 $0x1000, s13;
	s11 =	sadd.s32 $0xFFFFFE00, s11  }
0x5c: {  	[tilespmem:s10], [sflag:$0x1] =	stream.indirect.gather [hbm4b:s4+s22], $0x10, s8, s22, $0xb8;
	[tilespmem:$0x1D800] =	vst v63  }
0x5d: {  	s8 =	sor.u32 $0x1000, s12;
	s10 =	sand.u32 $0x600, s11  }
0x5e: {  	s1 =	sor.u32 $0x800, s10  }
0x5f: {  	[spmem:s2] =	stream.indirect.scatter.add.f32 [tilespmem:s8], [sflag:$0x2], $0x10, s1, s22, $0xb8;
	[tilespmem:$0x1D800] =	vst v63  }
0x60: {  	_ =	swait.ge [sflag:s29], $0x2000  }
0x61: {  	[sflag:s29] =	ssyncset.done $0x0  }
0x62: {  	[sflag:s29] =	ssyncadd.s32 $0xFFFFE000  }
0x63: {  	_ =	swait.ge [sflag:s30], $0x2000  }
0x64: {  	[sflag:s30] =	ssyncset.done $0x0  }
0x65: {  	[sflag:s30] =	ssyncadd.s32 $0xFFFFE000  }
0x66: {  	[spmem:s2] =	stream.indirect.scatter.add.f32 [tilespmem:s26], [sflag:$0x2], $0x10, s24, s22, $0xb8;
	[tilespmem:$0x1D800] =	vst v63  }
0x67: {  	_ =	swait.ge [sflag:s30], $0x2000  }
0x68: {  	[sflag:s30] =	ssyncset.done $0x0  }
0x69: {  	[sflag:s30] =	ssyncadd.s32 $0xFFFFE000  }
0x6a: {  	_ =	swait.ge [sflag:s25], $0x200  }
0x6b: {  	[sflag:s25] =	ssyncset.done $0x0  }
0x6c: {  	[sflag:s25] =	ssyncadd.s32 $0xFFFFFE00  }
0x6d: {  	_ =	swait.ge [sflag:s25], $0x200  }
0x6e: {  	[sflag:s25] =	ssyncset.done $0x0  }
0x6f: {  	[sflag:s25] =	ssyncadd.s32 $0xFFFFFE00  }
0x70: {  	[tilespmem:s3], [sflag:$0x4] =	stream.linear.gather [hbm4b:s15+s3], $0xA0, $0x38;
	[tilespmem:$0x1D800] =	vst v63  }
0x71: {  	_ =	swait.ge [sflag:s20], $0xA0  }
0x72: {  	[sflag:s20] =	ssyncset.done $0x0  }
0x73: {  	[sflag:s20] =	ssyncadd.s32 $0xFFFFFF60  }
0x74: {  	[tilespmem:s21], [sflag:$0x4] =	stream.linear.gather [hbm4b:s16+s3], $0xA0, $0x38;
	[tilespmem:$0x1D800] =	vst v63  }
0x75: {  	_ =	swait.ge [sflag:s20], $0xA0  }
0x76: {  	[sflag:s20] =	ssyncset.done $0x0  }
0x77: {  	[sflag:s20] =	ssyncadd.s32 $0xFFFFFF60  }
0x78: {  	[tilespmem:s26], [sflag:$0x1] =	stream.indirect.gather [hbm4b:s4+s31], $0x10, s3, s31, $0xb8;
	[tilespmem:$0x1D800] =	vst v63  }
0x79: {  	_ =	swait.ge [sflag:s29], $0xA00  }
0x7a: {  	[sflag:s29] =	ssyncset.done $0x0  }
0x7b: {  	[sflag:s29] =	ssyncadd.s32 $0xFFFFF600  }
0x7c: {  	[spmem:s2] =	stream.indirect.scatter.add.f32 [tilespmem:s26], [sflag:$0x2], $0x10, s21, s31, $0xb8;
	[tilespmem:$0x1D800] =	vst v63  }
0x7d: {  	_ =	swait.ge [sflag:s30], $0xA00  }
0x7e: {  	s0 =	sadd.s32 $0x1, s0;
	[sflag:s30] =	ssyncset.done $0x0  }
0x7f: {  	p0 =	sne.s32 s0, s18;
	[sflag:s30] =	ssyncadd.s32 $0xFFFFF600  }
.Ltmp1:
0x80: {  	[bflag:$0x0] =	sbarrier.arrive $0xFFFF;
	(pc) =	sbr.rel @p0 .LBB2_1-.Ltmp1, $4  }
0x81: {  	[hbm:s17], [sflag:s9] =	dma.local [spmem:s19], $0x3100  }
0x82: {  	_ =	swait.ge [sflag:s20], $0x3100  }
0x83: {  	[sflag:s20] =	ssyncset.done $0x0  }
0x84: {  	[sflag:s20] =	ssyncadd.s32 $0xFFFFCF00  }
0x85: {  	_ =	sfence.sel $0x180000  }
0x86: {  	[bflag:$0x0] =	sbarrier.arrive $0xFFFF  }
0x87: {  	_ =	strace $0x9000004A  }
0x88: {  	s0 =	stileid.u32;
	[bflag:$0x2] =	sbarrier.arrive $0xFFFF  }
0x89: {  	p0 =	sne.s32 s0, $0x0;
	s0 =	rddreg [dreg:$0x2]  }
0x8a: {  	s0 =	sadd.s32 @!p0 $0x100000, s0  }
0x8b: {  	[sflag:s0] =	ssyncadd.tile.s32 @!p0 $0x1;
	_ =	shalt  }
.Lfunc_end2:
_tile_overlayer_lowered:
.L_overlay_start_2:
0x8c: {  	(tag) =	ssettag $0x2  }
0x8d: {  	s0 =	rddreg [dreg:$0x0];
	s2 =	stileid.u32  }
0x8e: {  	s1 =	rddreg [dreg:$0x1];
	p0 =	sne.s32 s2, $0x0  }
0x8f: {  	s3 =	rddreg [dreg:$0x2];
	[bflag:$0x3] =	sbarrier.arrive $0xFFFF;
	s2 =	simm.s32 @!p0 $0x1C04  }
0x90: {  	[timem:s3], [sflag:s2] =	dma.local @!p0 [hbm:s0], s1  }
0x91: {  	s0 =	simm.s32 @!p0 $0x4  }
0x92: {  	_ =	swait.ge @!p0 [sflag:s0], s1  }
0x93: {  	s1 =	ssub.s32 @!p0 $0x0, s1;
	[sflag:s0] =	ssyncset.done @!p0 $0x0  }
0x94: {  	[sflag:s0] =	ssyncadd.s32 @!p0 s1  }
0x95: {  	[bflag:$0x3] =	sbarrier.arrive $0xFFFF  }
0x96: {  	_ =	shalt  }

// kernel: kernel.15.cloned.1.call-start
scs
__scs_entry_jumppad:
0x0: {  	(pc) =	sbr.rel $0x88, $3  }
0x1: {  	(tag) =	ssettag $0x0;
	lr =	simm.s32 $0x1  }
0x2: {  	[smem:$0x3F97] =	sst lr;
	_ =	strace $0xD0000000  }
0x3: {  	_ = 	snop  }
0x4: {  	_ = 	snop  }
0x5: {  	_ = 	snop  }
0x6: {  	_ = 	snop  }
0x7: {  	_ = 	snop  }
__scs_overlays_trampoline_lowered:
0x8: {  	[smem:$0x3FA6] =	sst s0  }
0x9: {  	[smem:$0x3FA7] =	sst s1  }
0xa: {  	[smem:$0x3FA8] =	sst s2  }
0xb: {  	[smem:$0x3FA9] =	sst s3  }
0xc: {  	[smem:$0x3FAA] =	sst s4  }
0xd: {  	[smem:$0x3FAB] =	sst s5  }
0xe: {  	[smem:$0x3FAC] =	sst s6  }
0xf: {  	[smem:$0x3FAD] =	sst s7  }
0x10: {  	[smem:$0x3FAE] =	sst s8  }
0x11: {  	[smem:$0x3FAF] =	sst s9;
	s0 =	simm.s32 @!p0 $0x0  }
0x12: {  	s1 =	sld [smem:$0x3F95];
	s0 =	simm.s32 @p0 $0x1  }
0x13: {  	[smem:$0x3FB0] =	sst s0;
	s0 =	simm.s32 @!p1 $0x0  }
0x14: {  	s2 =	sld [smem:$0x3F94];
	s0 =	simm.s32 @p1 $0x1  }
0x15: {  	[smem:$0x3FB1] =	sst s0;
	s0 =	simm.s32 @!p2 $0x0  }
0x16: {  	s3 =	sld [smem:$0x3FDB];
	s0 =	simm.s32 @p2 $0x1  }
0x17: {  	s4 =	simm.s32 $0x1BF5;
	[smem:$0x3FB3] =	sst s0  }
0x18: {  	s0 =	sld [smem:$0x3F96];
	_ =	swait.ge [sflag:s4], $0x0  }
0x19: {  	s7 =	sld [smem:$0x3F97]  }
0x1a: {  	s8 =	sadd.s32 $0xFFFFE003, lr  }
0x1b: {  	s9 =	sadd.s32 $0xFFFFFEF7, lr;
	s5 =	simm.s32 $0xFFFFFFFF;
	p2 =	slt.u32 s8, $0xFFFFF086  }
0x1c: {  	p1 =	slt.u32 s9, $0xF7A;
	s5 =	simm.s32 @!p2 $0x0  }
0x1d: {  	s5 =	simm.s32 @p1 $0x1;
	p0 =	seq.s32 s7, s2  }
0x1e: {  	s7 =	smul.u32 @!p0 $0xF7A, s2;
	p2 =	seq.s32 @!p0 s5, $0x0  }
0x1f: {  	s9 =	smul.u32 $0xF7A, s1;
	s8 =	simm.s32 @!p0 $0x1BF5;
	p2 =	por !p2, p0  }
0x20: {  	[sflag:s8] =	ssyncset.s32 @!p0 $0xFFFFF086;
	s6 =	sadd.s32 @!p0 s3, s7;
	s7 =	simm.s32 @!p0 $0x108  }
0x21: {  	s3 =	sadd.s32 s3, s9;
	s6 =	sadd.s32 @!p0 $0x88, s6;
	s7 =	simm.s32 @p2 $0x1082  }
0x22: {  	[simem:s7], [sflag:s8] =	dma.local @!p0 [hbm:s6], $0xF7A  }
0x23: {  	s9 =	sor.u32 $0xD0000000, s2;
	s6 =	simm.s32 $0x108;
	_ =	swait.ge @!p0 [sflag:s8], $0x0  }
0x24: {  	s3 =	sadd.s32 $0x88, s3;
	s6 =	simm.s32 @!p1 $0x1082;
	[sflag:s4] =	ssyncset.s32 $0xFFFFF086  }
0x25: {  	[simem:s6], [sflag:s4] =	dma.local [hbm:s3], $0xF7A  }
0x26: {  	[smem:$0x3F97] =	sst s1;
	(tag) =	ssettag s2;
	_ =	strace s9  }
0x27: {  	s1 =	sld [smem:$0x3FA7]  }
0x28: {  	s2 =	sld [smem:$0x3FA8]  }
0x29: {  	s4 =	sld [smem:$0x3FAA]  }
0x2a: {  	p0 =	seq.s32 s5, $0x0;
	s5 =	sld [smem:$0x3FAB]  }
0x2b: {  	s6 =	sld [smem:$0x3FAC]  }
0x2c: {  	s7 =	sld [smem:$0x3FAD]  }
0x2d: {  	s3 =	simm.s32 $0x108;
	s8 =	sld [smem:$0x3FAE]  }
0x2e: {  	s3 =	simm.s32 @!p0 $0x1082;
	s9 =	sld [smem:$0x3FAF]  }
0x2f: {  	lr =	sadd.s32 s0, s3;
	s0 =	sld [smem:$0x3FA6]  }
0x30: {  	s3 =	sld [smem:$0x3FA9]  }
0x31: {  	[smem:$0x3FB2] =	sst s10  }
0x32: {  	s10 =	sld [smem:$0x3FB0];
	_ =	sdelay $0x3  }
0x33: {  	p0 =	seq.s32 s10, $0x1;
	s10 =	sld [smem:$0x3FB2];
	_ =	sdelay $0x3  }
0x34: {  	[smem:$0x3FB2] =	sst s10  }
0x35: {  	s10 =	sld [smem:$0x3FB1];
	_ =	sdelay $0x3  }
0x36: {  	p1 =	seq.s32 s10, $0x1;
	s10 =	sld [smem:$0x3FB2];
	_ =	sdelay $0x3  }
0x37: {  	[smem:$0x3FB2] =	sst s10  }
0x38: {  	s10 =	sld [smem:$0x3FB3]  }
0x39: {  	_ = 	snop;
	(pc) =	sbr.ind lr, $3  }
0x3a: {  	_ = 	snop  }
0x3b: {  	_ = 	snop  }
0x3c: {  	p2 =	seq.s32 s10, $0x1;
	s10 =	sld [smem:$0x3FB2]  }
0x3d: {  	_ =	shalt  }
0x3e: {  	_ =	shalt  }
0x3f: {  	_ =	shalt  }
0x40: {  	_ =	shalt  }
0x41: {  	_ =	shalt  }
0x42: {  	_ =	shalt  }
0x43: {  	_ =	shalt  }
0x44: {  	_ =	shalt  }
0x45: {  	_ =	shalt  }
0x46: {  	_ =	shalt  }
0x47: {  	_ =	shalt  }
0x48: {  	_ =	shalt  }
0x49: {  	_ =	shalt  }
0x4a: {  	_ =	shalt  }
0x4b: {  	_ =	shalt  }
0x4c: {  	_ =	shalt  }
0x4d: {  	_ =	shalt  }
0x4e: {  	_ =	shalt  }
0x4f: {  	_ =	shalt  }
0x50: {  	_ =	shalt  }
0x51: {  	_ =	shalt  }
0x52: {  	_ =	shalt  }
0x53: {  	_ =	shalt  }
0x54: {  	_ =	shalt  }
0x55: {  	_ =	shalt  }
0x56: {  	_ =	shalt  }
0x57: {  	_ =	shalt  }
0x58: {  	_ =	shalt  }
0x59: {  	_ =	shalt  }
0x5a: {  	_ =	shalt  }
0x5b: {  	_ =	shalt  }
0x5c: {  	_ =	shalt  }
0x5d: {  	_ =	shalt  }
0x5e: {  	_ =	shalt  }
0x5f: {  	_ =	shalt  }
0x60: {  	_ =	shalt  }
0x61: {  	_ =	shalt  }
0x62: {  	_ =	shalt  }
0x63: {  	_ =	shalt  }
0x64: {  	_ =	shalt  }
0x65: {  	_ =	shalt  }
0x66: {  	_ =	shalt  }
0x67: {  	_ =	shalt  }
0x68: {  	_ =	shalt  }
0x69: {  	_ =	shalt  }
0x6a: {  	_ =	shalt  }
0x6b: {  	_ =	shalt  }
0x6c: {  	_ =	shalt  }
0x6d: {  	_ =	shalt  }
0x6e: {  	_ =	shalt  }
0x6f: {  	_ =	shalt  }
0x70: {  	_ =	shalt  }
0x71: {  	_ =	shalt  }
0x72: {  	_ =	shalt  }
0x73: {  	_ =	shalt  }
0x74: {  	_ =	shalt  }
0x75: {  	_ =	shalt  }
0x76: {  	_ =	shalt  }
0x77: {  	_ =	shalt  }
0x78: {  	_ =	shalt  }
0x79: {  	_ =	shalt  }
0x7a: {  	_ =	shalt  }
0x7b: {  	_ =	shalt  }
0x7c: {  	_ =	shalt  }
0x7d: {  	_ =	shalt  }
0x7e: {  	_ =	shalt  }
0x7f: {  	_ =	shalt  }
0x80: {  	_ =	shalt  }
0x81: {  	_ =	shalt  }
0x82: {  	_ =	shalt  }
0x83: {  	_ =	shalt  }
0x84: {  	_ =	shalt  }
0x85: {  	_ =	shalt  }
0x86: {  	_ =	shalt  }
0x87: {  	_ =	shalt  }
.Lfunc_end0:
.L_simem_size_0:
called_computation.2_lowered:
.L_overlay_start_0:
0x88: {  	s2 =	sld [smem:$0x3FD9]  }
0x89: {  	s3 =	sld [smem:$0x3FFE];
	_ =	sdelay $0x1  }
0x8a: {  	s1 =	srdreg.scid  }
0x8b: {  	s0 =	sand.u32 $0x1, s1  }
0x8c: {  	s16 =	sshll.u32 s0, $0xA;
	s2 =	sadd.s32 s3, s2  }
0x8d: {  	s2 =	sadd.s32 s2, s16  }
0x8e: {  	[smem:$0x3FBE] =	sst s2  }
0x8f: {  	_ = 	snop  }
0x90: {  	(tm) =	ssettm $0x1  }
0x91: {  	s17 =	sld [smem:$0x3FFB];
	_ =	sdelay $0x3  }
0x92: {  	_ =	strace s17  }
0x93: {  	s2 =	sld [smem:$0x3FFC];
	_ =	sdelay $0x3  }
0x94: {  	_ =	strace s2  }
0x95: {  	s2 =	sld [smem:$0x3FFD];
	_ =	sdelay $0x3  }
0x96: {  	_ =	strace s2  }
0x97: {  	_ =	strace $0x8FFFFFFF  }
0x98: {  	s18 =	sld [smem:$0x3FDB];
	_ =	sdelay $0x1  }
0x99: {  	s19 =	simm.s32 $_scs_section_size  }
0x9a: {  	s4 =	simm.s32 $_size__tile_overlayer_lowered;
	s5 =	simm.s32 $_tile_overlayer_lowered  }
0x9b: {  	s22 =	simm.s32 $0x1BFF;
	s21 =	sshll.u32 s5, $0x1;
	s2 =	sadd.s32 s19, s18  }
0x9c: {  	s6 =	simm.s32 $0x0;
	s20 =	sshll.u32 s4, $0x1;
	s4 =	sadd.s32 s21, s2  }
0x9d: {  	[timem:s6], [sflag:s22] =	dma.local [hbm:s4], s20  }
0x9e: {  	_ =	swait.ge [sflag:s22], s20  }
0x9f: {  	s3 =	ssub.s32 $0x0, s20;
	[sflag:s22] =	ssyncset.done $0x0  }
0xa0: {  	[sflag:s22] =	ssyncadd.s32 s3;
	_ =	sdelay $0x1  }
0xa1: {  	s23 =	simm.s32 $0x1B8B  }
0xa2: {  	_ =	swait.ge [sflag:s23], $0x1  }
0xa3: {  	[sflag:s23] =	ssyncset.done $0x0  }
0xa4: {  	s25 =	simm.s32 $0x1B8E;
	s24 =	sld [smem:$0x3FFE];
	[sflag:s23] =	ssyncadd.s32 $0xFFFFFFFF  }
0xa5: {  	s26 =	simm.s32 $execute0_lowered;
	[smem:$0x3FD2] =	sst s25  }
0xa6: {  	s4 =	sshll.u32 s26, $0x1;
	_ =	strace $0x8000004C;
	[dreg:$0x1] =	wrdreg $0xFFFFFFFF  }
0xa7: {  	s28 =	simm.s32 $_size_execute0_lowered;
	s2 =	sadd.s32 s2, s4;
	[dreg:$0x0] =	wrdreg $0x0  }
0xa8: {  	s4 =	sshll.u32 s28, $0x1;
	[dreg:$0x2] =	wrdreg s2  }
0xa9: {  	[dreg:$0x3] =	wrdreg s4  }
0xaa: {  	[dreg:$0x4] =	wrdreg $0xC0  }
0xab: {  	_ =	task [dreg:s6], $0x5FFFF  }
0xac: {  	[dreg:$0x1] =	wrdreg $0xFFFFFFFF  }
0xad: {  	[dreg:$0x0] =	wrdreg $0x60  }
0xae: {  	[dreg:$0x2] =	wrdreg s24  }
0xaf: {  	[dreg:$0x3] =	wrdreg $0x50000  }
0xb0: {  	[dreg:$0x4] =	wrdreg $0x9  }
0xb1: {  	_ =	task.clear_ibuf [dreg:s6], $0x5FFFF;
	_ =	strace $0x9000004C  }
0xb2: {  	s29 =	simm.s32 $0x9;
	_ =	strace $0x8000004E  }
0xb3: {  	_ =	swait.ge [sflag:s29], $0x1  }
0xb4: {  	[sflag:s29] =	ssyncadd.s32 $0xFFFFFFFF  }
0xb5: {  	_ =	strace $0x9000004E  }
0xb6: {  	_ =	sfence  }
0xb7: {  	s30 =	sld [smem:$0x0];
	_ =	sdelay $0x2  }
0xb8: {  	s31 =	sshll.u32 s1, $0xD;
	s1 =	sshrl.u32 s1, $0x2  }
0xb9: {  	s3 =	sand.u32 $0x4000, s31;
	s1 =	sadd.s32 s1, s30  }
0xba: {  	s0 =	sor.u32 s3, s0;
	s1 =	sshll.u32 s1, $0x11  }
0xbb: {  	s0 =	sor.u32 s1, s0  }
0xbc: {  	s0 =	sadd.s32 $0x8F2B, s0  }
0xbd: {  	[sflag:s0] =	ssyncadd.remote.s32 $0x1  }
0xbe: {  	_ =	sfence.sel $0xFFFF  }
0xbf: {  	[dreg:$0x0] =	wrdreg $0xFFFFFFFF;
	(pc) =	sbr.abs _section_cstart, $3  }
0xc0: {  	[dreg:$0x1] =	wrdreg $0xFFFFFFFF  }
0xc1: {  	_ =	task.clear_ibuf [dreg:s6], $0x2FFFF;
	_ =	strace $0x9FFFFFFF  }
0xc2: {  	(tm) =	ssettm $0x7FFFFFFF  }
0xc3: {  	_ =	shalt  }
tec
execute0_lowered:
.L_overlay_start_1:
0x0: {  	(tag) =	ssettag $0x1  }
0x1: {  	s0 =	rddreg [dreg:$0x0]  }
0x2: {  	s2 =	rddreg [dreg:$0x1];
	s3 =	simm.s32 $0x0  }
0x3: {  	s11 =	stileid.u32;
	s1 =	srdreg.scid;
	s29 =	simm.s32 $0x1  }
0x4: {  	s30 =	simm.s32 $0x2;
	s31 =	simm.s32 $0xA0;
	[smem:$0x7FF] =	sst s3  }
0x5: {  	s7 =	smul.u32 $0x18800, s11;
	s1 =	sand.u32 $0x1, s1;
	s4 =	sadd.s32 $0x12E000, s0  }
0x6: {  	s5 =	sadd.s32 $0x2800, s0;
	_ =	strace $0x8000004D;
	s6 =	smul.u32 $0x188000, s1  }
0x7: {  	s8 =	sshll.u32 s1, $0x4;
	s1 =	ssub.s32 $0x2, s1;
	s9 =	sshrl.u32 s7, $0x3  }
0x8: {  	s8 =	sor.u32 s11, s8;
	s21 =	sshrl.u32 s1, $0x1;
	s23 =	sadd.s32 s7, s2  }
0x9: {  	s11 =	sshll.u32 s11, $0x6;
	s10 =	sadd.s32 s7, s6;
	s6 =	smul.u32 $0x186A0, s8  }
0xa: {  	s19 =	sadd.s32 s9, s0;
	s1 =	ssub.s32 s1, s21;
	s9 =	sor.u32 $0x1C04, s11  }
0xb: {  	s21 =	simm.s32 $0x800;
	s20 =	sshrl.u32 s10, $0x3;
	s8 =	sadd.s32 $0x15F000, s19  }
0xc: {  	s18 =	smax.u32 s1, $0x1;
	s19 =	sshrl.u32 s23, $0x3;
	s22 =	sshrl.u32 s6, $0x3  }
0xd: {  	s0 =	sadd.s32 s20, s0;
	[dreg:$0x3] =	wrdreg s8;
	s7 =	sadd.s32 s5, s22  }
0xe: {  	s20 =	simm.s32 $0x4;
	s17 =	sadd.s32 $0x190000, s0;
	s24 =	sadd.s32 $0x61A80, s7  }
0xf: {  	s22 =	simm.s32 $0x200;
	s25 =	sadd.s32 $0x40, s7;
	[dreg:$0x4] =	wrdreg s24  }
0x10: {  	s0 =	simm.s32 $0x0;
	s26 =	sadd.s32 $0x61AC0, s7;
	[dreg:$0x5] =	wrdreg s25  }
0x11: {  	s28 =	sadd.s32 $0x80, s7;
	s14 =	sadd.s32 $0x61B00, s7;
	[dreg:$0x6] =	wrdreg s26  }
0x12: {  	s15 =	sadd.s32 $0x30C0, s7;
	s16 =	sadd.s32 $0x64B40, s7;
	[dreg:$0x7] =	wrdreg s28  }
0x13: {  	s24 =	simm.s32 $0xC00;
	s25 =	simm.s32 $0x3;
	s26 =	simm.s32 $0x1000  }
.LBB2_1:
0x14: {  	s1 =	rddreg [dreg:$0x3]  }
0x15: {  	[spmem:s19], [sflag:s9] =	dma.local [hbm:s1], $0x3100  }
0x16: {  	_ =	swait.ge [sflag:s20], $0x3100  }
0x17: {  	[sflag:s20] =	ssyncset.done $0x0  }
0x18: {  	[sflag:s20] =	ssyncadd.s32 $0xFFFFCF00  }
0x19: {  	[bflag:$0x0] =	sbarrier.arrive $0xFFFF  }
0x1a: {  	[tilespmem:s3], [sflag:$0x3] =	stream.linear.gather [hbm4b:s7+s3], $0x200, $0x38;
	[tilespmem:$0x1D800] =	vst v63  }
0x1b: {  	s12 =	rddreg [dreg:$0x4]  }
0x1c: {  	[tilespmem:s21], [sflag:$0x3] =	stream.linear.gather [hbm4b:s12+s3], $0x200, $0x38;
	[tilespmem:$0x1D800] =	vst v63  }
0x1d: {  	s13 =	rddreg [dreg:$0x5]  }
0x1e: {  	[tilespmem:s22], [sflag:$0x3] =	stream.linear.gather [hbm4b:s13+s3], $0x200, $0x38;
	[tilespmem:$0x1D800] =	vst v63  }
0x1f: {  	s8 =	simm.s32 $0xA00;
	s23 =	rddreg [dreg:$0x6]  }
0x20: {  	[tilespmem:s8], [sflag:$0x3] =	stream.linear.gather [hbm4b:s23+s3], $0x200, $0x38;
	[tilespmem:$0x1D800] =	vst v63  }
0x21: {  	s10 =	rddreg [dreg:$0x7];
	s8 =	simm.s32 $0x400  }
0x22: {  	[tilespmem:s8], [sflag:$0x3] =	stream.linear.gather [hbm4b:s10+s3], $0x200, $0x38;
	[tilespmem:$0x1D800] =	vst v63  }
0x23: {  	_ = 	snop  }
0x24: {  	[tilespmem:s24], [sflag:$0x3] =	stream.linear.gather [hbm4b:s14+s3], $0x200, $0x38;
	[tilespmem:$0x1D800] =	vst v63  }
0x25: {  	_ =	swait.ge [sflag:s25], $0x200  }
0x26: {  	[sflag:s25] =	ssyncset.done $0x0  }
0x27: {  	[sflag:s25] =	ssyncadd.s32 $0xFFFFFE00  }
0x28: {  	_ =	swait.ge [sflag:s25], $0x200  }
0x29: {  	[sflag:s25] =	ssyncset.done $0x0  }
0x2a: {  	[sflag:s25] =	ssyncadd.s32 $0xFFFFFE00  }
0x2b: {  	[tilespmem:s26], [sflag:$0x1] =	stream.indirect.gather [hbm4b:s4+s22], $0x10, s3, s22, $0xb8;
	[tilespmem:$0x1D800] =	vst v63  }
0x2c: {  	_ =	swait.ge [sflag:s25], $0x200  }
0x2d: {  	[sflag:s25] =	ssyncset.done $0x0  }
0x2e: {  	[sflag:s25] =	ssyncadd.s32 $0xFFFFFE00  }
0x2f: {  	_ =	swait.ge [sflag:s25], $0x200  }
0x30: {  	[sflag:s25] =	ssyncset.done $0x0  }
0x31: {  	s11 =	simm.s32 $0x3000;
	[sflag:s25] =	ssyncadd.s32 $0xFFFFFE00  }
0x32: {  	[tilespmem:s11], [sflag:$0x1] =	stream.indirect.gather [hbm4b:s4+s22], $0x10, s22, s22, $0xb8;
	[tilespmem:$0x1D800] =	vst v63  }
0x33: {  	_ =	swait.ge [sflag:s29], $0x2000  }
0x34: {  	[sflag:s29] =	ssyncset.done $0x0  }
0x35: {  	[sflag:s29] =	ssyncadd.s32 $0xFFFFE000  }
0x36: {  	[spmem:s2] =	stream.indirect.scatter.add.f32 [tilespmem:s26], [sflag:$0x2], $0x10, s21, s22, $0xb8;
	[tilespmem:$0x1D800] =	vst v63  }
0x37: {  	_ =	swait.ge [sflag:s29], $0x2000  }
0x38: {  	[sflag:s29] =	ssyncset.done $0x0  }
0x39: {  	[sflag:s29] =	ssyncadd.s32 $0xFFFFE000  }
0x3a: {  	_ =	swait.ge [sflag:s30], $0x2000  }
0x3b: {  	[sflag:s30] =	ssyncset.done $0x0  }
0x3c: {  	[sflag:s30] =	ssyncadd.s32 $0xFFFFE000  }
0x3d: {  	s12 =	smin.u32 s29, $0xC0;
	_ =	swait.ge [sflag:s25], $0x200  }
0x3e: {  	s1 =	sshll.u32 s12, $0x9;
	s13 =	simm.s32 $0x2000;
	[sflag:s25] =	ssyncset.done $0x0  }
0x3f: {  	s12 =	sand.u32 $0x2000, s13;
	s10 =	sadd.s32 $0x400, s1;
	[sflag:s25] =	ssyncadd.s32 $0xFFFFFE00  }
0x40: {  	s13 =	simm.s32 $0x200;
	s23 =	sadd.s32 s6, s10;
	_ =	swait.ge [sflag:s25], $0x200  }
0x41: {  	s1 =	simm.s32 $0x4000;
	s23 =	sshrl.u32 s23, $0x3;
	[sflag:s25] =	ssyncset.done $0x0  }
0x42: {  	s10 =	sand.u32 $0x600, s10;
	s23 =	sadd.s32 s5, s23;
	[sflag:s25] =	ssyncadd.s32 $0xFFFFFE00  }
0x43: {  	[tilespmem:s10], [sflag:$0x3] =	stream.linear.gather [hbm4b:s23+s3], $0x200, $0x38;
	[tilespmem:$0x1D800] =	vst v63  }
0x44: {  	s28 =	sand.u32 $0x2000, s1;
	s10 =	sor.u32 $0x800, s10;
	s23 =	sadd.s32 $0x61A80, s23  }
0x45: {  	[tilespmem:s10], [sflag:$0x3] =	stream.linear.gather [hbm4b:s23+s3], $0x200, $0x38;
	[tilespmem:$0x1D800] =	vst v63  }
0x46: {  	s8 =	sand.u32 $0x600, s8;
	s11 =	sor.u32 $0x1000, s28;
	s28 =	simm.s32 $0x1  }
0x47: {  	[tilespmem:s11], [sflag:$0x1] =	stream.indirect.gather [hbm4b:s4+s22], $0x10, s8, s22, $0xb8;
	[tilespmem:$0x1D800] =	vst v63  }
0x48: {  	s23 =	simm.s32 $0x600;
	s10 =	sand.u32 $0x600, s13;
	s8 =	sor.u32 $0x1000, s12  }
.LBB2_2:
0x49: {  	s28 =	sadd.s32 $0x1, s28  }
0x4a: {  	s10 =	sor.u32 $0x800, s10;
	s1 =	sadd.s32 $0x2000, s1;
	s11 =	smov.u32 s23  }
0x4b: {  	[spmem:s2] =	stream.indirect.scatter.add.f32 [tilespmem:s8], [sflag:$0x2], $0x10, s10, s22, $0xb8;
	[tilespmem:$0x1D800] =	vst v63  }
0x4c: {  	p0 =	sne.s32 s23, $0x18400;
	s23 =	sadd.s32 $0x200, s23;
	_ =	swait.ge [sflag:s29], $0x2000  }
0x4d: {  	[sflag:s29] =	ssyncset.done $0x0  }
0x4e: {  	[sflag:s29] =	ssyncadd.s32 $0xFFFFE000  }
0x4f: {  	_ =	swait.ge [sflag:s30], $0x2000  }
0x50: {  	[sflag:s30] =	ssyncset.done $0x0  }
0x51: {  	[sflag:s30] =	ssyncadd.s32 $0xFFFFE000  }
0x52: {  	s8 =	smin.u32 s28, $0xC0;
	_ =	swait.ge [sflag:s25], $0x200  }
0x53: {  	s8 =	sshll.u32 s8, $0x9;
	[sflag:s25] =	ssyncset.done $0x0  }
0x54: {  	s12 =	sadd.s32 $0xFFFFE000, s1;
	s8 =	sadd.s32 $0x400, s8;
	[sflag:s25] =	ssyncadd.s32 $0xFFFFFE00  }
0x55: {  	s10 =	sand.u32 $0x600, s8;
	s8 =	sadd.s32 s6, s8;
	_ =	swait.ge [sflag:s25], $0x200  }
0x56: {  	s13 =	sand.u32 $0x2000, s1;
	s8 =	sshrl.u32 s8, $0x3;
	[sflag:s25] =	ssyncset.done $0x0  }
0x57: {  	s12 =	sand.u32 $0x2000, s12;
	s8 =	sadd.s32 s5, s8;
	[sflag:s25] =	ssyncadd.s32 $0xFFFFFE00  }
0x58: {  	[tilespmem:s10], [sflag:$0x3] =	stream.linear.gather [hbm4b:s8+s3], $0x200, $0x38;
	[tilespmem:$0x1D800] =	vst v63  }
.Ltmp0:
0x59: {  	s10 =	sor.u32 $0x800, s10;
	s8 =	sadd.s32 $0x61A80, s8;
	(pc) =	sbr.rel @p0 .LBB2_2-.Ltmp0, $4  }
0x5a: {  	[tilespmem:s10], [sflag:$0x3] =	stream.linear.gather [hbm4b:s8+s3], $0x200, $0x38;
	[tilespmem:$0x1D800] =	vst v63  }
0x5b: {  	s8 =	sand.u32 $0x600, s11;
	s10 =	sor.u32 $0x1000, s13;
	s11 =	sadd.s32 $0xFFFFFE00, s11  }
0x5c: {  	[tilespmem:s10], [sflag:$0x1] =	stream.indirect.gather [hbm4b:s4+s22], $0x10, s8, s22, $0xb8;
	[tilespmem:$0x1D800] =	vst v63  }
0x5d: {  	s8 =	sor.u32 $0x1000, s12;
	s10 =	sand.u32 $0x600, s11  }
0x5e: {  	s1 =	sor.u32 $0x800, s10  }
0x5f: {  	[spmem:s2] =	stream.indirect.scatter.add.f32 [tilespmem:s8], [sflag:$0x2], $0x10, s1, s22, $0xb8;
	[tilespmem:$0x1D800] =	vst v63  }
0x60: {  	_ =	swait.ge [sflag:s29], $0x2000  }
0x61: {  	[sflag:s29] =	ssyncset.done $0x0  }
0x62: {  	[sflag:s29] =	ssyncadd.s32 $0xFFFFE000  }
0x63: {  	_ =	swait.ge [sflag:s30], $0x2000  }
0x64: {  	[sflag:s30] =	ssyncset.done $0x0  }
0x65: {  	[sflag:s30] =	ssyncadd.s32 $0xFFFFE000  }
0x66: {  	[spmem:s2] =	stream.indirect.scatter.add.f32 [tilespmem:s26], [sflag:$0x2], $0x10, s24, s22, $0xb8;
	[tilespmem:$0x1D800] =	vst v63  }
0x67: {  	_ =	swait.ge [sflag:s30], $0x2000  }
0x68: {  	[sflag:s30] =	ssyncset.done $0x0  }
0x69: {  	[sflag:s30] =	ssyncadd.s32 $0xFFFFE000  }
0x6a: {  	_ =	swait.ge [sflag:s25], $0x200  }
0x6b: {  	[sflag:s25] =	ssyncset.done $0x0  }
0x6c: {  	[sflag:s25] =	ssyncadd.s32 $0xFFFFFE00  }
0x6d: {  	_ =	swait.ge [sflag:s25], $0x200  }
0x6e: {  	[sflag:s25] =	ssyncset.done $0x0  }
0x6f: {  	[sflag:s25] =	ssyncadd.s32 $0xFFFFFE00  }
0x70: {  	[tilespmem:s3], [sflag:$0x4] =	stream.linear.gather [hbm4b:s15+s3], $0xA0, $0x38;
	[tilespmem:$0x1D800] =	vst v63  }
0x71: {  	_ =	swait.ge [sflag:s20], $0xA0  }
0x72: {  	[sflag:s20] =	ssyncset.done $0x0  }
0x73: {  	[sflag:s20] =	ssyncadd.s32 $0xFFFFFF60  }
0x74: {  	[tilespmem:s21], [sflag:$0x4] =	stream.linear.gather [hbm4b:s16+s3], $0xA0, $0x38;
	[tilespmem:$0x1D800] =	vst v63  }
0x75: {  	_ =	swait.ge [sflag:s20], $0xA0  }
0x76: {  	[sflag:s20] =	ssyncset.done $0x0  }
0x77: {  	[sflag:s20] =	ssyncadd.s32 $0xFFFFFF60  }
0x78: {  	[tilespmem:s26], [sflag:$0x1] =	stream.indirect.gather [hbm4b:s4+s31], $0x10, s3, s31, $0xb8;
	[tilespmem:$0x1D800] =	vst v63  }
0x79: {  	_ =	swait.ge [sflag:s29], $0xA00  }
0x7a: {  	[sflag:s29] =	ssyncset.done $0x0  }
0x7b: {  	[sflag:s29] =	ssyncadd.s32 $0xFFFFF600  }
0x7c: {  	[spmem:s2] =	stream.indirect.scatter.add.f32 [tilespmem:s26], [sflag:$0x2], $0x10, s21, s31, $0xb8;
	[tilespmem:$0x1D800] =	vst v63  }
0x7d: {  	_ =	swait.ge [sflag:s30], $0xA00  }
0x7e: {  	s0 =	sadd.s32 $0x1, s0;
	[sflag:s30] =	ssyncset.done $0x0  }
0x7f: {  	p0 =	sne.s32 s0, s18;
	[sflag:s30] =	ssyncadd.s32 $0xFFFFF600  }
.Ltmp1:
0x80: {  	[bflag:$0x0] =	sbarrier.arrive $0xFFFF;
	(pc) =	sbr.rel @p0 .LBB2_1-.Ltmp1, $4  }
0x81: {  	[hbm:s17], [sflag:s9] =	dma.local [spmem:s19], $0x3100  }
0x82: {  	_ =	swait.ge [sflag:s20], $0x3100  }
0x83: {  	[sflag:s20] =	ssyncset.done $0x0  }
0x84: {  	[sflag:s20] =	ssyncadd.s32 $0xFFFFCF00  }
0x85: {  	_ =	sfence.sel $0x180000  }
0x86: {  	[bflag:$0x0] =	sbarrier.arrive $0xFFFF  }
0x87: {  	_ =	strace $0x9000004D  }
0x88: {  	s0 =	stileid.u32;
	[bflag:$0x2] =	sbarrier.arrive $0xFFFF  }
0x89: {  	p0 =	sne.s32 s0, $0x0;
	s0 =	rddreg [dreg:$0x2]  }
0x8a: {  	s0 =	sadd.s32 @!p0 $0x100000, s0  }
0x8b: {  	[sflag:s0] =	ssyncadd.tile.s32 @!p0 $0x1;
	_ =	shalt  }
.Lfunc_end2:
_tile_overlayer_lowered:
.L_overlay_start_2:
0x8c: {  	(tag) =	ssettag $0x2  }
0x8d: {  	s0 =	rddreg [dreg:$0x0];
	s2 =	stileid.u32  }
0x8e: {  	s1 =	rddreg [dreg:$0x1];
	p0 =	sne.s32 s2, $0x0  }
0x8f: {  	s3 =	rddreg [dreg:$0x2];
	[bflag:$0x3] =	sbarrier.arrive $0xFFFF;
	s2 =	simm.s32 @!p0 $0x1C04  }
0x90: {  	[timem:s3], [sflag:s2] =	dma.local @!p0 [hbm:s0], s1  }
0x91: {  	s0 =	simm.s32 @!p0 $0x4  }
0x92: {  	_ =	swait.ge @!p0 [sflag:s0], s1  }
0x93: {  	s1 =	ssub.s32 @!p0 $0x0, s1;
	[sflag:s0] =	ssyncset.done @!p0 $0x0  }
0x94: {  	[sflag:s0] =	ssyncadd.s32 @!p0 s1  }
0x95: {  	[bflag:$0x3] =	sbarrier.arrive $0xFFFF  }
0x96: {  	_ =	shalt  }

// kernel: kernel.9.cloned.1.call-start
scs
__scs_entry_jumppad:
0x0: {  	(pc) =	sbr.rel $0x88, $3  }
0x1: {  	(tag) =	ssettag $0x0;
	lr =	simm.s32 $0x1  }
0x2: {  	[smem:$0x3F97] =	sst lr;
	_ =	strace $0xD0000000  }
0x3: {  	_ = 	snop  }
0x4: {  	_ = 	snop  }
0x5: {  	_ = 	snop  }
0x6: {  	_ = 	snop  }
0x7: {  	_ = 	snop  }
__scs_overlays_trampoline_lowered:
0x8: {  	[smem:$0x3FA6] =	sst s0  }
0x9: {  	[smem:$0x3FA7] =	sst s1  }
0xa: {  	[smem:$0x3FA8] =	sst s2  }
0xb: {  	[smem:$0x3FA9] =	sst s3  }
0xc: {  	[smem:$0x3FAA] =	sst s4  }
0xd: {  	[smem:$0x3FAB] =	sst s5  }
0xe: {  	[smem:$0x3FAC] =	sst s6  }
0xf: {  	[smem:$0x3FAD] =	sst s7  }
0x10: {  	[smem:$0x3FAE] =	sst s8  }
0x11: {  	[smem:$0x3FAF] =	sst s9;
	s0 =	simm.s32 @!p0 $0x0  }
0x12: {  	s1 =	sld [smem:$0x3F95];
	s0 =	simm.s32 @p0 $0x1  }
0x13: {  	[smem:$0x3FB0] =	sst s0;
	s0 =	simm.s32 @!p1 $0x0  }
0x14: {  	s2 =	sld [smem:$0x3F94];
	s0 =	simm.s32 @p1 $0x1  }
0x15: {  	[smem:$0x3FB1] =	sst s0;
	s0 =	simm.s32 @!p2 $0x0  }
0x16: {  	s3 =	sld [smem:$0x3FDB];
	s0 =	simm.s32 @p2 $0x1  }
0x17: {  	s4 =	simm.s32 $0x1BF5;
	[smem:$0x3FB3] =	sst s0  }
0x18: {  	s0 =	sld [smem:$0x3F96];
	_ =	swait.ge [sflag:s4], $0x0  }
0x19: {  	s7 =	sld [smem:$0x3F97]  }
0x1a: {  	s8 =	sadd.s32 $0xFFFFE003, lr  }
0x1b: {  	s9 =	sadd.s32 $0xFFFFFEF7, lr;
	s5 =	simm.s32 $0xFFFFFFFF;
	p2 =	slt.u32 s8, $0xFFFFF086  }
0x1c: {  	p1 =	slt.u32 s9, $0xF7A;
	s5 =	simm.s32 @!p2 $0x0  }
0x1d: {  	s5 =	simm.s32 @p1 $0x1;
	p0 =	seq.s32 s7, s2  }
0x1e: {  	s7 =	smul.u32 @!p0 $0xF7A, s2;
	p2 =	seq.s32 @!p0 s5, $0x0  }
0x1f: {  	s9 =	smul.u32 $0xF7A, s1;
	s8 =	simm.s32 @!p0 $0x1BF5;
	p2 =	por !p2, p0  }
0x20: {  	[sflag:s8] =	ssyncset.s32 @!p0 $0xFFFFF086;
	s6 =	sadd.s32 @!p0 s3, s7;
	s7 =	simm.s32 @!p0 $0x108  }
0x21: {  	s3 =	sadd.s32 s3, s9;
	s6 =	sadd.s32 @!p0 $0x88, s6;
	s7 =	simm.s32 @p2 $0x1082  }
0x22: {  	[simem:s7], [sflag:s8] =	dma.local @!p0 [hbm:s6], $0xF7A  }
0x23: {  	s9 =	sor.u32 $0xD0000000, s2;
	s6 =	simm.s32 $0x108;
	_ =	swait.ge @!p0 [sflag:s8], $0x0  }
0x24: {  	s3 =	sadd.s32 $0x88, s3;
	s6 =	simm.s32 @!p1 $0x1082;
	[sflag:s4] =	ssyncset.s32 $0xFFFFF086  }
0x25: {  	[simem:s6], [sflag:s4] =	dma.local [hbm:s3], $0xF7A  }
0x26: {  	[smem:$0x3F97] =	sst s1;
	(tag) =	ssettag s2;
	_ =	strace s9  }
0x27: {  	s1 =	sld [smem:$0x3FA7]  }
0x28: {  	s2 =	sld [smem:$0x3FA8]  }
0x29: {  	s4 =	sld [smem:$0x3FAA]  }
0x2a: {  	p0 =	seq.s32 s5, $0x0;
	s5 =	sld [smem:$0x3FAB]  }
0x2b: {  	s6 =	sld [smem:$0x3FAC]  }
0x2c: {  	s7 =	sld [smem:$0x3FAD]  }
0x2d: {  	s3 =	simm.s32 $0x108;
	s8 =	sld [smem:$0x3FAE]  }
0x2e: {  	s3 =	simm.s32 @!p0 $0x1082;
	s9 =	sld [smem:$0x3FAF]  }
0x2f: {  	lr =	sadd.s32 s0, s3;
	s0 =	sld [smem:$0x3FA6]  }
0x30: {  	s3 =	sld [smem:$0x3FA9]  }
0x31: {  	[smem:$0x3FB2] =	sst s10  }
0x32: {  	s10 =	sld [smem:$0x3FB0];
	_ =	sdelay $0x3  }
0x33: {  	p0 =	seq.s32 s10, $0x1;
	s10 =	sld [smem:$0x3FB2];
	_ =	sdelay $0x3  }
0x34: {  	[smem:$0x3FB2] =	sst s10  }
0x35: {  	s10 =	sld [smem:$0x3FB1];
	_ =	sdelay $0x3  }
0x36: {  	p1 =	seq.s32 s10, $0x1;
	s10 =	sld [smem:$0x3FB2];
	_ =	sdelay $0x3  }
0x37: {  	[smem:$0x3FB2] =	sst s10  }
0x38: {  	s10 =	sld [smem:$0x3FB3]  }
0x39: {  	_ = 	snop;
	(pc) =	sbr.ind lr, $3  }
0x3a: {  	_ = 	snop  }
0x3b: {  	_ = 	snop  }
0x3c: {  	p2 =	seq.s32 s10, $0x1;
	s10 =	sld [smem:$0x3FB2]  }
0x3d: {  	_ =	shalt  }
0x3e: {  	_ =	shalt  }
0x3f: {  	_ =	shalt  }
0x40: {  	_ =	shalt  }
0x41: {  	_ =	shalt  }
0x42: {  	_ =	shalt  }
0x43: {  	_ =	shalt  }
0x44: {  	_ =	shalt  }
0x45: {  	_ =	shalt  }
0x46: {  	_ =	shalt  }
0x47: {  	_ =	shalt  }
0x48: {  	_ =	shalt  }
0x49: {  	_ =	shalt  }
0x4a: {  	_ =	shalt  }
0x4b: {  	_ =	shalt  }
0x4c: {  	_ =	shalt  }
0x4d: {  	_ =	shalt  }
0x4e: {  	_ =	shalt  }
0x4f: {  	_ =	shalt  }
0x50: {  	_ =	shalt  }
0x51: {  	_ =	shalt  }
0x52: {  	_ =	shalt  }
0x53: {  	_ =	shalt  }
0x54: {  	_ =	shalt  }
0x55: {  	_ =	shalt  }
0x56: {  	_ =	shalt  }
0x57: {  	_ =	shalt  }
0x58: {  	_ =	shalt  }
0x59: {  	_ =	shalt  }
0x5a: {  	_ =	shalt  }
0x5b: {  	_ =	shalt  }
0x5c: {  	_ =	shalt  }
0x5d: {  	_ =	shalt  }
0x5e: {  	_ =	shalt  }
0x5f: {  	_ =	shalt  }
0x60: {  	_ =	shalt  }
0x61: {  	_ =	shalt  }
0x62: {  	_ =	shalt  }
0x63: {  	_ =	shalt  }
0x64: {  	_ =	shalt  }
0x65: {  	_ =	shalt  }
0x66: {  	_ =	shalt  }
0x67: {  	_ =	shalt  }
0x68: {  	_ =	shalt  }
0x69: {  	_ =	shalt  }
0x6a: {  	_ =	shalt  }
0x6b: {  	_ =	shalt  }
0x6c: {  	_ =	shalt  }
0x6d: {  	_ =	shalt  }
0x6e: {  	_ =	shalt  }
0x6f: {  	_ =	shalt  }
0x70: {  	_ =	shalt  }
0x71: {  	_ =	shalt  }
0x72: {  	_ =	shalt  }
0x73: {  	_ =	shalt  }
0x74: {  	_ =	shalt  }
0x75: {  	_ =	shalt  }
0x76: {  	_ =	shalt  }
0x77: {  	_ =	shalt  }
0x78: {  	_ =	shalt  }
0x79: {  	_ =	shalt  }
0x7a: {  	_ =	shalt  }
0x7b: {  	_ =	shalt  }
0x7c: {  	_ =	shalt  }
0x7d: {  	_ =	shalt  }
0x7e: {  	_ =	shalt  }
0x7f: {  	_ =	shalt  }
0x80: {  	_ =	shalt  }
0x81: {  	_ =	shalt  }
0x82: {  	_ =	shalt  }
0x83: {  	_ =	shalt  }
0x84: {  	_ =	shalt  }
0x85: {  	_ =	shalt  }
0x86: {  	_ =	shalt  }
0x87: {  	_ =	shalt  }
.Lfunc_end0:
.L_simem_size_0:
called_computation_lowered:
.L_overlay_start_0:
0x88: {  	s2 =	sld [smem:$0x3FD9]  }
0x89: {  	s3 =	sld [smem:$0x3FFE];
	_ =	sdelay $0x1  }
0x8a: {  	s1 =	srdreg.scid  }
0x8b: {  	s0 =	sand.u32 $0x1, s1  }
0x8c: {  	s17 =	sshll.u32 s0, $0xA;
	s2 =	sadd.s32 s3, s2  }
0x8d: {  	s2 =	sadd.s32 s2, s17  }
0x8e: {  	[smem:$0x3FBE] =	sst s2  }
0x8f: {  	_ = 	snop  }
0x90: {  	s2 =	sld [smem:$0x3FD0];
	(tm) =	ssettm $0x1  }
0x91: {  	s18 =	sld [smem:$0x3FFB];
	_ =	sdelay $0x3  }
0x92: {  	_ =	strace s18  }
0x93: {  	s3 =	sld [smem:$0x3FFC];
	_ =	sdelay $0x3  }
0x94: {  	_ =	strace s3  }
0x95: {  	s3 =	sld [smem:$0x3FFD];
	_ =	sdelay $0x3  }
0x96: {  	_ =	strace s3  }
0x97: {  	_ =	strace $0x8FFFFFFF  }
0x98: {  	s19 =	sld [smem:$0x3FDB];
	_ =	sdelay $0x1  }
0x99: {  	s4 =	simm.s32 $_scs_section_size  }
0x9a: {  	s5 =	simm.s32 $_size__tile_overlayer_lowered;
	s6 =	simm.s32 $_tile_overlayer_lowered  }
0x9b: {  	s22 =	simm.s32 $0x1BFF;
	s21 =	sshll.u32 s6, $0x1;
	s3 =	sadd.s32 s4, s19  }
0x9c: {  	s7 =	simm.s32 $0x0;
	s20 =	sshll.u32 s5, $0x1;
	s5 =	sadd.s32 s21, s3  }
0x9d: {  	[timem:s7], [sflag:s22] =	dma.local [hbm:s5], s20  }
0x9e: {  	_ =	swait.ge [sflag:s22], s20  }
0x9f: {  	s4 =	ssub.s32 $0x0, s20;
	[sflag:s22] =	ssyncset.done $0x0  }
0xa0: {  	[sflag:s22] =	ssyncadd.s32 s4;
	_ =	sdelay $0x1  }
0xa1: {  	s23 =	simm.s32 $0x1B8B  }
0xa2: {  	_ =	swait.ge [sflag:s23], $0x1  }
0xa3: {  	[sflag:s23] =	ssyncset.done $0x0  }
0xa4: {  	s25 =	simm.s32 $0x1B8E;
	s24 =	sld [smem:$0x3FFE];
	[sflag:s23] =	ssyncadd.s32 $0xFFFFFFFF  }
0xa5: {  	s26 =	simm.s32 $execute0_lowered;
	[smem:$0x3FD2] =	sst s25  }
0xa6: {  	s5 =	sshll.u32 s26, $0x1;
	_ =	strace $0x80000046;
	[dreg:$0x1] =	wrdreg $0xFFFFFFFF  }
0xa7: {  	s28 =	simm.s32 $_size_execute0_lowered;
	s3 =	sadd.s32 s3, s5;
	[dreg:$0x0] =	wrdreg $0x0  }
0xa8: {  	s5 =	sshll.u32 s28, $0x1;
	[dreg:$0x2] =	wrdreg s3  }
0xa9: {  	[dreg:$0x3] =	wrdreg s5  }
0xaa: {  	[dreg:$0x4] =	wrdreg $0xC0  }
0xab: {  	_ =	task [dreg:s7], $0x5FFFF  }
0xac: {  	[dreg:$0x1] =	wrdreg $0xFFFFFFFF  }
0xad: {  	[dreg:$0x0] =	wrdreg $0x60  }
0xae: {  	[dreg:$0x2] =	wrdreg s24  }
0xaf: {  	[dreg:$0x3] =	wrdreg s2  }
0xb0: {  	[dreg:$0x4] =	wrdreg $0xA000  }
0xb1: {  	[dreg:$0x5] =	wrdreg $0x9  }
0xb2: {  	_ =	task.clear_ibuf [dreg:s7], $0x6FFFF;
	_ =	strace $0x90000046  }
0xb3: {  	s29 =	simm.s32 $0x9;
	_ =	strace $0x80000048  }
0xb4: {  	_ =	swait.ge [sflag:s29], $0x1  }
0xb5: {  	[sflag:s29] =	ssyncadd.s32 $0xFFFFFFFF  }
0xb6: {  	_ =	strace $0x90000048  }
0xb7: {  	_ =	sfence  }
0xb8: {  	s30 =	sld [smem:$0x0];
	_ =	sdelay $0x2  }
0xb9: {  	s31 =	sshll.u32 s1, $0xD;
	s1 =	sshrl.u32 s1, $0x2  }
0xba: {  	s3 =	sand.u32 $0x4000, s31;
	s1 =	sadd.s32 s1, s30  }
0xbb: {  	s0 =	sor.u32 s3, s0;
	s1 =	sshll.u32 s1, $0x11  }
0xbc: {  	s0 =	sor.u32 s1, s0  }
0xbd: {  	s0 =	sadd.s32 $0x8F2B, s0  }
0xbe: {  	[sflag:s0] =	ssyncadd.remote.s32 $0x1  }
0xbf: {  	_ =	sfence.sel $0xFFFF  }
0xc0: {  	[dreg:$0x0] =	wrdreg $0xFFFFFFFF;
	(pc) =	sbr.abs _section_cstart, $3  }
0xc1: {  	[dreg:$0x1] =	wrdreg $0xFFFFFFFF  }
0xc2: {  	_ =	task.clear_ibuf [dreg:s7], $0x2FFFF;
	_ =	strace $0x9FFFFFFF  }
0xc3: {  	(tm) =	ssettm $0x7FFFFFFF  }
tec
execute0_lowered:
.L_overlay_start_1:
0x0: {  	(tag) =	ssettag $0x1  }
0x1: {  	s5 =	rddreg [dreg:$0x0]  }
0x2: {  	s6 =	rddreg [dreg:$0x1]  }
0x3: {  	s2 =	rddreg [dreg:$0x2]  }
0x4: {  	s0 =	rddreg [dreg:$0x3];
	s4 =	srdreg.scid  }
0x5: {  	s1 =	stileid.u32;
	s3 =	simm.s32 $0x0;
	s16 =	simm.s32 $0x3  }
0x6: {  	s17 =	simm.s32 $0x200;
	s18 =	simm.s32 $0x400;
	s19 =	simm.s32 $0x2  }
0x7: {  	s20 =	simm.s32 $0x800;
	s21 =	simm.s32 $0x1;
	s22 =	simm.s32 $0xA0  }
0x8: {  	s23 =	simm.s32 $0x0;
	s7 =	sand.u32 $0x1, s4;
	s8 =	smul.u32 $0x1880, s1  }
0x9: {  	[smem:$0x7FF] =	sst s3;
	s4 =	sadd.s32 $0x2800, s5;
	s29 =	sshll.u32 s1, $0x6  }
0xa: {  	s9 =	smul.u32 $0x18800, s7;
	s10 =	sshll.u32 s7, $0x4;
	s7 =	ssub.s32 $0x2, s7  }
0xb: {  	_ =	strace $0x80000047;
	s10 =	sor.u32 s1, s10;
	s11 =	sshrl.u32 s7, $0x1  }
0xc: {  	s28 =	sshrl.u32 s8, $0x3;
	s15 =	sadd.s32 s8, s2;
	s9 =	sadd.s32 s8, s9  }
0xd: {  	s10 =	smul.u32 $0x186A0, s10;
	s14 =	ssub.s32 s7, s11;
	s9 =	sshrl.u32 s9, $0x3  }
0xe: {  	s7 =	sor.u32 $0x1C03, s29;
	s15 =	sshrl.u32 s15, $0x3;
	s13 =	sadd.s32 s9, s5  }
0xf: {  	s5 =	sadd.s32 s6, s28;
	s6 =	sadd.s32 $0x30D400, s10;
	s31 =	sshrl.u32 s10, $0x3  }
0x10: {  	s14 =	smax.u32 s14, $0x1;
	s30 =	sshrl.u32 s6, $0x3;
	s12 =	sadd.s32 s4, s31  }
0x11: {  	s13 =	sadd.s32 $0xC5E00, s13;
	s8 =	sadd.s32 s4, s30;
	s9 =	sadd.s32 $0x61AC0, s12  }
0x12: {  	v0 =	vimm.f32 $1.000000000e+00;
	s10 =	sadd.s32 $0x61B00, s12;
	s11 =	sadd.s32 $0x61B40, s12;
	s12 =	sadd.s32 $0x64B40, s12  }
.LBB2_1:
0x13: {  	[spmem:s15], [sflag:s7] =	dma.local [hbm:s5], $0x310  }
0x14: {  	_ =	swait.ge [sflag:s16], $0x310  }
0x15: {  	[sflag:s16] =	ssyncset.done $0x0  }
0x16: {  	[sflag:s16] =	ssyncadd.s32 $0xFFFFFCF0  }
0x17: {  	[tilespmem:$0x800] =	vst v0  }
0x18: {  	[tilespmem:$0x810] =	vst v0  }
0x19: {  	[tilespmem:$0x820] =	vst v0  }
0x1a: {  	[tilespmem:$0x830] =	vst v0  }
0x1b: {  	[tilespmem:$0x840] =	vst v0  }
0x1c: {  	[tilespmem:$0x850] =	vst v0  }
0x1d: {  	[tilespmem:$0x860] =	vst v0  }
0x1e: {  	[tilespmem:$0x870] =	vst v0  }
0x1f: {  	[tilespmem:$0x880] =	vst v0  }
0x20: {  	[tilespmem:$0x890] =	vst v0  }
0x21: {  	[tilespmem:$0x8A0] =	vst v0  }
0x22: {  	[tilespmem:$0x8B0] =	vst v0  }
0x23: {  	[tilespmem:$0x8C0] =	vst v0  }
0x24: {  	[tilespmem:$0x8D0] =	vst v0  }
0x25: {  	[tilespmem:$0x8E0] =	vst v0  }
0x26: {  	[tilespmem:$0x8F0] =	vst v0  }
0x27: {  	[tilespmem:$0x900] =	vst v0  }
0x28: {  	[tilespmem:$0x910] =	vst v0  }
0x29: {  	[tilespmem:$0x920] =	vst v0  }
0x2a: {  	[tilespmem:$0x930] =	vst v0  }
0x2b: {  	[tilespmem:$0x940] =	vst v0  }
0x2c: {  	[tilespmem:$0x950] =	vst v0  }
0x2d: {  	[tilespmem:$0x960] =	vst v0  }
0x2e: {  	[tilespmem:$0x970] =	vst v0  }
0x2f: {  	[tilespmem:$0x980] =	vst v0  }
0x30: {  	[tilespmem:$0x990] =	vst v0  }
0x31: {  	[tilespmem:$0x9A0] =	vst v0  }
0x32: {  	[tilespmem:$0x9B0] =	vst v0  }
0x33: {  	[tilespmem:$0x9C0] =	vst v0  }
0x34: {  	[tilespmem:$0x9D0] =	vst v0  }
0x35: {  	[tilespmem:$0x9E0] =	vst v0  }
0x36: {  	[tilespmem:$0x9F0] =	vst v0  }
0x37: {  	[bflag:$0x0] =	sbarrier.arrive $0xFFFF  }
0x38: {  	[tilespmem:s3], [sflag:$0x2] =	stream.linear.gather [hbm4b:s8+s3], $0x200, $0x38;
	[tilespmem:$0x2280] =	vst v63  }
0x39: {  	_ = 	snop  }
0x3a: {  	[tilespmem:s17], [sflag:$0x2] =	stream.linear.gather [hbm4b:s9+s3], $0x200, $0x38;
	[tilespmem:$0x2280] =	vst v63  }
0x3b: {  	_ = 	snop  }
0x3c: {  	[tilespmem:s18], [sflag:$0x2] =	stream.linear.gather [hbm4b:s10+s3], $0x200, $0x38;
	[tilespmem:$0x2280] =	vst v63  }
0x3d: {  	s25 =	simm.s32 $0x600  }
0x3e: {  	[tilespmem:s25], [sflag:$0x2] =	stream.linear.gather [hbm4b:s11+s3], $0x200, $0x38;
	[tilespmem:$0x2280] =	vst v63  }
0x3f: {  	_ =	swait.ge [sflag:s19], $0x200  }
0x40: {  	[sflag:s19] =	ssyncset.done $0x0  }
0x41: {  	[sflag:s19] =	ssyncadd.s32 $0xFFFFFE00  }
0x42: {  	[spmem:s2] =	stream.indirect.scatter.add.f32 [tilespmem:s20], [sflag:$0x1], $0x1, s3, s17, $0xb8;
	[tilespmem:$0x2280] =	vst v63  }
0x43: {  	_ =	swait.ge [sflag:s19], $0x200  }
0x44: {  	[sflag:s19] =	ssyncset.done $0x0  }
0x45: {  	[sflag:s19] =	ssyncadd.s32 $0xFFFFFE00  }
0x46: {  	[spmem:s2] =	stream.indirect.scatter.add.f32 [tilespmem:s20], [sflag:$0x1], $0x1, s17, s17, $0xb8;
	[tilespmem:$0x2280] =	vst v63  }
0x47: {  	_ =	swait.ge [sflag:s19], $0x200  }
0x48: {  	[sflag:s19] =	ssyncset.done $0x0  }
0x49: {  	[sflag:s19] =	ssyncadd.s32 $0xFFFFFE00  }
0x4a: {  	[spmem:s2] =	stream.indirect.scatter.add.f32 [tilespmem:s20], [sflag:$0x1], $0x1, s18, s17, $0xb8;
	[tilespmem:$0x2280] =	vst v63  }
0x4b: {  	s24 =	simm.s32 $0x4;
	_ =	swait.ge [sflag:s21], $0x200  }
0x4c: {  	s24 =	smin.u32 s24, $0xC2;
	[sflag:s21] =	ssyncset.done $0x0  }
0x4d: {  	s24 =	sshll.u32 s24, $0x9;
	[sflag:s21] =	ssyncadd.s32 $0xFFFFFE00  }
0x4e: {  	s26 =	sadd.s32 s24, s6;
	_ =	swait.ge [sflag:s19], $0x200  }
0x4f: {  	s26 =	sshrl.u32 s26, $0x3;
	[sflag:s19] =	ssyncset.done $0x0  }
0x50: {  	s24 =	sand.u32 $0x600, s24;
	s26 =	sadd.s32 s4, s26;
	[sflag:s19] =	ssyncadd.s32 $0xFFFFFE00  }
0x51: {  	[tilespmem:s24], [sflag:$0x2] =	stream.linear.gather [hbm4b:s26+s3], $0x200, $0x38;
	[tilespmem:$0x2280] =	vst v63  }
0x52: {  	s24 =	simm.s32 $0x800;
	s26 =	sand.u32 $0x600, s25;
	s25 =	simm.s32 $0x5  }
.LBB2_2:
0x53: {  	[spmem:s2] =	stream.indirect.scatter.add.f32 [tilespmem:s20], [sflag:$0x1], $0x1, s26, s17, $0xb8;
	[tilespmem:$0x2280] =	vst v63  }
0x54: {  	s26 =	smov.u32 s24  }
0x55: {  	p0 =	sne.s32 s24, $0x18400;
	s24 =	sadd.s32 $0x200, s24;
	_ =	swait.ge [sflag:s21], $0x200  }
0x56: {  	s28 =	smin.u32 s25, $0xC2;
	[sflag:s21] =	ssyncset.done $0x0  }
0x57: {  	s28 =	sshll.u32 s28, $0x9;
	[sflag:s21] =	ssyncadd.s32 $0xFFFFFE00  }
.Ltmp0:
0x58: {  	s29 =	sadd.s32 s28, s6;
	_ =	swait.ge [sflag:s19], $0x200;
	(pc) =	sbr.rel @p0 .LBB2_2-.Ltmp0, $4  }
0x59: {  	s29 =	sshrl.u32 s29, $0x3;
	[sflag:s19] =	ssyncset.done $0x0  }
0x5a: {  	s28 =	sand.u32 $0x600, s28;
	s29 =	sadd.s32 s4, s29;
	[sflag:s19] =	ssyncadd.s32 $0xFFFFFE00  }
0x5b: {  	[tilespmem:s28], [sflag:$0x2] =	stream.linear.gather [hbm4b:s29+s3], $0x200, $0x38;
	[tilespmem:$0x2280] =	vst v63  }
0x5c: {  	s25 =	sadd.s32 $0x1, s25;
	s26 =	sand.u32 $0x600, s26  }
0x5d: {  	[spmem:s2] =	stream.indirect.scatter.add.f32 [tilespmem:s20], [sflag:$0x1], $0x1, s26, s17, $0xb8;
	[tilespmem:$0x2280] =	vst v63  }
0x5e: {  	_ =	swait.ge [sflag:s21], $0x200  }
0x5f: {  	[sflag:s21] =	ssyncset.done $0x0  }
0x60: {  	[sflag:s21] =	ssyncadd.s32 $0xFFFFFE00  }
0x61: {  	_ =	swait.ge [sflag:s21], $0x200  }
0x62: {  	[sflag:s21] =	ssyncset.done $0x0  }
0x63: {  	[sflag:s21] =	ssyncadd.s32 $0xFFFFFE00  }
0x64: {  	_ =	swait.ge [sflag:s21], $0x200  }
0x65: {  	[sflag:s21] =	ssyncset.done $0x0  }
0x66: {  	[sflag:s21] =	ssyncadd.s32 $0xFFFFFE00  }
0x67: {  	_ =	swait.ge [sflag:s19], $0x200  }
0x68: {  	[sflag:s19] =	ssyncset.done $0x0  }
0x69: {  	[sflag:s19] =	ssyncadd.s32 $0xFFFFFE00  }
0x6a: {  	[tilespmem:s3], [sflag:$0x3] =	stream.linear.gather [hbm4b:s12+s3], $0xA0, $0x38;
	[tilespmem:$0x2280] =	vst v63  }
0x6b: {  	_ =	swait.ge [sflag:s16], $0xA0  }
0x6c: {  	[sflag:s16] =	ssyncset.done $0x0  }
0x6d: {  	[sflag:s16] =	ssyncadd.s32 $0xFFFFFF60  }
0x6e: {  	[spmem:s2] =	stream.indirect.scatter.add.f32 [tilespmem:s20], [sflag:$0x1], $0x1, s3, s22, $0xb8;
	[tilespmem:$0x2280] =	vst v63  }
0x6f: {  	_ =	swait.ge [sflag:s21], $0xA0  }
0x70: {  	s23 =	sadd.s32 $0x1, s23;
	[sflag:s21] =	ssyncset.done $0x0  }
0x71: {  	p0 =	sne.s32 s23, s14;
	[sflag:s21] =	ssyncadd.s32 $0xFFFFFF60  }
.Ltmp1:
0x72: {  	[bflag:$0x0] =	sbarrier.arrive $0xFFFF;
	(pc) =	sbr.rel @p0 .LBB2_1-.Ltmp1, $4  }
0x73: {  	[hbm:s13], [sflag:s7] =	dma.local [spmem:s15], $0x310  }
0x74: {  	_ =	swait.ge [sflag:s16], $0x310  }
0x75: {  	[sflag:s16] =	ssyncset.done $0x0  }
0x76: {  	[sflag:s16] =	ssyncadd.s32 $0xFFFFFCF0  }
0x77: {  	_ =	sfence.sel $0x180000  }
0x78: {  	[bflag:$0x0] =	sbarrier.arrive $0xFFFF  }
0x79: {  	p0 =	sne.s32 s1, $0x0;
	_ =	strace $0x90000047  }
0x7a: {  	s0 =	sadd.s32 @!p0 $0x100000, s0;
	[bflag:$0x2] =	sbarrier.arrive $0xFFFF  }
0x7b: {  	[sflag:s0] =	ssyncadd.tile.s32 @!p0 $0x1;
	_ =	shalt  }
.Lfunc_end2:
_tile_overlayer_lowered:
.L_overlay_start_2:
0x7c: {  	(tag) =	ssettag $0x2  }
0x7d: {  	s0 =	rddreg [dreg:$0x0];
	s2 =	stileid.u32  }
0x7e: {  	s1 =	rddreg [dreg:$0x1];
	p0 =	sne.s32 s2, $0x0  }
0x7f: {  	s3 =	rddreg [dreg:$0x2];
	[bflag:$0x3] =	sbarrier.arrive $0xFFFF;
	s2 =	simm.s32 @!p0 $0x1C03  }
0x80: {  	[timem:s3], [sflag:s2] =	dma.local @!p0 [hbm:s0], s1  }
0x81: {  	s0 =	simm.s32 @!p0 $0x3  }
0x82: {  	_ =	swait.ge @!p0 [sflag:s0], s1  }
0x83: {  	s1 =	ssub.s32 @!p0 $0x0, s1;
	[sflag:s0] =	ssyncset.done @!p0 $0x0  }
0x84: {  	[sflag:s0] =	ssyncadd.s32 @!p0 s1  }
0x85: {  	[bflag:$0x3] =	sbarrier.arrive $0xFFFF  }
0x86: {  	_ =	shalt  }

</sc_bundles>
